<compile_context>
chip_gen: v7x
topology: tpu7x:2x2x1
jax: 0.10.2.dev20260603
libtpu: 0.0.44.dev20260713+nightly
codegen_flags: <defaults>
</compile_context>

<pallas_src>
import jax
import jax.numpy as jnp
from jax.experimental import pallas as pl
from jax.experimental.pallas import tpu as pltpu

_DIM = 768
_NH = 12
_HD = 64
_E = 8
_HID = 256
_SH = 768
_EPS = 1e-05
_TL = 256
_TQ = 1024
_L = 2048
_BF = jnp.bfloat16
_LOG2E = 1.4426950408889634
_HP = 2 * _HD


def _rms(x, w):
    return x * jax.lax.rsqrt(jnp.mean(x * x, axis=-1, keepdims=True) + _EPS) * w


def _dot_t(a, b):
    return jax.lax.dot_general(a, b, (((1,), (1,)), ((), ())),
                               preferred_element_type=jnp.float32)


def _dot(a, b):
    return jax.lax.dot_general(a, b, (((1,), (0,)), ((), ())),
                               preferred_element_type=jnp.float32)


def _qkv_body(x_ref, n1_ref, wq_ref, wk_ref, wv_ref, cos_ref, sin_ref,
              q_ref, k_ref, v_ref, wq_s, wk_s, wv_s, wqr_s, wkr_s):
    @pl.when(pl.program_id(0) == 0)
    def _cast():
        wq_s[...] = wq_ref[...].astype(_BF)
        wk_s[...] = wk_ref[...].astype(_BF)
        wv_s[...] = wv_ref[...].astype(_BF)
        d = _HD // 2
        for hh in range(_NH):
            r0 = hh * _HD
            wqr_s[r0:r0 + d, :] = -wq_ref[r0 + d:r0 + _HD, :].astype(_BF)
            wqr_s[r0 + d:r0 + _HD, :] = wq_ref[r0:r0 + d, :].astype(_BF)
            wkr_s[r0:r0 + d, :] = -wk_ref[r0 + d:r0 + _HD, :].astype(_BF)
            wkr_s[r0 + d:r0 + _HD, :] = wk_ref[r0:r0 + d, :].astype(_BF)

    xn = _rms(x_ref[...], n1_ref[...]).astype(_BF)
    cos = cos_ref[...]
    sin = sin_ref[...]
    q = _dot_t(xn, wq_s[...]).astype(_BF)
    qr = _dot_t(xn, wqr_s[...]).astype(_BF)
    q_ref[...] = q * cos + qr * sin
    k = _dot_t(xn, wk_s[...]).astype(_BF)
    kr = _dot_t(xn, wkr_s[...]).astype(_BF)
    k_ref[...] = k * cos + kr * sin
    v_ref[...] = _dot_t(xn, wv_s[...]).astype(_BF)


def _attn_body(q_ref, k_ref, v_ref, o_ref):
    q2 = q_ref[...] * _BF(_HD ** -0.5 * _LOG2E)
    k2 = k_ref[...]
    v2 = v_ref[...]
    outs = []
    for jh in range(2):
        sl = slice(jh * _HD, (jh + 1) * _HD)
        s = _dot_t(q2[:, sl], k2[:, sl]).astype(_BF)
        m = jnp.max(s, axis=-1, keepdims=True)
        p = jax.lax.exp2(s - m)
        l = jnp.sum(p, axis=-1, keepdims=True).astype(jnp.float32)
        o = _dot(p, v2[:, sl])
        outs.append((o * (1.0 / l)).astype(_BF))
    o_ref[...] = jnp.concatenate(outs, axis=-1)


import functools
from jax import lax
from jax.experimental.pallas import tpu_sc as plsc

_NC = 2
_NS = 16
_NW = _NC * _NS
_CH = _L // _NW
_VL = 16


def _post_body(a_ref, x_ref, wo_ref, n2_ref, gw_ref, h_ref, hn_ref, lg_ref,
               wo_s):
    @pl.when(pl.program_id(0) == 0)
    def _cast():
        wo_s[...] = wo_ref[...].astype(_BF)

    h = x_ref[...] + _dot_t(a_ref[...], wo_s[...])
    h_ref[...] = h
    hn = _rms(h, n2_ref[...])
    hnb = hn.astype(_BF)
    hn_ref[...] = hnb
    lg_ref[...] = _dot_t(hnb, gw_ref[...].astype(_BF))


def _router_sc_body(lt_hbm, wd_hbm, in_s, out_s):
    wid = lax.axis_index("s") * _NC + lax.axis_index("c")
    base = wid * _CH
    for e in range(_E):
        pltpu.sync_copy(lt_hbm.at[e, pl.ds(base, _CH)], in_s.at[e])
    for j in range(_CH // _VL):
        sl = pl.ds(j * _VL, _VL)
        vals = [in_s[e, sl] for e in range(_E)]
        m1 = vals[0]
        a1 = jnp.zeros((_VL,), jnp.float32)
        for e in range(1, _E):
            upd = vals[e] > m1
            m1 = jnp.where(upd, vals[e], m1)
            a1 = jnp.where(upd, jnp.float32(e), a1)
        m2 = None
        a2 = None
        for e in range(_E):
            veff = jnp.where(a1 == jnp.float32(e),
                             jnp.full((_VL,), -1e30, jnp.float32), vals[e])
            if m2 is None:
                m2 = veff
                a2 = jnp.zeros((_VL,), jnp.float32)
            else:
                upd = veff > m2
                m2 = jnp.where(upd, veff, m2)
                a2 = jnp.where(upd, jnp.float32(e), a2)
        w1 = 1.0 / (1.0 + jnp.exp(m2 - m1))
        w2 = 1.0 - w1
        zero = jnp.zeros((_VL,), jnp.float32)
        for e in range(_E):
            fe = jnp.float32(e)
            out_s[e, sl] = (jnp.where(a1 == fe, w1, zero) +
                            jnp.where(a2 == fe, w2, zero))
    for e in range(_E):
        pltpu.sync_copy(out_s.at[e], wd_hbm.at[e, pl.ds(base, _CH)])


def _moe_body(h_ref, hn_ref, wdt_ref, s1_ref, s2_ref, f1_ref, s3_ref,
              f2_ref, o_ref, s1_s, s2_s, f1_s, s3_s, f2_s):
    @pl.when(pl.program_id(0) == 0)
    def _cast():
        s1_s[...] = s1_ref[...].astype(_BF)
        s2_s[...] = s2_ref[...].astype(_BF)
        f1_s[...] = f1_ref[...].astype(_BF)
        s3_s[...] = s3_ref[...].astype(_BF)
        f2_s[...] = f2_ref[...].astype(_BF)

    h = h_ref[...]
    hnb = hn_ref[...]
    wdt = wdt_ref[...].astype(_BF)
    lane_e = jax.lax.broadcasted_iota(jnp.int32, (_E, _E * _HID), 1) // _HID
    row_e = jax.lax.broadcasted_iota(jnp.int32, (_E, _E * _HID), 0)
    rmat = (lane_e == row_e).astype(_BF)
    wexp = jax.lax.dot_general(wdt, rmat, (((0,), (0,)), ((), ())),
                               preferred_element_type=jnp.float32).astype(_BF)
    g = (jax.nn.silu(_dot_t(hnb, s1_s[...])) *
         _dot_t(hnb, s2_s[...])).astype(_BF)
    acc = h + _dot_t(g, s3_s[...])
    he = (jax.nn.silu(_dot_t(hnb, f1_s[...])) * wexp).astype(_BF)
    for e in range(_E):
        acc = acc + _dot_t(he[:, e * _HID:(e + 1) * _HID], f2_s[e])
    o_ref[...] = acc


def kernel(x, wq, wk, wv, wo, norm1_w, norm2_w, gate_w, fc1_w, fc2_w,
           sh1_w, sh2_w, sh3_w):
    B, L, D = x.shape
    xf = x.reshape(L, D)
    NQ = L // _TL
    n1 = norm1_w.reshape(1, D)
    n2 = norm2_w.reshape(1, D)
    fc1c = fc1_w.reshape(_E * _HID, D)

    inv = 1.0 / (10000.0 ** (jnp.arange(0, 64, 2, dtype=jnp.float32) / 64))
    t = jnp.arange(L, dtype=jnp.float32)
    freqs = jnp.outer(t, inv)
    emb = jnp.concatenate([freqs, freqs], axis=-1)
    cos = jnp.tile(jnp.cos(emb), (1, _NH)).astype(_BF)
    sin = jnp.tile(jnp.sin(emb), (1, _NH)).astype(_BF)

    q, k, v = pl.pallas_call(
        _qkv_body,
        grid=(NQ,),
        in_specs=[
            pl.BlockSpec((_TL, D), lambda i: (i, 0)),
            pl.BlockSpec((1, D), lambda i: (0, 0)),
            pl.BlockSpec((D, D), lambda i: (0, 0)),
            pl.BlockSpec((D, D), lambda i: (0, 0)),
            pl.BlockSpec((D, D), lambda i: (0, 0)),
            pl.BlockSpec((_TL, D), lambda i: (i, 0)),
            pl.BlockSpec((_TL, D), lambda i: (i, 0)),
        ],
        out_specs=[pl.BlockSpec((_TL, D), lambda i: (i, 0))] * 3,
        out_shape=[jax.ShapeDtypeStruct((L, D), _BF)] * 3,
        scratch_shapes=[pltpu.VMEM((D, D), _BF)] * 5,
    )(xf, n1, wq, wk, wv, cos, sin)

    HP = _HP
    a = pl.pallas_call(
        _attn_body,
        grid=(_NH // 2, L // _TQ),
        in_specs=[
            pl.BlockSpec((_TQ, HP), lambda h, i: (i, h)),
            pl.BlockSpec((L, HP), lambda h, i: (0, h)),
            pl.BlockSpec((L, HP), lambda h, i: (0, h)),
        ],
        out_specs=pl.BlockSpec((_TQ, HP), lambda h, i: (i, h)),
        out_shape=jax.ShapeDtypeStruct((L, D), _BF),
    )(q, k, v)

    h, hnb, logits = pl.pallas_call(
        _post_body,
        grid=(NQ,),
        in_specs=[
            pl.BlockSpec((_TL, D), lambda i: (i, 0)),
            pl.BlockSpec((_TL, D), lambda i: (i, 0)),
            pl.BlockSpec((D, D), lambda i: (0, 0)),
            pl.BlockSpec((1, D), lambda i: (0, 0)),
            pl.BlockSpec((_E, D), lambda i: (0, 0)),
        ],
        out_specs=[
            pl.BlockSpec((_TL, D), lambda i: (i, 0)),
            pl.BlockSpec((_TL, D), lambda i: (i, 0)),
            pl.BlockSpec((_TL, _E), lambda i: (i, 0)),
        ],
        out_shape=[
            jax.ShapeDtypeStruct((L, D), jnp.float32),
            jax.ShapeDtypeStruct((L, D), _BF),
            jax.ShapeDtypeStruct((L, _E), jnp.float32),
        ],
        scratch_shapes=[pltpu.VMEM((D, D), _BF)],
    )(a, xf, wo, n2, gate_w)

    lt = logits.T

    mesh = plsc.VectorSubcoreMesh(core_axis_name="c", subcore_axis_name="s")
    wdt = functools.partial(
        pl.kernel, mesh=mesh,
        out_type=jax.ShapeDtypeStruct((_E, _L), jnp.float32),
        scratch_types=[
            pltpu.VMEM((_E, _CH), jnp.float32),
            pltpu.VMEM((_E, _CH), jnp.float32),
        ],
    )(_router_sc_body)(lt)

    out = pl.pallas_call(
        _moe_body,
        grid=(NQ,),
        in_specs=[
            pl.BlockSpec((_TL, D), lambda i: (i, 0)),
            pl.BlockSpec((_TL, D), lambda i: (i, 0)),
            pl.BlockSpec((_E, _TL), lambda i: (0, i)),
            pl.BlockSpec((_SH, D), lambda i: (0, 0)),
            pl.BlockSpec((_SH, D), lambda i: (0, 0)),
            pl.BlockSpec((_E * _HID, D), lambda i: (0, 0)),
            pl.BlockSpec((D, _SH), lambda i: (0, 0)),
            pl.BlockSpec((_E, D, _HID), lambda i: (0, 0, 0)),
        ],
        out_specs=pl.BlockSpec((_TL, D), lambda i: (i, 0)),
        out_shape=jax.ShapeDtypeStruct((L, D), jnp.float32),
        scratch_shapes=[
            pltpu.VMEM((_SH, D), _BF),
            pltpu.VMEM((_SH, D), _BF),
            pltpu.VMEM((_E * _HID, D), _BF),
            pltpu.VMEM((D, _SH), _BF),
            pltpu.VMEM((_E, D, _HID), _BF),
        ],
    )(h, hnb, wdt, sh1_w, sh2_w, fc1c, sh3_w, fc2_w)

    return out.reshape(B, L, D)

# --- scband reference (transcript-rebuilt; emitter-appended) ---
"""Pipeline reference for scband-transformer-block-74371653697644 (READ-ONLY COPY).

The authoritative reference and input builder live on the scoring server;
editing this copy changes nothing except your own understanding.
"""

import jax, jax.numpy as jnp
import numpy as np

DIM = 768
NH = 12
HD = DIM // NH
E = 8
TOPK = 2
HID = 256
SH = 768
EPS = 1e-05
B = 1
L = 2048


def setup_inputs(seed: int = 0):
    key = jax.random.key(seed)
    ks = jax.random.split(key, 12)
    s = 0.02
    return {
        "x": jax.random.normal(ks[0], (B, L, DIM), dtype=jnp.float32),
        "wq": jax.random.normal(ks[1], (DIM, DIM), dtype=jnp.float32) * s,
        "wk": jax.random.normal(ks[2], (DIM, DIM), dtype=jnp.float32) * s,
        "wv": jax.random.normal(ks[3], (DIM, DIM), dtype=jnp.float32) * s,
        "wo": jax.random.normal(ks[4], (DIM, DIM), dtype=jnp.float32) * s,
        "norm1_w": jnp.ones((DIM,), dtype=jnp.float32),
        "norm2_w": jnp.ones((DIM,), dtype=jnp.float32),
        "gate_w": jax.random.normal(ks[5], (E, DIM), dtype=jnp.float32) * s,
        "fc1_w": jax.random.normal(ks[6], (E, HID, DIM), dtype=jnp.float32) * s,
        "fc2_w": jax.random.normal(ks[7], (E, DIM, HID), dtype=jnp.float32) * s,
        "sh1_w": jax.random.normal(ks[8], (SH, DIM), dtype=jnp.float32) * s,
        "sh2_w": jax.random.normal(ks[9], (SH, DIM), dtype=jnp.float32) * s,
        "sh3_w": jax.random.normal(ks[10], (DIM, SH), dtype=jnp.float32) * s,
    }


def _rmsnorm(x, w):
    return x * jax.lax.rsqrt(jnp.mean(x * x, axis=-1, keepdims=True) + EPS) * w


def _rope(x):
    L_ = x.shape[2]
    inv = 1.0 / (10000.0 ** (jnp.arange(0, HD, 2, dtype=jnp.float32) / HD))
    t = jnp.arange(L_, dtype=jnp.float32)
    freqs = jnp.outer(t, inv)
    emb = jnp.concatenate([freqs, freqs], axis=-1)
    cos = jnp.cos(emb)[None, None, :, :]
    sin = jnp.sin(emb)[None, None, :, :]
    d = HD // 2
    x1 = x[..., :d]
    x2 = x[..., d:]
    return jnp.concatenate([-x2 * sin[..., :d] + x1 * cos[..., :d],
                            x1 * sin[..., :d] + x2 * cos[..., :d]], axis=-1)


def _attention(x, wq, wk, wv, wo):
    Bx, Lx, D = x.shape
    q = (x @ wq.T).reshape(Bx, Lx, NH, HD).transpose(0, 2, 1, 3)
    k = (x @ wk.T).reshape(Bx, Lx, NH, HD).transpose(0, 2, 1, 3)
    v = (x @ wv.T).reshape(Bx, Lx, NH, HD).transpose(0, 2, 1, 3)
    q = _rope(q)
    k = _rope(k)
    scores = (q @ k.transpose(0, 1, 3, 2)) * (HD ** -0.5)
    probs = jax.nn.softmax(scores, axis=-1)
    out = (probs @ v).transpose(0, 2, 1, 3).reshape(Bx, Lx, D)
    return out @ wo.T


def _moe(x, gate_w, fc1_w, fc2_w, sh1_w, sh2_w, sh3_w):
    Bx, Lx, D = x.shape
    shared = (jax.nn.silu(x @ sh1_w.T) * (x @ sh2_w.T)) @ sh3_w.T
    logits = x @ gate_w.T
    weights, indices = jax.lax.top_k(logits, TOPK)
    weights = jax.nn.softmax(weights, axis=-1)
    xf = x.reshape(-1, D)
    idx = indices.reshape(-1, TOPK)
    wts = weights.reshape(-1, TOPK)
    # per-token expert MLP: compute per-expert candidates then gather the
    # selected expert's row (numerically identical to W[idx] bmm in torch)
    h_all = jnp.einsum('td,ehd->teh', xf, fc1_w)
    out = jnp.zeros_like(xf)
    for kk in range(TOPK):
        eidx = idx[:, kk]
        h = jnp.take_along_axis(h_all, eidx[:, None, None], axis=1)[:, 0, :]
        h = jax.nn.silu(h)
        o_all = jnp.einsum('th,edh->ted', h, fc2_w)
        o = jnp.take_along_axis(o_all, eidx[:, None, None], axis=1)[:, 0, :]
        out = out + o * wts[:, kk:kk + 1]
    return out.reshape(Bx, Lx, D) + shared


def reference(x, wq, wk, wv, wo, norm1_w, norm2_w, gate_w, fc1_w, fc2_w, sh1_w, sh2_w, sh3_w):
    h = x + _attention(_rmsnorm(x, norm1_w), wq, wk, wv, wo)
    h = h + _moe(_rmsnorm(h, norm2_w), gate_w, fc1_w, fc2_w, sh1_w, sh2_w, sh3_w)
    return h

if __name__ == "__main__":
    import jax
    _d = setup_inputs()
    print(jax.jit(kernel)(*tuple(_d.values())))

</pallas_src>

<mosaic_0001>
#map = affine_map<(d0, d1) -> (0, 0)>
module attributes {stable_mosaic.version = 14 : i64} {
  func.func @_router_sc_body(%arg0: i32, %arg1: i32, %arg2: memref<8x2048xf32, #tpu.memory_space<hbm>>, %arg3: memref<8x2048xf32, #tpu.memory_space<hbm>>, %arg4: memref<8x64xf32, #tpu.memory_space<vmem>>, %arg5: memref<8x64xf32, #tpu.memory_space<vmem>>) attributes {dimension_semantics = [#tpu.dimension_semantics<core_parallel>, #tpu.dimension_semantics<subcore_parallel>], iteration_bounds = array<i64: 2, 16>, scalar_prefetch = 0 : i64, scratch_operands = 2 : i64, tpu.core_type = #tpu.core_type<sc_vector_subcore>, window_params = [{transform_indices = #map}, {transform_indices = #map}]} {
    %mul3A = arith.constant 2 : i32
    %mul3A_0 = arith.muli %arg1, %mul3A : i32
    %add3A = arith.addi %mul3A_0, %arg0 : i32
    %mul3A_1 = arith.constant 64 : i32
    %mul3A_2 = arith.muli %add3A, %mul3A_1 : i32
    %run_scoped3A = arith.constant 0 : i32
    %run_scoped3A_3 = arith.constant 0 : i32
    "tpu.region"() ({
      %run_scoped3A_1204 = tpu.sem_alloc : memref<!tpu.dma_semaphore, #tpu.memory_space<semaphore_mem>>
      %dma_start3A = arith.constant 0 : i32
      %dma_start3A_1205 = tpu.memref_slice %arg4[%run_scoped3A_3, %dma_start3A] : memref<8x64xf32, #tpu.memory_space<vmem>> -> memref<1x64xf32, #tpu.memory_space<vmem>>
      %dma_start3A_1206 = tpu.memref_squeeze %dma_start3A_1205 : memref<1x64xf32, #tpu.memory_space<vmem>> -> memref<64xf32, #tpu.memory_space<vmem>>
      %dma_start3A_1207 = tpu.memref_slice %arg2[%run_scoped3A, %mul3A_2] : memref<8x2048xf32, #tpu.memory_space<hbm>> -> memref<1x64xf32, #tpu.memory_space<hbm>>
      %dma_start3A_1208 = tpu.memref_squeeze %dma_start3A_1207 : memref<1x64xf32, #tpu.memory_space<hbm>> -> memref<64xf32, #tpu.memory_space<hbm>>
      %dma_start3A_1209 = arith.constant 0 : i32
      %dma_start3A_1210 = tpu.memref_slice %arg4[%run_scoped3A_3, %dma_start3A_1209] : memref<8x64xf32, #tpu.memory_space<vmem>> -> memref<1x64xf32, #tpu.memory_space<vmem>>
      %dma_start3A_1211 = tpu.memref_squeeze %dma_start3A_1210 : memref<1x64xf32, #tpu.memory_space<vmem>> -> memref<64xf32, #tpu.memory_space<vmem>>
      %dma_start3A_1212 = tpu.memref_slice %arg2[%run_scoped3A, %mul3A_2] : memref<8x2048xf32, #tpu.memory_space<hbm>> -> memref<1x64xf32, #tpu.memory_space<hbm>>
      %dma_start3A_1213 = tpu.memref_squeeze %dma_start3A_1212 : memref<1x64xf32, #tpu.memory_space<hbm>> -> memref<64xf32, #tpu.memory_space<hbm>>
      tpu.enqueue_dma source(%dma_start3A_1213 : memref<64xf32, #tpu.memory_space<hbm>>) target(%dma_start3A_1211 : memref<64xf32, #tpu.memory_space<vmem>>) target_semaphore(%run_scoped3A_1204 : memref<!tpu.dma_semaphore, #tpu.memory_space<semaphore_mem>>)
      %dma_wait3A = arith.constant 0 : i32
      %dma_wait3A_1214 = tpu.memref_slice %arg4[%run_scoped3A_3, %dma_wait3A] : memref<8x64xf32, #tpu.memory_space<vmem>> -> memref<1x64xf32, #tpu.memory_space<vmem>>
      %dma_wait3A_1215 = tpu.memref_squeeze %dma_wait3A_1214 : memref<1x64xf32, #tpu.memory_space<vmem>> -> memref<64xf32, #tpu.memory_space<vmem>>
      %dma_wait3A_1216 = tpu.memref_slice %arg2[%run_scoped3A, %mul3A_2] : memref<8x2048xf32, #tpu.memory_space<hbm>> -> memref<1x64xf32, #tpu.memory_space<hbm>>
      %dma_wait3A_1217 = tpu.memref_squeeze %dma_wait3A_1216 : memref<1x64xf32, #tpu.memory_space<hbm>> -> memref<64xf32, #tpu.memory_space<hbm>>
      %dma_wait3A_1218 = arith.constant 0 : i32
      %dma_wait3A_1219 = tpu.memref_slice %arg4[%run_scoped3A_3, %dma_wait3A_1218] : memref<8x64xf32, #tpu.memory_space<vmem>> -> memref<1x64xf32, #tpu.memory_space<vmem>>
      %dma_wait3A_1220 = tpu.memref_squeeze %dma_wait3A_1219 : memref<1x64xf32, #tpu.memory_space<vmem>> -> memref<64xf32, #tpu.memory_space<vmem>>
      %dma_wait3A_1221 = tpu.memref_slice %arg2[%run_scoped3A, %mul3A_2] : memref<8x2048xf32, #tpu.memory_space<hbm>> -> memref<1x64xf32, #tpu.memory_space<hbm>>
      %dma_wait3A_1222 = tpu.memref_squeeze %dma_wait3A_1221 : memref<1x64xf32, #tpu.memory_space<hbm>> -> memref<64xf32, #tpu.memory_space<hbm>>
      tpu.wait_dma2 semaphore(%run_scoped3A_1204 : memref<!tpu.dma_semaphore, #tpu.memory_space<semaphore_mem>>) src(%dma_wait3A_1222 : memref<64xf32, #tpu.memory_space<hbm>>) dst(%dma_wait3A_1220 : memref<64xf32, #tpu.memory_space<vmem>>)
      tpu.yield
    }) : () -> ()
    %run_scoped3A_4 = arith.constant 1 : i32
    %run_scoped3A_5 = arith.constant 1 : i32
    "tpu.region"() ({
      %run_scoped3A_1204 = tpu.sem_alloc : memref<!tpu.dma_semaphore, #tpu.memory_space<semaphore_mem>>
      %dma_start3A = arith.constant 0 : i32
      %dma_start3A_1205 = tpu.memref_slice %arg4[%run_scoped3A_5, %dma_start3A] : memref<8x64xf32, #tpu.memory_space<vmem>> -> memref<1x64xf32, #tpu.memory_space<vmem>>
      %dma_start3A_1206 = tpu.memref_squeeze %dma_start3A_1205 : memref<1x64xf32, #tpu.memory_space<vmem>> -> memref<64xf32, #tpu.memory_space<vmem>>
      %dma_start3A_1207 = tpu.memref_slice %arg2[%run_scoped3A_4, %mul3A_2] : memref<8x2048xf32, #tpu.memory_space<hbm>> -> memref<1x64xf32, #tpu.memory_space<hbm>>
      %dma_start3A_1208 = tpu.memref_squeeze %dma_start3A_1207 : memref<1x64xf32, #tpu.memory_space<hbm>> -> memref<64xf32, #tpu.memory_space<hbm>>
      %dma_start3A_1209 = arith.constant 0 : i32
      %dma_start3A_1210 = tpu.memref_slice %arg4[%run_scoped3A_5, %dma_start3A_1209] : memref<8x64xf32, #tpu.memory_space<vmem>> -> memref<1x64xf32, #tpu.memory_space<vmem>>
      %dma_start3A_1211 = tpu.memref_squeeze %dma_start3A_1210 : memref<1x64xf32, #tpu.memory_space<vmem>> -> memref<64xf32, #tpu.memory_space<vmem>>
      %dma_start3A_1212 = tpu.memref_slice %arg2[%run_scoped3A_4, %mul3A_2] : memref<8x2048xf32, #tpu.memory_space<hbm>> -> memref<1x64xf32, #tpu.memory_space<hbm>>
      %dma_start3A_1213 = tpu.memref_squeeze %dma_start3A_1212 : memref<1x64xf32, #tpu.memory_space<hbm>> -> memref<64xf32, #tpu.memory_space<hbm>>
      tpu.enqueue_dma source(%dma_start3A_1213 : memref<64xf32, #tpu.memory_space<hbm>>) target(%dma_start3A_1211 : memref<64xf32, #tpu.memory_space<vmem>>) target_semaphore(%run_scoped3A_1204 : memref<!tpu.dma_semaphore, #tpu.memory_space<semaphore_mem>>)
      %dma_wait3A = arith.constant 0 : i32
      %dma_wait3A_1214 = tpu.memref_slice %arg4[%run_scoped3A_5, %dma_wait3A] : memref<8x64xf32, #tpu.memory_space<vmem>> -> memref<1x64xf32, #tpu.memory_space<vmem>>
      %dma_wait3A_1215 = tpu.memref_squeeze %dma_wait3A_1214 : memref<1x64xf32, #tpu.memory_space<vmem>> -> memref<64xf32, #tpu.memory_space<vmem>>
      %dma_wait3A_1216 = tpu.memref_slice %arg2[%run_scoped3A_4, %mul3A_2] : memref<8x2048xf32, #tpu.memory_space<hbm>> -> memref<1x64xf32, #tpu.memory_space<hbm>>
      %dma_wait3A_1217 = tpu.memref_squeeze %dma_wait3A_1216 : memref<1x64xf32, #tpu.memory_space<hbm>> -> memref<64xf32, #tpu.memory_space<hbm>>
      %dma_wait3A_1218 = arith.constant 0 : i32
      %dma_wait3A_1219 = tpu.memref_slice %arg4[%run_scoped3A_5, %dma_wait3A_1218] : memref<8x64xf32, #tpu.memory_space<vmem>> -> memref<1x64xf32, #tpu.memory_space<vmem>>
      %dma_wait3A_1220 = tpu.memref_squeeze %dma_wait3A_1219 : memref<1x64xf32, #tpu.memory_space<vmem>> -> memref<64xf32, #tpu.memory_space<vmem>>
      %dma_wait3A_1221 = tpu.memref_slice %arg2[%run_scoped3A_4, %mul3A_2] : memref<8x2048xf32, #tpu.memory_space<hbm>> -> memref<1x64xf32, #tpu.memory_space<hbm>>
      %dma_wait3A_1222 = tpu.memref_squeeze %dma_wait3A_1221 : memref<1x64xf32, #tpu.memory_space<hbm>> -> memref<64xf32, #tpu.memory_space<hbm>>
      tpu.wait_dma2 semaphore(%run_scoped3A_1204 : memref<!tpu.dma_semaphore, #tpu.memory_space<semaphore_mem>>) src(%dma_wait3A_1222 : memref<64xf32, #tpu.memory_space<hbm>>) dst(%dma_wait3A_1220 : memref<64xf32, #tpu.memory_space<vmem>>)
      tpu.yield
    }) : () -> ()
    %run_scoped3A_6 = arith.constant 2 : i32
    %run_scoped3A_7 = arith.constant 2 : i32
    "tpu.region"() ({
      %run_scoped3A_1204 = tpu.sem_alloc : memref<!tpu.dma_semaphore, #tpu.memory_space<semaphore_mem>>
      %dma_start3A = arith.constant 0 : i32
      %dma_start3A_1205 = tpu.memref_slice %arg4[%run_scoped3A_7, %dma_start3A] : memref<8x64xf32, #tpu.memory_space<vmem>> -> memref<1x64xf32, #tpu.memory_space<vmem>>
      %dma_start3A_1206 = tpu.memref_squeeze %dma_start3A_1205 : memref<1x64xf32, #tpu.memory_space<vmem>> -> memref<64xf32, #tpu.memory_space<vmem>>
      %dma_start3A_1207 = tpu.memref_slice %arg2[%run_scoped3A_6, %mul3A_2] : memref<8x2048xf32, #tpu.memory_space<hbm>> -> memref<1x64xf32, #tpu.memory_space<hbm>>
      %dma_start3A_1208 = tpu.memref_squeeze %dma_start3A_1207 : memref<1x64xf32, #tpu.memory_space<hbm>> -> memref<64xf32, #tpu.memory_space<hbm>>
      %dma_start3A_1209 = arith.constant 0 : i32
      %dma_start3A_1210 = tpu.memref_slice %arg4[%run_scoped3A_7, %dma_start3A_1209] : memref<8x64xf32, #tpu.memory_space<vmem>> -> memref<1x64xf32, #tpu.memory_space<vmem>>
      %dma_start3A_1211 = tpu.memref_squeeze %dma_start3A_1210 : memref<1x64xf32, #tpu.memory_space<vmem>> -> memref<64xf32, #tpu.memory_space<vmem>>
      %dma_start3A_1212 = tpu.memref_slice %arg2[%run_scoped3A_6, %mul3A_2] : memref<8x2048xf32, #tpu.memory_space<hbm>> -> memref<1x64xf32, #tpu.memory_space<hbm>>
      %dma_start3A_1213 = tpu.memref_squeeze %dma_start3A_1212 : memref<1x64xf32, #tpu.memory_space<hbm>> -> memref<64xf32, #tpu.memory_space<hbm>>
      tpu.enqueue_dma source(%dma_start3A_1213 : memref<64xf32, #tpu.memory_space<hbm>>) target(%dma_start3A_1211 : memref<64xf32, #tpu.memory_space<vmem>>) target_semaphore(%run_scoped3A_1204 : memref<!tpu.dma_semaphore, #tpu.memory_space<semaphore_mem>>)
      %dma_wait3A = arith.constant 0 : i32
      %dma_wait3A_1214 = tpu.memref_slice %arg4[%run_scoped3A_7, %dma_wait3A] : memref<8x64xf32, #tpu.memory_space<vmem>> -> memref<1x64xf32, #tpu.memory_space<vmem>>
      %dma_wait3A_1215 = tpu.memref_squeeze %dma_wait3A_1214 : memref<1x64xf32, #tpu.memory_space<vmem>> -> memref<64xf32, #tpu.memory_space<vmem>>
      %dma_wait3A_1216 = tpu.memref_slice %arg2[%run_scoped3A_6, %mul3A_2] : memref<8x2048xf32, #tpu.memory_space<hbm>> -> memref<1x64xf32, #tpu.memory_space<hbm>>
      %dma_wait3A_1217 = tpu.memref_squeeze %dma_wait3A_1216 : memref<1x64xf32, #tpu.memory_space<hbm>> -> memref<64xf32, #tpu.memory_space<hbm>>
      %dma_wait3A_1218 = arith.constant 0 : i32
      %dma_wait3A_1219 = tpu.memref_slice %arg4[%run_scoped3A_7, %dma_wait3A_1218] : memref<8x64xf32, #tpu.memory_space<vmem>> -> memref<1x64xf32, #tpu.memory_space<vmem>>
      %dma_wait3A_1220 = tpu.memref_squeeze %dma_wait3A_1219 : memref<1x64xf32, #tpu.memory_space<vmem>> -> memref<64xf32, #tpu.memory_space<vmem>>
      %dma_wait3A_1221 = tpu.memref_slice %arg2[%run_scoped3A_6, %mul3A_2] : memref<8x2048xf32, #tpu.memory_space<hbm>> -> memref<1x64xf32, #tpu.memory_space<hbm>>
      %dma_wait3A_1222 = tpu.memref_squeeze %dma_wait3A_1221 : memref<1x64xf32, #tpu.memory_space<hbm>> -> memref<64xf32, #tpu.memory_space<hbm>>
      tpu.wait_dma2 semaphore(%run_scoped3A_1204 : memref<!tpu.dma_semaphore, #tpu.memory_space<semaphore_mem>>) src(%dma_wait3A_1222 : memref<64xf32, #tpu.memory_space<hbm>>) dst(%dma_wait3A_1220 : memref<64xf32, #tpu.memory_space<vmem>>)
      tpu.yield
    }) : () -> ()
    %run_scoped3A_8 = arith.constant 3 : i32
    %run_scoped3A_9 = arith.constant 3 : i32
    "tpu.region"() ({
      %run_scoped3A_1204 = tpu.sem_alloc : memref<!tpu.dma_semaphore, #tpu.memory_space<semaphore_mem>>
      %dma_start3A = arith.constant 0 : i32
      %dma_start3A_1205 = tpu.memref_slice %arg4[%run_scoped3A_9, %dma_start3A] : memref<8x64xf32, #tpu.memory_space<vmem>> -> memref<1x64xf32, #tpu.memory_space<vmem>>
      %dma_start3A_1206 = tpu.memref_squeeze %dma_start3A_1205 : memref<1x64xf32, #tpu.memory_space<vmem>> -> memref<64xf32, #tpu.memory_space<vmem>>
      %dma_start3A_1207 = tpu.memref_slice %arg2[%run_scoped3A_8, %mul3A_2] : memref<8x2048xf32, #tpu.memory_space<hbm>> -> memref<1x64xf32, #tpu.memory_space<hbm>>
      %dma_start3A_1208 = tpu.memref_squeeze %dma_start3A_1207 : memref<1x64xf32, #tpu.memory_space<hbm>> -> memref<64xf32, #tpu.memory_space<hbm>>
      %dma_start3A_1209 = arith.constant 0 : i32
      %dma_start3A_1210 = tpu.memref_slice %arg4[%run_scoped3A_9, %dma_start3A_1209] : memref<8x64xf32, #tpu.memory_space<vmem>> -> memref<1x64xf32, #tpu.memory_space<vmem>>
      %dma_start3A_1211 = tpu.memref_squeeze %dma_start3A_1210 : memref<1x64xf32, #tpu.memory_space<vmem>> -> memref<64xf32, #tpu.memory_space<vmem>>
      %dma_start3A_1212 = tpu.memref_slice %arg2[%run_scoped3A_8, %mul3A_2] : memref<8x2048xf32, #tpu.memory_space<hbm>> -> memref<1x64xf32, #tpu.memory_space<hbm>>
      %dma_start3A_1213 = tpu.memref_squeeze %dma_start3A_1212 : memref<1x64xf32, #tpu.memory_space<hbm>> -> memref<64xf32, #tpu.memory_space<hbm>>
      tpu.enqueue_dma source(%dma_start3A_1213 : memref<64xf32, #tpu.memory_space<hbm>>) target(%dma_start3A_1211 : memref<64xf32, #tpu.memory_space<vmem>>) target_semaphore(%run_scoped3A_1204 : memref<!tpu.dma_semaphore, #tpu.memory_space<semaphore_mem>>)
      %dma_wait3A = arith.constant 0 : i32
      %dma_wait3A_1214 = tpu.memref_slice %arg4[%run_scoped3A_9, %dma_wait3A] : memref<8x64xf32, #tpu.memory_space<vmem>> -> memref<1x64xf32, #tpu.memory_space<vmem>>
      %dma_wait3A_1215 = tpu.memref_squeeze %dma_wait3A_1214 : memref<1x64xf32, #tpu.memory_space<vmem>> -> memref<64xf32, #tpu.memory_space<vmem>>
      %dma_wait3A_1216 = tpu.memref_slice %arg2[%run_scoped3A_8, %mul3A_2] : memref<8x2048xf32, #tpu.memory_space<hbm>> -> memref<1x64xf32, #tpu.memory_space<hbm>>
      %dma_wait3A_1217 = tpu.memref_squeeze %dma_wait3A_1216 : memref<1x64xf32, #tpu.memory_space<hbm>> -> memref<64xf32, #tpu.memory_space<hbm>>
      %dma_wait3A_1218 = arith.constant 0 : i32
      %dma_wait3A_1219 = tpu.memref_slice %arg4[%run_scoped3A_9, %dma_wait3A_1218] : memref<8x64xf32, #tpu.memory_space<vmem>> -> memref<1x64xf32, #tpu.memory_space<vmem>>
      %dma_wait3A_1220 = tpu.memref_squeeze %dma_wait3A_1219 : memref<1x64xf32, #tpu.memory_space<vmem>> -> memref<64xf32, #tpu.memory_space<vmem>>
      %dma_wait3A_1221 = tpu.memref_slice %arg2[%run_scoped3A_8, %mul3A_2] : memref<8x2048xf32, #tpu.memory_space<hbm>> -> memref<1x64xf32, #tpu.memory_space<hbm>>
      %dma_wait3A_1222 = tpu.memref_squeeze %dma_wait3A_1221 : memref<1x64xf32, #tpu.memory_space<hbm>> -> memref<64xf32, #tpu.memory_space<hbm>>
      tpu.wait_dma2 semaphore(%run_scoped3A_1204 : memref<!tpu.dma_semaphore, #tpu.memory_space<semaphore_mem>>) src(%dma_wait3A_1222 : memref<64xf32, #tpu.memory_space<hbm>>) dst(%dma_wait3A_1220 : memref<64xf32, #tpu.memory_space<vmem>>)
      tpu.yield
    }) : () -> ()
    %run_scoped3A_10 = arith.constant 4 : i32
    %run_scoped3A_11 = arith.constant 4 : i32
    "tpu.region"() ({
      %run_scoped3A_1204 = tpu.sem_alloc : memref<!tpu.dma_semaphore, #tpu.memory_space<semaphore_mem>>
      %dma_start3A = arith.constant 0 : i32
      %dma_start3A_1205 = tpu.memref_slice %arg4[%run_scoped3A_11, %dma_start3A] : memref<8x64xf32, #tpu.memory_space<vmem>> -> memref<1x64xf32, #tpu.memory_space<vmem>>
      %dma_start3A_1206 = tpu.memref_squeeze %dma_start3A_1205 : memref<1x64xf32, #tpu.memory_space<vmem>> -> memref<64xf32, #tpu.memory_space<vmem>>
      %dma_start3A_1207 = tpu.memref_slice %arg2[%run_scoped3A_10, %mul3A_2] : memref<8x2048xf32, #tpu.memory_space<hbm>> -> memref<1x64xf32, #tpu.memory_space<hbm>>
      %dma_start3A_1208 = tpu.memref_squeeze %dma_start3A_1207 : memref<1x64xf32, #tpu.memory_space<hbm>> -> memref<64xf32, #tpu.memory_space<hbm>>
      %dma_start3A_1209 = arith.constant 0 : i32
      %dma_start3A_1210 = tpu.memref_slice %arg4[%run_scoped3A_11, %dma_start3A_1209] : memref<8x64xf32, #tpu.memory_space<vmem>> -> memref<1x64xf32, #tpu.memory_space<vmem>>
      %dma_start3A_1211 = tpu.memref_squeeze %dma_start3A_1210 : memref<1x64xf32, #tpu.memory_space<vmem>> -> memref<64xf32, #tpu.memory_space<vmem>>
      %dma_start3A_1212 = tpu.memref_slice %arg2[%run_scoped3A_10, %mul3A_2] : memref<8x2048xf32, #tpu.memory_space<hbm>> -> memref<1x64xf32, #tpu.memory_space<hbm>>
      %dma_start3A_1213 = tpu.memref_squeeze %dma_start3A_1212 : memref<1x64xf32, #tpu.memory_space<hbm>> -> memref<64xf32, #tpu.memory_space<hbm>>
      tpu.enqueue_dma source(%dma_start3A_1213 : memref<64xf32, #tpu.memory_space<hbm>>) target(%dma_start3A_1211 : memref<64xf32, #tpu.memory_space<vmem>>) target_semaphore(%run_scoped3A_1204 : memref<!tpu.dma_semaphore, #tpu.memory_space<semaphore_mem>>)
      %dma_wait3A = arith.constant 0 : i32
      %dma_wait3A_1214 = tpu.memref_slice %arg4[%run_scoped3A_11, %dma_wait3A] : memref<8x64xf32, #tpu.memory_space<vmem>> -> memref<1x64xf32, #tpu.memory_space<vmem>>
      %dma_wait3A_1215 = tpu.memref_squeeze %dma_wait3A_1214 : memref<1x64xf32, #tpu.memory_space<vmem>> -> memref<64xf32, #tpu.memory_space<vmem>>
      %dma_wait3A_1216 = tpu.memref_slice %arg2[%run_scoped3A_10, %mul3A_2] : memref<8x2048xf32, #tpu.memory_space<hbm>> -> memref<1x64xf32, #tpu.memory_space<hbm>>
      %dma_wait3A_1217 = tpu.memref_squeeze %dma_wait3A_1216 : memref<1x64xf32, #tpu.memory_space<hbm>> -> memref<64xf32, #tpu.memory_space<hbm>>
      %dma_wait3A_1218 = arith.constant 0 : i32
      %dma_wait3A_1219 = tpu.memref_slice %arg4[%run_scoped3A_11, %dma_wait3A_1218] : memref<8x64xf32, #tpu.memory_space<vmem>> -> memref<1x64xf32, #tpu.memory_space<vmem>>
      %dma_wait3A_1220 = tpu.memref_squeeze %dma_wait3A_1219 : memref<1x64xf32, #tpu.memory_space<vmem>> -> memref<64xf32, #tpu.memory_space<vmem>>
      %dma_wait3A_1221 = tpu.memref_slice %arg2[%run_scoped3A_10, %mul3A_2] : memref<8x2048xf32, #tpu.memory_space<hbm>> -> memref<1x64xf32, #tpu.memory_space<hbm>>
      %dma_wait3A_1222 = tpu.memref_squeeze %dma_wait3A_1221 : memref<1x64xf32, #tpu.memory_space<hbm>> -> memref<64xf32, #tpu.memory_space<hbm>>
      tpu.wait_dma2 semaphore(%run_scoped3A_1204 : memref<!tpu.dma_semaphore, #tpu.memory_space<semaphore_mem>>) src(%dma_wait3A_1222 : memref<64xf32, #tpu.memory_space<hbm>>) dst(%dma_wait3A_1220 : memref<64xf32, #tpu.memory_space<vmem>>)
      tpu.yield
    }) : () -> ()
    %run_scoped3A_12 = arith.constant 5 : i32
    %run_scoped3A_13 = arith.constant 5 : i32
    "tpu.region"() ({
      %run_scoped3A_1204 = tpu.sem_alloc : memref<!tpu.dma_semaphore, #tpu.memory_space<semaphore_mem>>
      %dma_start3A = arith.constant 0 : i32
      %dma_start3A_1205 = tpu.memref_slice %arg4[%run_scoped3A_13, %dma_start3A] : memref<8x64xf32, #tpu.memory_space<vmem>> -> memref<1x64xf32, #tpu.memory_space<vmem>>
      %dma_start3A_1206 = tpu.memref_squeeze %dma_start3A_1205 : memref<1x64xf32, #tpu.memory_space<vmem>> -> memref<64xf32, #tpu.memory_space<vmem>>
      %dma_start3A_1207 = tpu.memref_slice %arg2[%run_scoped3A_12, %mul3A_2] : memref<8x2048xf32, #tpu.memory_space<hbm>> -> memref<1x64xf32, #tpu.memory_space<hbm>>
      %dma_start3A_1208 = tpu.memref_squeeze %dma_start3A_1207 : memref<1x64xf32, #tpu.memory_space<hbm>> -> memref<64xf32, #tpu.memory_space<hbm>>
      %dma_start3A_1209 = arith.constant 0 : i32
      %dma_start3A_1210 = tpu.memref_slice %arg4[%run_scoped3A_13, %dma_start3A_1209] : memref<8x64xf32, #tpu.memory_space<vmem>> -> memref<1x64xf32, #tpu.memory_space<vmem>>
      %dma_start3A_1211 = tpu.memref_squeeze %dma_start3A_1210 : memref<1x64xf32, #tpu.memory_space<vmem>> -> memref<64xf32, #tpu.memory_space<vmem>>
      %dma_start3A_1212 = tpu.memref_slice %arg2[%run_scoped3A_12, %mul3A_2] : memref<8x2048xf32, #tpu.memory_space<hbm>> -> memref<1x64xf32, #tpu.memory_space<hbm>>
      %dma_start3A_1213 = tpu.memref_squeeze %dma_start3A_1212 : memref<1x64xf32, #tpu.memory_space<hbm>> -> memref<64xf32, #tpu.memory_space<hbm>>
      tpu.enqueue_dma source(%dma_start3A_1213 : memref<64xf32, #tpu.memory_space<hbm>>) target(%dma_start3A_1211 : memref<64xf32, #tpu.memory_space<vmem>>) target_semaphore(%run_scoped3A_1204 : memref<!tpu.dma_semaphore, #tpu.memory_space<semaphore_mem>>)
      %dma_wait3A = arith.constant 0 : i32
      %dma_wait3A_1214 = tpu.memref_slice %arg4[%run_scoped3A_13, %dma_wait3A] : memref<8x64xf32, #tpu.memory_space<vmem>> -> memref<1x64xf32, #tpu.memory_space<vmem>>
      %dma_wait3A_1215 = tpu.memref_squeeze %dma_wait3A_1214 : memref<1x64xf32, #tpu.memory_space<vmem>> -> memref<64xf32, #tpu.memory_space<vmem>>
      %dma_wait3A_1216 = tpu.memref_slice %arg2[%run_scoped3A_12, %mul3A_2] : memref<8x2048xf32, #tpu.memory_space<hbm>> -> memref<1x64xf32, #tpu.memory_space<hbm>>
      %dma_wait3A_1217 = tpu.memref_squeeze %dma_wait3A_1216 : memref<1x64xf32, #tpu.memory_space<hbm>> -> memref<64xf32, #tpu.memory_space<hbm>>
      %dma_wait3A_1218 = arith.constant 0 : i32
      %dma_wait3A_1219 = tpu.memref_slice %arg4[%run_scoped3A_13, %dma_wait3A_1218] : memref<8x64xf32, #tpu.memory_space<vmem>> -> memref<1x64xf32, #tpu.memory_space<vmem>>
      %dma_wait3A_1220 = tpu.memref_squeeze %dma_wait3A_1219 : memref<1x64xf32, #tpu.memory_space<vmem>> -> memref<64xf32, #tpu.memory_space<vmem>>
      %dma_wait3A_1221 = tpu.memref_slice %arg2[%run_scoped3A_12, %mul3A_2] : memref<8x2048xf32, #tpu.memory_space<hbm>> -> memref<1x64xf32, #tpu.memory_space<hbm>>
      %dma_wait3A_1222 = tpu.memref_squeeze %dma_wait3A_1221 : memref<1x64xf32, #tpu.memory_space<hbm>> -> memref<64xf32, #tpu.memory_space<hbm>>
      tpu.wait_dma2 semaphore(%run_scoped3A_1204 : memref<!tpu.dma_semaphore, #tpu.memory_space<semaphore_mem>>) src(%dma_wait3A_1222 : memref<64xf32, #tpu.memory_space<hbm>>) dst(%dma_wait3A_1220 : memref<64xf32, #tpu.memory_space<vmem>>)
      tpu.yield
    }) : () -> ()
    %run_scoped3A_14 = arith.constant 6 : i32
    %run_scoped3A_15 = arith.constant 6 : i32
    "tpu.region"() ({
      %run_scoped3A_1204 = tpu.sem_alloc : memref<!tpu.dma_semaphore, #tpu.memory_space<semaphore_mem>>
      %dma_start3A = arith.constant 0 : i32
      %dma_start3A_1205 = tpu.memref_slice %arg4[%run_scoped3A_15, %dma_start3A] : memref<8x64xf32, #tpu.memory_space<vmem>> -> memref<1x64xf32, #tpu.memory_space<vmem>>
      %dma_start3A_1206 = tpu.memref_squeeze %dma_start3A_1205 : memref<1x64xf32, #tpu.memory_space<vmem>> -> memref<64xf32, #tpu.memory_space<vmem>>
      %dma_start3A_1207 = tpu.memref_slice %arg2[%run_scoped3A_14, %mul3A_2] : memref<8x2048xf32, #tpu.memory_space<hbm>> -> memref<1x64xf32, #tpu.memory_space<hbm>>
      %dma_start3A_1208 = tpu.memref_squeeze %dma_start3A_1207 : memref<1x64xf32, #tpu.memory_space<hbm>> -> memref<64xf32, #tpu.memory_space<hbm>>
      %dma_start3A_1209 = arith.constant 0 : i32
      %dma_start3A_1210 = tpu.memref_slice %arg4[%run_scoped3A_15, %dma_start3A_1209] : memref<8x64xf32, #tpu.memory_space<vmem>> -> memref<1x64xf32, #tpu.memory_space<vmem>>
      %dma_start3A_1211 = tpu.memref_squeeze %dma_start3A_1210 : memref<1x64xf32, #tpu.memory_space<vmem>> -> memref<64xf32, #tpu.memory_space<vmem>>
      %dma_start3A_1212 = tpu.memref_slice %arg2[%run_scoped3A_14, %mul3A_2] : memref<8x2048xf32, #tpu.memory_space<hbm>> -> memref<1x64xf32, #tpu.memory_space<hbm>>
      %dma_start3A_1213 = tpu.memref_squeeze %dma_start3A_1212 : memref<1x64xf32, #tpu.memory_space<hbm>> -> memref<64xf32, #tpu.memory_space<hbm>>
      tpu.enqueue_dma source(%dma_start3A_1213 : memref<64xf32, #tpu.memory_space<hbm>>) target(%dma_start3A_1211 : memref<64xf32, #tpu.memory_space<vmem>>) target_semaphore(%run_scoped3A_1204 : memref<!tpu.dma_semaphore, #tpu.memory_space<semaphore_mem>>)
      %dma_wait3A = arith.constant 0 : i32
      %dma_wait3A_1214 = tpu.memref_slice %arg4[%run_scoped3A_15, %dma_wait3A] : memref<8x64xf32, #tpu.memory_space<vmem>> -> memref<1x64xf32, #tpu.memory_space<vmem>>
      %dma_wait3A_1215 = tpu.memref_squeeze %dma_wait3A_1214 : memref<1x64xf32, #tpu.memory_space<vmem>> -> memref<64xf32, #tpu.memory_space<vmem>>
      %dma_wait3A_1216 = tpu.memref_slice %arg2[%run_scoped3A_14, %mul3A_2] : memref<8x2048xf32, #tpu.memory_space<hbm>> -> memref<1x64xf32, #tpu.memory_space<hbm>>
      %dma_wait3A_1217 = tpu.memref_squeeze %dma_wait3A_1216 : memref<1x64xf32, #tpu.memory_space<hbm>> -> memref<64xf32, #tpu.memory_space<hbm>>
      %dma_wait3A_1218 = arith.constant 0 : i32
      %dma_wait3A_1219 = tpu.memref_slice %arg4[%run_scoped3A_15, %dma_wait3A_1218] : memref<8x64xf32, #tpu.memory_space<vmem>> -> memref<1x64xf32, #tpu.memory_space<vmem>>
      %dma_wait3A_1220 = tpu.memref_squeeze %dma_wait3A_1219 : memref<1x64xf32, #tpu.memory_space<vmem>> -> memref<64xf32, #tpu.memory_space<vmem>>
      %dma_wait3A_1221 = tpu.memref_slice %arg2[%run_scoped3A_14, %mul3A_2] : memref<8x2048xf32, #tpu.memory_space<hbm>> -> memref<1x64xf32, #tpu.memory_space<hbm>>
      %dma_wait3A_1222 = tpu.memref_squeeze %dma_wait3A_1221 : memref<1x64xf32, #tpu.memory_space<hbm>> -> memref<64xf32, #tpu.memory_space<hbm>>
      tpu.wait_dma2 semaphore(%run_scoped3A_1204 : memref<!tpu.dma_semaphore, #tpu.memory_space<semaphore_mem>>) src(%dma_wait3A_1222 : memref<64xf32, #tpu.memory_space<hbm>>) dst(%dma_wait3A_1220 : memref<64xf32, #tpu.memory_space<vmem>>)
      tpu.yield
    }) : () -> ()
    %run_scoped3A_16 = arith.constant 7 : i32
    %run_scoped3A_17 = arith.constant 7 : i32
    "tpu.region"() ({
      %run_scoped3A_1204 = tpu.sem_alloc : memref<!tpu.dma_semaphore, #tpu.memory_space<semaphore_mem>>
      %dma_start3A = arith.constant 0 : i32
      %dma_start3A_1205 = tpu.memref_slice %arg4[%run_scoped3A_17, %dma_start3A] : memref<8x64xf32, #tpu.memory_space<vmem>> -> memref<1x64xf32, #tpu.memory_space<vmem>>
      %dma_start3A_1206 = tpu.memref_squeeze %dma_start3A_1205 : memref<1x64xf32, #tpu.memory_space<vmem>> -> memref<64xf32, #tpu.memory_space<vmem>>
      %dma_start3A_1207 = tpu.memref_slice %arg2[%run_scoped3A_16, %mul3A_2] : memref<8x2048xf32, #tpu.memory_space<hbm>> -> memref<1x64xf32, #tpu.memory_space<hbm>>
      %dma_start3A_1208 = tpu.memref_squeeze %dma_start3A_1207 : memref<1x64xf32, #tpu.memory_space<hbm>> -> memref<64xf32, #tpu.memory_space<hbm>>
      %dma_start3A_1209 = arith.constant 0 : i32
      %dma_start3A_1210 = tpu.memref_slice %arg4[%run_scoped3A_17, %dma_start3A_1209] : memref<8x64xf32, #tpu.memory_space<vmem>> -> memref<1x64xf32, #tpu.memory_space<vmem>>
      %dma_start3A_1211 = tpu.memref_squeeze %dma_start3A_1210 : memref<1x64xf32, #tpu.memory_space<vmem>> -> memref<64xf32, #tpu.memory_space<vmem>>
      %dma_start3A_1212 = tpu.memref_slice %arg2[%run_scoped3A_16, %mul3A_2] : memref<8x2048xf32, #tpu.memory_space<hbm>> -> memref<1x64xf32, #tpu.memory_space<hbm>>
      %dma_start3A_1213 = tpu.memref_squeeze %dma_start3A_1212 : memref<1x64xf32, #tpu.memory_space<hbm>> -> memref<64xf32, #tpu.memory_space<hbm>>
      tpu.enqueue_dma source(%dma_start3A_1213 : memref<64xf32, #tpu.memory_space<hbm>>) target(%dma_start3A_1211 : memref<64xf32, #tpu.memory_space<vmem>>) target_semaphore(%run_scoped3A_1204 : memref<!tpu.dma_semaphore, #tpu.memory_space<semaphore_mem>>)
      %dma_wait3A = arith.constant 0 : i32
      %dma_wait3A_1214 = tpu.memref_slice %arg4[%run_scoped3A_17, %dma_wait3A] : memref<8x64xf32, #tpu.memory_space<vmem>> -> memref<1x64xf32, #tpu.memory_space<vmem>>
      %dma_wait3A_1215 = tpu.memref_squeeze %dma_wait3A_1214 : memref<1x64xf32, #tpu.memory_space<vmem>> -> memref<64xf32, #tpu.memory_space<vmem>>
      %dma_wait3A_1216 = tpu.memref_slice %arg2[%run_scoped3A_16, %mul3A_2] : memref<8x2048xf32, #tpu.memory_space<hbm>> -> memref<1x64xf32, #tpu.memory_space<hbm>>
      %dma_wait3A_1217 = tpu.memref_squeeze %dma_wait3A_1216 : memref<1x64xf32, #tpu.memory_space<hbm>> -> memref<64xf32, #tpu.memory_space<hbm>>
      %dma_wait3A_1218 = arith.constant 0 : i32
      %dma_wait3A_1219 = tpu.memref_slice %arg4[%run_scoped3A_17, %dma_wait3A_1218] : memref<8x64xf32, #tpu.memory_space<vmem>> -> memref<1x64xf32, #tpu.memory_space<vmem>>
      %dma_wait3A_1220 = tpu.memref_squeeze %dma_wait3A_1219 : memref<1x64xf32, #tpu.memory_space<vmem>> -> memref<64xf32, #tpu.memory_space<vmem>>
      %dma_wait3A_1221 = tpu.memref_slice %arg2[%run_scoped3A_16, %mul3A_2] : memref<8x2048xf32, #tpu.memory_space<hbm>> -> memref<1x64xf32, #tpu.memory_space<hbm>>
      %dma_wait3A_1222 = tpu.memref_squeeze %dma_wait3A_1221 : memref<1x64xf32, #tpu.memory_space<hbm>> -> memref<64xf32, #tpu.memory_space<hbm>>
      tpu.wait_dma2 semaphore(%run_scoped3A_1204 : memref<!tpu.dma_semaphore, #tpu.memory_space<semaphore_mem>>) src(%dma_wait3A_1222 : memref<64xf32, #tpu.memory_space<hbm>>) dst(%dma_wait3A_1220 : memref<64xf32, #tpu.memory_space<vmem>>)
      tpu.yield
    }) : () -> ()
    %get3A = arith.constant 0 : i32
    %get3A_18 = arith.index_cast %get3A : i32 to index
    %get3A_19 = arith.constant 0 : index
    %get3A_20 = tpu.vector_load %arg4[%get3A_18, %get3A_19] {strides = array<i32>} : memref<8x64xf32, #tpu.memory_space<vmem>>, vector<1x16xf32>,
    %get3A_21 = vector.shape_cast %get3A_20 : vector<1x16xf32> to vector<16xf32>
    %get3A_22 = arith.constant 1 : i32
    %get3A_23 = arith.index_cast %get3A_22 : i32 to index
    %get3A_24 = arith.constant 0 : index
    %get3A_25 = tpu.vector_load %arg4[%get3A_23, %get3A_24] {strides = array<i32>} : memref<8x64xf32, #tpu.memory_space<vmem>>, vector<1x16xf32>,
    %get3A_26 = vector.shape_cast %get3A_25 : vector<1x16xf32> to vector<16xf32>
    %get3A_27 = arith.constant 2 : i32
    %get3A_28 = arith.index_cast %get3A_27 : i32 to index
    %get3A_29 = arith.constant 0 : index
    %get3A_30 = tpu.vector_load %arg4[%get3A_28, %get3A_29] {strides = array<i32>} : memref<8x64xf32, #tpu.memory_space<vmem>>, vector<1x16xf32>,
    %get3A_31 = vector.shape_cast %get3A_30 : vector<1x16xf32> to vector<16xf32>
    %get3A_32 = arith.constant 3 : i32
    %get3A_33 = arith.index_cast %get3A_32 : i32 to index
    %get3A_34 = arith.constant 0 : index
    %get3A_35 = tpu.vector_load %arg4[%get3A_33, %get3A_34] {strides = array<i32>} : memref<8x64xf32, #tpu.memory_space<vmem>>, vector<1x16xf32>,
    %get3A_36 = vector.shape_cast %get3A_35 : vector<1x16xf32> to vector<16xf32>
    %get3A_37 = arith.constant 4 : i32
    %get3A_38 = arith.index_cast %get3A_37 : i32 to index
    %get3A_39 = arith.constant 0 : index
    %get3A_40 = tpu.vector_load %arg4[%get3A_38, %get3A_39] {strides = array<i32>} : memref<8x64xf32, #tpu.memory_space<vmem>>, vector<1x16xf32>,
    %get3A_41 = vector.shape_cast %get3A_40 : vector<1x16xf32> to vector<16xf32>
    %get3A_42 = arith.constant 5 : i32
    %get3A_43 = arith.index_cast %get3A_42 : i32 to index
    %get3A_44 = arith.constant 0 : index
    %get3A_45 = tpu.vector_load %arg4[%get3A_43, %get3A_44] {strides = array<i32>} : memref<8x64xf32, #tpu.memory_space<vmem>>, vector<1x16xf32>,
    %get3A_46 = vector.shape_cast %get3A_45 : vector<1x16xf32> to vector<16xf32>
    %get3A_47 = arith.constant 6 : i32
    %get3A_48 = arith.index_cast %get3A_47 : i32 to index
    %get3A_49 = arith.constant 0 : index
    %get3A_50 = tpu.vector_load %arg4[%get3A_48, %get3A_49] {strides = array<i32>} : memref<8x64xf32, #tpu.memory_space<vmem>>, vector<1x16xf32>,
    %get3A_51 = vector.shape_cast %get3A_50 : vector<1x16xf32> to vector<16xf32>
    %get3A_52 = arith.constant 7 : i32
    %get3A_53 = arith.index_cast %get3A_52 : i32 to index
    %get3A_54 = arith.constant 0 : index
    %get3A_55 = tpu.vector_load %arg4[%get3A_53, %get3A_54] {strides = array<i32>} : memref<8x64xf32, #tpu.memory_space<vmem>>, vector<1x16xf32>,
    %get3A_56 = vector.shape_cast %get3A_55 : vector<1x16xf32> to vector<16xf32>
    %broadcast_in_dim3A = arith.constant 0.000000e+00 : f32
    %broadcast_in_dim3A_57 = vector.broadcast %broadcast_in_dim3A : f32 to vector<16xf32>
    %gt3A = arith.cmpf ogt, %get3A_26, %get3A_21 : vector<16xf32>
    %select_n3A = arith.select %gt3A, %get3A_26, %get3A_21 : vector<16xi1>, vector<16xf32>
    %jit3A = arith.constant 1.000000e+00 : f32
    %broadcast_in_dim3A_58 = vector.broadcast %jit3A : f32 to vector<16xf32>
    %select_n3A_59 = arith.select %gt3A, %broadcast_in_dim3A_58, %broadcast_in_dim3A_57 : vector<16xi1>, vector<16xf32>
    %gt3A_60 = arith.cmpf ogt, %get3A_31, %select_n3A : vector<16xf32>
    %select_n3A_61 = arith.select %gt3A_60, %get3A_31, %select_n3A : vector<16xi1>, vector<16xf32>
    %jit3A_62 = arith.constant 2.000000e+00 : f32
    %broadcast_in_dim3A_63 = vector.broadcast %jit3A_62 : f32 to vector<16xf32>
    %select_n3A_64 = arith.select %gt3A_60, %broadcast_in_dim3A_63, %select_n3A_59 : vector<16xi1>, vector<16xf32>
    %gt3A_65 = arith.cmpf ogt, %get3A_36, %select_n3A_61 : vector<16xf32>
    %select_n3A_66 = arith.select %gt3A_65, %get3A_36, %select_n3A_61 : vector<16xi1>, vector<16xf32>
    %jit3A_67 = arith.constant 3.000000e+00 : f32
    %broadcast_in_dim3A_68 = vector.broadcast %jit3A_67 : f32 to vector<16xf32>
    %select_n3A_69 = arith.select %gt3A_65, %broadcast_in_dim3A_68, %select_n3A_64 : vector<16xi1>, vector<16xf32>
    %gt3A_70 = arith.cmpf ogt, %get3A_41, %select_n3A_66 : vector<16xf32>
    %select_n3A_71 = arith.select %gt3A_70, %get3A_41, %select_n3A_66 : vector<16xi1>, vector<16xf32>
    %jit3A_72 = arith.constant 4.000000e+00 : f32
    %broadcast_in_dim3A_73 = vector.broadcast %jit3A_72 : f32 to vector<16xf32>
    %select_n3A_74 = arith.select %gt3A_70, %broadcast_in_dim3A_73, %select_n3A_69 : vector<16xi1>, vector<16xf32>
    %gt3A_75 = arith.cmpf ogt, %get3A_46, %select_n3A_71 : vector<16xf32>
    %select_n3A_76 = arith.select %gt3A_75, %get3A_46, %select_n3A_71 : vector<16xi1>, vector<16xf32>
    %jit3A_77 = arith.constant 5.000000e+00 : f32
    %broadcast_in_dim3A_78 = vector.broadcast %jit3A_77 : f32 to vector<16xf32>
    %select_n3A_79 = arith.select %gt3A_75, %broadcast_in_dim3A_78, %select_n3A_74 : vector<16xi1>, vector<16xf32>
    %gt3A_80 = arith.cmpf ogt, %get3A_51, %select_n3A_76 : vector<16xf32>
    %select_n3A_81 = arith.select %gt3A_80, %get3A_51, %select_n3A_76 : vector<16xi1>, vector<16xf32>
    %jit3A_82 = arith.constant 6.000000e+00 : f32
    %broadcast_in_dim3A_83 = vector.broadcast %jit3A_82 : f32 to vector<16xf32>
    %select_n3A_84 = arith.select %gt3A_80, %broadcast_in_dim3A_83, %select_n3A_79 : vector<16xi1>, vector<16xf32>
    %gt3A_85 = arith.cmpf ogt, %get3A_56, %select_n3A_81 : vector<16xf32>
    %select_n3A_86 = arith.select %gt3A_85, %get3A_56, %select_n3A_81 : vector<16xi1>, vector<16xf32>
    %jit3A_87 = arith.constant 7.000000e+00 : f32
    %broadcast_in_dim3A_88 = vector.broadcast %jit3A_87 : f32 to vector<16xf32>
    %select_n3A_89 = arith.select %gt3A_85, %broadcast_in_dim3A_88, %select_n3A_84 : vector<16xi1>, vector<16xf32>
    %eq3A = arith.constant 0.000000e+00 : f32
    %eq3A_90 = vector.broadcast %eq3A : f32 to vector<16xf32>
    %eq3A_91 = arith.cmpf oeq, %select_n3A_89, %eq3A_90 : vector<16xf32>
    %broadcast_in_dim3A_92 = arith.constant -1.000000e+30 : f32
    %broadcast_in_dim3A_93 = vector.broadcast %broadcast_in_dim3A_92 : f32 to vector<16xf32>
    %select_n3A_94 = arith.select %eq3A_91, %broadcast_in_dim3A_93, %get3A_21 : vector<16xi1>, vector<16xf32>
    %broadcast_in_dim3A_95 = arith.constant 0.000000e+00 : f32
    %broadcast_in_dim3A_96 = vector.broadcast %broadcast_in_dim3A_95 : f32 to vector<16xf32>
    %eq3A_97 = arith.constant 1.000000e+00 : f32
    %eq3A_98 = vector.broadcast %eq3A_97 : f32 to vector<16xf32>
    %eq3A_99 = arith.cmpf oeq, %select_n3A_89, %eq3A_98 : vector<16xf32>
    %broadcast_in_dim3A_100 = arith.constant -1.000000e+30 : f32
    %broadcast_in_dim3A_101 = vector.broadcast %broadcast_in_dim3A_100 : f32 to vector<16xf32>
    %select_n3A_102 = arith.select %eq3A_99, %broadcast_in_dim3A_101, %get3A_26 : vector<16xi1>, vector<16xf32>
    %gt3A_103 = arith.cmpf ogt, %select_n3A_102, %select_n3A_94 : vector<16xf32>
    %select_n3A_104 = arith.select %gt3A_103, %select_n3A_102, %select_n3A_94 : vector<16xi1>, vector<16xf32>
    %jit3A_105 = arith.constant 1.000000e+00 : f32
    %broadcast_in_dim3A_106 = vector.broadcast %jit3A_105 : f32 to vector<16xf32>
    %select_n3A_107 = arith.select %gt3A_103, %broadcast_in_dim3A_106, %broadcast_in_dim3A_96 : vector<16xi1>, vector<16xf32>
    %eq3A_108 = arith.constant 2.000000e+00 : f32
    %eq3A_109 = vector.broadcast %eq3A_108 : f32 to vector<16xf32>
    %eq3A_110 = arith.cmpf oeq, %select_n3A_89, %eq3A_109 : vector<16xf32>
    %broadcast_in_dim3A_111 = arith.constant -1.000000e+30 : f32
    %broadcast_in_dim3A_112 = vector.broadcast %broadcast_in_dim3A_111 : f32 to vector<16xf32>
    %select_n3A_113 = arith.select %eq3A_110, %broadcast_in_dim3A_112, %get3A_31 : vector<16xi1>, vector<16xf32>
    %gt3A_114 = arith.cmpf ogt, %select_n3A_113, %select_n3A_104 : vector<16xf32>
    %select_n3A_115 = arith.select %gt3A_114, %select_n3A_113, %select_n3A_104 : vector<16xi1>, vector<16xf32>
    %jit3A_116 = arith.constant 2.000000e+00 : f32
    %broadcast_in_dim3A_117 = vector.broadcast %jit3A_116 : f32 to vector<16xf32>
    %select_n3A_118 = arith.select %gt3A_114, %broadcast_in_dim3A_117, %select_n3A_107 : vector<16xi1>, vector<16xf32>
    %eq3A_119 = arith.constant 3.000000e+00 : f32
    %eq3A_120 = vector.broadcast %eq3A_119 : f32 to vector<16xf32>
    %eq3A_121 = arith.cmpf oeq, %select_n3A_89, %eq3A_120 : vector<16xf32>
    %broadcast_in_dim3A_122 = arith.constant -1.000000e+30 : f32
    %broadcast_in_dim3A_123 = vector.broadcast %broadcast_in_dim3A_122 : f32 to vector<16xf32>
    %select_n3A_124 = arith.select %eq3A_121, %broadcast_in_dim3A_123, %get3A_36 : vector<16xi1>, vector<16xf32>
    %gt3A_125 = arith.cmpf ogt, %select_n3A_124, %select_n3A_115 : vector<16xf32>
    %select_n3A_126 = arith.select %gt3A_125, %select_n3A_124, %select_n3A_115 : vector<16xi1>, vector<16xf32>
    %jit3A_127 = arith.constant 3.000000e+00 : f32
    %broadcast_in_dim3A_128 = vector.broadcast %jit3A_127 : f32 to vector<16xf32>
    %select_n3A_129 = arith.select %gt3A_125, %broadcast_in_dim3A_128, %select_n3A_118 : vector<16xi1>, vector<16xf32>
    %eq3A_130 = arith.constant 4.000000e+00 : f32
    %eq3A_131 = vector.broadcast %eq3A_130 : f32 to vector<16xf32>
    %eq3A_132 = arith.cmpf oeq, %select_n3A_89, %eq3A_131 : vector<16xf32>
    %broadcast_in_dim3A_133 = arith.constant -1.000000e+30 : f32
    %broadcast_in_dim3A_134 = vector.broadcast %broadcast_in_dim3A_133 : f32 to vector<16xf32>
    %select_n3A_135 = arith.select %eq3A_132, %broadcast_in_dim3A_134, %get3A_41 : vector<16xi1>, vector<16xf32>
    %gt3A_136 = arith.cmpf ogt, %select_n3A_135, %select_n3A_126 : vector<16xf32>
    %select_n3A_137 = arith.select %gt3A_136, %select_n3A_135, %select_n3A_126 : vector<16xi1>, vector<16xf32>
    %jit3A_138 = arith.constant 4.000000e+00 : f32
    %broadcast_in_dim3A_139 = vector.broadcast %jit3A_138 : f32 to vector<16xf32>
    %select_n3A_140 = arith.select %gt3A_136, %broadcast_in_dim3A_139, %select_n3A_129 : vector<16xi1>, vector<16xf32>
    %eq3A_141 = arith.constant 5.000000e+00 : f32
    %eq3A_142 = vector.broadcast %eq3A_141 : f32 to vector<16xf32>
    %eq3A_143 = arith.cmpf oeq, %select_n3A_89, %eq3A_142 : vector<16xf32>
    %broadcast_in_dim3A_144 = arith.constant -1.000000e+30 : f32
    %broadcast_in_dim3A_145 = vector.broadcast %broadcast_in_dim3A_144 : f32 to vector<16xf32>
    %select_n3A_146 = arith.select %eq3A_143, %broadcast_in_dim3A_145, %get3A_46 : vector<16xi1>, vector<16xf32>
    %gt3A_147 = arith.cmpf ogt, %select_n3A_146, %select_n3A_137 : vector<16xf32>
    %select_n3A_148 = arith.select %gt3A_147, %select_n3A_146, %select_n3A_137 : vector<16xi1>, vector<16xf32>
    %jit3A_149 = arith.constant 5.000000e+00 : f32
    %broadcast_in_dim3A_150 = vector.broadcast %jit3A_149 : f32 to vector<16xf32>
    %select_n3A_151 = arith.select %gt3A_147, %broadcast_in_dim3A_150, %select_n3A_140 : vector<16xi1>, vector<16xf32>
    %eq3A_152 = arith.constant 6.000000e+00 : f32
    %eq3A_153 = vector.broadcast %eq3A_152 : f32 to vector<16xf32>
    %eq3A_154 = arith.cmpf oeq, %select_n3A_89, %eq3A_153 : vector<16xf32>
    %broadcast_in_dim3A_155 = arith.constant -1.000000e+30 : f32
    %broadcast_in_dim3A_156 = vector.broadcast %broadcast_in_dim3A_155 : f32 to vector<16xf32>
    %select_n3A_157 = arith.select %eq3A_154, %broadcast_in_dim3A_156, %get3A_51 : vector<16xi1>, vector<16xf32>
    %gt3A_158 = arith.cmpf ogt, %select_n3A_157, %select_n3A_148 : vector<16xf32>
    %select_n3A_159 = arith.select %gt3A_158, %select_n3A_157, %select_n3A_148 : vector<16xi1>, vector<16xf32>
    %jit3A_160 = arith.constant 6.000000e+00 : f32
    %broadcast_in_dim3A_161 = vector.broadcast %jit3A_160 : f32 to vector<16xf32>
    %select_n3A_162 = arith.select %gt3A_158, %broadcast_in_dim3A_161, %select_n3A_151 : vector<16xi1>, vector<16xf32>
    %eq3A_163 = arith.constant 7.000000e+00 : f32
    %eq3A_164 = vector.broadcast %eq3A_163 : f32 to vector<16xf32>
    %eq3A_165 = arith.cmpf oeq, %select_n3A_89, %eq3A_164 : vector<16xf32>
    %broadcast_in_dim3A_166 = arith.constant -1.000000e+30 : f32
    %broadcast_in_dim3A_167 = vector.broadcast %broadcast_in_dim3A_166 : f32 to vector<16xf32>
    %select_n3A_168 = arith.select %eq3A_165, %broadcast_in_dim3A_167, %get3A_56 : vector<16xi1>, vector<16xf32>
    %gt3A_169 = arith.cmpf ogt, %select_n3A_168, %select_n3A_159 : vector<16xf32>
    %select_n3A_170 = arith.select %gt3A_169, %select_n3A_168, %select_n3A_159 : vector<16xi1>, vector<16xf32>
    %jit3A_171 = arith.constant 7.000000e+00 : f32
    %broadcast_in_dim3A_172 = vector.broadcast %jit3A_171 : f32 to vector<16xf32>
    %select_n3A_173 = arith.select %gt3A_169, %broadcast_in_dim3A_172, %select_n3A_162 : vector<16xi1>, vector<16xf32>
    %sub3A = arith.subf %select_n3A_170, %select_n3A_86 : vector<16xf32>
    %exp3A = math.exp %sub3A : vector<16xf32>
    %add3A_174 = arith.constant 1.000000e+00 : f32
    %add3A_175 = vector.broadcast %add3A_174 : f32 to vector<16xf32>
    %add3A_176 = arith.addf %add3A_175, %exp3A : vector<16xf32>
    %div3A = arith.constant 1.000000e+00 : f32
    %div3A_177 = vector.broadcast %div3A : f32 to vector<16xf32>
    %div3A_178 = arith.divf %div3A_177, %add3A_176 : vector<16xf32>
    %sub3A_179 = arith.constant 1.000000e+00 : f32
    %sub3A_180 = vector.broadcast %sub3A_179 : f32 to vector<16xf32>
    %sub3A_181 = arith.subf %sub3A_180, %div3A_178 : vector<16xf32>
    %broadcast_in_dim3A_182 = arith.constant 0.000000e+00 : f32
    %broadcast_in_dim3A_183 = vector.broadcast %broadcast_in_dim3A_182 : f32 to vector<16xf32>
    %eq3A_184 = arith.constant 0.000000e+00 : f32
    %eq3A_185 = vector.broadcast %eq3A_184 : f32 to vector<16xf32>
    %eq3A_186 = arith.cmpf oeq, %select_n3A_89, %eq3A_185 : vector<16xf32>
    %select_n3A_187 = arith.select %eq3A_186, %div3A_178, %broadcast_in_dim3A_183 : vector<16xi1>, vector<16xf32>
    %eq3A_188 = arith.constant 0.000000e+00 : f32
    %eq3A_189 = vector.broadcast %eq3A_188 : f32 to vector<16xf32>
    %eq3A_190 = arith.cmpf oeq, %select_n3A_173, %eq3A_189 : vector<16xf32>
    %select_n3A_191 = arith.select %eq3A_190, %sub3A_181, %broadcast_in_dim3A_183 : vector<16xi1>, vector<16xf32>
    %add3A_192 = arith.addf %select_n3A_187, %select_n3A_191 : vector<16xf32>
    %swap3A = arith.constant 0 : i32
    %swap3A_193 = arith.index_cast %swap3A : i32 to index
    %swap3A_194 = arith.constant 0 : index
    %swap3A_195 = tpu.vector_load %arg5[%swap3A_193, %swap3A_194] {strides = array<i32>} : memref<8x64xf32, #tpu.memory_space<vmem>>, vector<1x16xf32>,
    %swap3A_196 = vector.shape_cast %swap3A_195 : vector<1x16xf32> to vector<16xf32>
    %swap3A_197 = vector.shape_cast %add3A_192 : vector<16xf32> to vector<1x16xf32>
    tpu.vector_store %arg5[%swap3A_193, %swap3A_194], %swap3A_197 {strides = array<i32>} : memref<8x64xf32, #tpu.memory_space<vmem>>, vector<1x16xf32>,
    %eq3A_198 = arith.constant 1.000000e+00 : f32
    %eq3A_199 = vector.broadcast %eq3A_198 : f32 to vector<16xf32>
    %eq3A_200 = arith.cmpf oeq, %select_n3A_89, %eq3A_199 : vector<16xf32>
    %select_n3A_201 = arith.select %eq3A_200, %div3A_178, %broadcast_in_dim3A_183 : vector<16xi1>, vector<16xf32>
    %eq3A_202 = arith.constant 1.000000e+00 : f32
    %eq3A_203 = vector.broadcast %eq3A_202 : f32 to vector<16xf32>
    %eq3A_204 = arith.cmpf oeq, %select_n3A_173, %eq3A_203 : vector<16xf32>
    %select_n3A_205 = arith.select %eq3A_204, %sub3A_181, %broadcast_in_dim3A_183 : vector<16xi1>, vector<16xf32>
    %add3A_206 = arith.addf %select_n3A_201, %select_n3A_205 : vector<16xf32>
    %swap3A_207 = arith.constant 1 : i32
    %swap3A_208 = arith.index_cast %swap3A_207 : i32 to index
    %swap3A_209 = arith.constant 0 : index
    %swap3A_210 = tpu.vector_load %arg5[%swap3A_208, %swap3A_209] {strides = array<i32>} : memref<8x64xf32, #tpu.memory_space<vmem>>, vector<1x16xf32>,
    %swap3A_211 = vector.shape_cast %swap3A_210 : vector<1x16xf32> to vector<16xf32>
    %swap3A_212 = vector.shape_cast %add3A_206 : vector<16xf32> to vector<1x16xf32>
    tpu.vector_store %arg5[%swap3A_208, %swap3A_209], %swap3A_212 {strides = array<i32>} : memref<8x64xf32, #tpu.memory_space<vmem>>, vector<1x16xf32>,
    %eq3A_213 = arith.constant 2.000000e+00 : f32
    %eq3A_214 = vector.broadcast %eq3A_213 : f32 to vector<16xf32>
    %eq3A_215 = arith.cmpf oeq, %select_n3A_89, %eq3A_214 : vector<16xf32>
    %select_n3A_216 = arith.select %eq3A_215, %div3A_178, %broadcast_in_dim3A_183 : vector<16xi1>, vector<16xf32>
    %eq3A_217 = arith.constant 2.000000e+00 : f32
    %eq3A_218 = vector.broadcast %eq3A_217 : f32 to vector<16xf32>
    %eq3A_219 = arith.cmpf oeq, %select_n3A_173, %eq3A_218 : vector<16xf32>
    %select_n3A_220 = arith.select %eq3A_219, %sub3A_181, %broadcast_in_dim3A_183 : vector<16xi1>, vector<16xf32>
    %add3A_221 = arith.addf %select_n3A_216, %select_n3A_220 : vector<16xf32>
    %swap3A_222 = arith.constant 2 : i32
    %swap3A_223 = arith.index_cast %swap3A_222 : i32 to index
    %swap3A_224 = arith.constant 0 : index
    %swap3A_225 = tpu.vector_load %arg5[%swap3A_223, %swap3A_224] {strides = array<i32>} : memref<8x64xf32, #tpu.memory_space<vmem>>, vector<1x16xf32>,
    %swap3A_226 = vector.shape_cast %swap3A_225 : vector<1x16xf32> to vector<16xf32>
    %swap3A_227 = vector.shape_cast %add3A_221 : vector<16xf32> to vector<1x16xf32>
    tpu.vector_store %arg5[%swap3A_223, %swap3A_224], %swap3A_227 {strides = array<i32>} : memref<8x64xf32, #tpu.memory_space<vmem>>, vector<1x16xf32>,
    %eq3A_228 = arith.constant 3.000000e+00 : f32
    %eq3A_229 = vector.broadcast %eq3A_228 : f32 to vector<16xf32>
    %eq3A_230 = arith.cmpf oeq, %select_n3A_89, %eq3A_229 : vector<16xf32>
    %select_n3A_231 = arith.select %eq3A_230, %div3A_178, %broadcast_in_dim3A_183 : vector<16xi1>, vector<16xf32>
    %eq3A_232 = arith.constant 3.000000e+00 : f32
    %eq3A_233 = vector.broadcast %eq3A_232 : f32 to vector<16xf32>
    %eq3A_234 = arith.cmpf oeq, %select_n3A_173, %eq3A_233 : vector<16xf32>
    %select_n3A_235 = arith.select %eq3A_234, %sub3A_181, %broadcast_in_dim3A_183 : vector<16xi1>, vector<16xf32>
    %add3A_236 = arith.addf %select_n3A_231, %select_n3A_235 : vector<16xf32>
    %swap3A_237 = arith.constant 3 : i32
    %swap3A_238 = arith.index_cast %swap3A_237 : i32 to index
    %swap3A_239 = arith.constant 0 : index
    %swap3A_240 = tpu.vector_load %arg5[%swap3A_238, %swap3A_239] {strides = array<i32>} : memref<8x64xf32, #tpu.memory_space<vmem>>, vector<1x16xf32>,
    %swap3A_241 = vector.shape_cast %swap3A_240 : vector<1x16xf32> to vector<16xf32>
    %swap3A_242 = vector.shape_cast %add3A_236 : vector<16xf32> to vector<1x16xf32>
    tpu.vector_store %arg5[%swap3A_238, %swap3A_239], %swap3A_242 {strides = array<i32>} : memref<8x64xf32, #tpu.memory_space<vmem>>, vector<1x16xf32>,
    %eq3A_243 = arith.constant 4.000000e+00 : f32
    %eq3A_244 = vector.broadcast %eq3A_243 : f32 to vector<16xf32>
    %eq3A_245 = arith.cmpf oeq, %select_n3A_89, %eq3A_244 : vector<16xf32>
    %select_n3A_246 = arith.select %eq3A_245, %div3A_178, %broadcast_in_dim3A_183 : vector<16xi1>, vector<16xf32>
    %eq3A_247 = arith.constant 4.000000e+00 : f32
    %eq3A_248 = vector.broadcast %eq3A_247 : f32 to vector<16xf32>
    %eq3A_249 = arith.cmpf oeq, %select_n3A_173, %eq3A_248 : vector<16xf32>
    %select_n3A_250 = arith.select %eq3A_249, %sub3A_181, %broadcast_in_dim3A_183 : vector<16xi1>, vector<16xf32>
    %add3A_251 = arith.addf %select_n3A_246, %select_n3A_250 : vector<16xf32>
    %swap3A_252 = arith.constant 4 : i32
    %swap3A_253 = arith.index_cast %swap3A_252 : i32 to index
    %swap3A_254 = arith.constant 0 : index
    %swap3A_255 = tpu.vector_load %arg5[%swap3A_253, %swap3A_254] {strides = array<i32>} : memref<8x64xf32, #tpu.memory_space<vmem>>, vector<1x16xf32>,
    %swap3A_256 = vector.shape_cast %swap3A_255 : vector<1x16xf32> to vector<16xf32>
    %swap3A_257 = vector.shape_cast %add3A_251 : vector<16xf32> to vector<1x16xf32>
    tpu.vector_store %arg5[%swap3A_253, %swap3A_254], %swap3A_257 {strides = array<i32>} : memref<8x64xf32, #tpu.memory_space<vmem>>, vector<1x16xf32>,
    %eq3A_258 = arith.constant 5.000000e+00 : f32
    %eq3A_259 = vector.broadcast %eq3A_258 : f32 to vector<16xf32>
    %eq3A_260 = arith.cmpf oeq, %select_n3A_89, %eq3A_259 : vector<16xf32>
    %select_n3A_261 = arith.select %eq3A_260, %div3A_178, %broadcast_in_dim3A_183 : vector<16xi1>, vector<16xf32>
    %eq3A_262 = arith.constant 5.000000e+00 : f32
    %eq3A_263 = vector.broadcast %eq3A_262 : f32 to vector<16xf32>
    %eq3A_264 = arith.cmpf oeq, %select_n3A_173, %eq3A_263 : vector<16xf32>
    %select_n3A_265 = arith.select %eq3A_264, %sub3A_181, %broadcast_in_dim3A_183 : vector<16xi1>, vector<16xf32>
    %add3A_266 = arith.addf %select_n3A_261, %select_n3A_265 : vector<16xf32>
    %swap3A_267 = arith.constant 5 : i32
    %swap3A_268 = arith.index_cast %swap3A_267 : i32 to index
    %swap3A_269 = arith.constant 0 : index
    %swap3A_270 = tpu.vector_load %arg5[%swap3A_268, %swap3A_269] {strides = array<i32>} : memref<8x64xf32, #tpu.memory_space<vmem>>, vector<1x16xf32>,
    %swap3A_271 = vector.shape_cast %swap3A_270 : vector<1x16xf32> to vector<16xf32>
    %swap3A_272 = vector.shape_cast %add3A_266 : vector<16xf32> to vector<1x16xf32>
    tpu.vector_store %arg5[%swap3A_268, %swap3A_269], %swap3A_272 {strides = array<i32>} : memref<8x64xf32, #tpu.memory_space<vmem>>, vector<1x16xf32>,
    %eq3A_273 = arith.constant 6.000000e+00 : f32
    %eq3A_274 = vector.broadcast %eq3A_273 : f32 to vector<16xf32>
    %eq3A_275 = arith.cmpf oeq, %select_n3A_89, %eq3A_274 : vector<16xf32>
    %select_n3A_276 = arith.select %eq3A_275, %div3A_178, %broadcast_in_dim3A_183 : vector<16xi1>, vector<16xf32>
    %eq3A_277 = arith.constant 6.000000e+00 : f32
    %eq3A_278 = vector.broadcast %eq3A_277 : f32 to vector<16xf32>
    %eq3A_279 = arith.cmpf oeq, %select_n3A_173, %eq3A_278 : vector<16xf32>
    %select_n3A_280 = arith.select %eq3A_279, %sub3A_181, %broadcast_in_dim3A_183 : vector<16xi1>, vector<16xf32>
    %add3A_281 = arith.addf %select_n3A_276, %select_n3A_280 : vector<16xf32>
    %swap3A_282 = arith.constant 6 : i32
    %swap3A_283 = arith.index_cast %swap3A_282 : i32 to index
    %swap3A_284 = arith.constant 0 : index
    %swap3A_285 = tpu.vector_load %arg5[%swap3A_283, %swap3A_284] {strides = array<i32>} : memref<8x64xf32, #tpu.memory_space<vmem>>, vector<1x16xf32>,
    %swap3A_286 = vector.shape_cast %swap3A_285 : vector<1x16xf32> to vector<16xf32>
    %swap3A_287 = vector.shape_cast %add3A_281 : vector<16xf32> to vector<1x16xf32>
    tpu.vector_store %arg5[%swap3A_283, %swap3A_284], %swap3A_287 {strides = array<i32>} : memref<8x64xf32, #tpu.memory_space<vmem>>, vector<1x16xf32>,
    %eq3A_288 = arith.constant 7.000000e+00 : f32
    %eq3A_289 = vector.broadcast %eq3A_288 : f32 to vector<16xf32>
    %eq3A_290 = arith.cmpf oeq, %select_n3A_89, %eq3A_289 : vector<16xf32>
    %select_n3A_291 = arith.select %eq3A_290, %div3A_178, %broadcast_in_dim3A_183 : vector<16xi1>, vector<16xf32>
    %eq3A_292 = arith.constant 7.000000e+00 : f32
    %eq3A_293 = vector.broadcast %eq3A_292 : f32 to vector<16xf32>
    %eq3A_294 = arith.cmpf oeq, %select_n3A_173, %eq3A_293 : vector<16xf32>
    %select_n3A_295 = arith.select %eq3A_294, %sub3A_181, %broadcast_in_dim3A_183 : vector<16xi1>, vector<16xf32>
    %add3A_296 = arith.addf %select_n3A_291, %select_n3A_295 : vector<16xf32>
    %swap3A_297 = arith.constant 7 : i32
    %swap3A_298 = arith.index_cast %swap3A_297 : i32 to index
    %swap3A_299 = arith.constant 0 : index
    %swap3A_300 = tpu.vector_load %arg5[%swap3A_298, %swap3A_299] {strides = array<i32>} : memref<8x64xf32, #tpu.memory_space<vmem>>, vector<1x16xf32>,
    %swap3A_301 = vector.shape_cast %swap3A_300 : vector<1x16xf32> to vector<16xf32>
    %swap3A_302 = vector.shape_cast %add3A_296 : vector<16xf32> to vector<1x16xf32>
    tpu.vector_store %arg5[%swap3A_298, %swap3A_299], %swap3A_302 {strides = array<i32>} : memref<8x64xf32, #tpu.memory_space<vmem>>, vector<1x16xf32>,
    %get3A_303 = arith.constant 0 : i32
    %get3A_304 = arith.index_cast %get3A_303 : i32 to index
    %get3A_305 = arith.constant 16 : index
    %get3A_306 = tpu.vector_load %arg4[%get3A_304, %get3A_305] {strides = array<i32>} : memref<8x64xf32, #tpu.memory_space<vmem>>, vector<1x16xf32>,
    %get3A_307 = vector.shape_cast %get3A_306 : vector<1x16xf32> to vector<16xf32>
    %get3A_308 = arith.constant 1 : i32
    %get3A_309 = arith.index_cast %get3A_308 : i32 to index
    %get3A_310 = arith.constant 16 : index
    %get3A_311 = tpu.vector_load %arg4[%get3A_309, %get3A_310] {strides = array<i32>} : memref<8x64xf32, #tpu.memory_space<vmem>>, vector<1x16xf32>,
    %get3A_312 = vector.shape_cast %get3A_311 : vector<1x16xf32> to vector<16xf32>
    %get3A_313 = arith.constant 2 : i32
    %get3A_314 = arith.index_cast %get3A_313 : i32 to index
    %get3A_315 = arith.constant 16 : index
    %get3A_316 = tpu.vector_load %arg4[%get3A_314, %get3A_315] {strides = array<i32>} : memref<8x64xf32, #tpu.memory_space<vmem>>, vector<1x16xf32>,
    %get3A_317 = vector.shape_cast %get3A_316 : vector<1x16xf32> to vector<16xf32>
    %get3A_318 = arith.constant 3 : i32
    %get3A_319 = arith.index_cast %get3A_318 : i32 to index
    %get3A_320 = arith.constant 16 : index
    %get3A_321 = tpu.vector_load %arg4[%get3A_319, %get3A_320] {strides = array<i32>} : memref<8x64xf32, #tpu.memory_space<vmem>>, vector<1x16xf32>,
    %get3A_322 = vector.shape_cast %get3A_321 : vector<1x16xf32> to vector<16xf32>
    %get3A_323 = arith.constant 4 : i32
    %get3A_324 = arith.index_cast %get3A_323 : i32 to index
    %get3A_325 = arith.constant 16 : index
    %get3A_326 = tpu.vector_load %arg4[%get3A_324, %get3A_325] {strides = array<i32>} : memref<8x64xf32, #tpu.memory_space<vmem>>, vector<1x16xf32>,
    %get3A_327 = vector.shape_cast %get3A_326 : vector<1x16xf32> to vector<16xf32>
    %get3A_328 = arith.constant 5 : i32
    %get3A_329 = arith.index_cast %get3A_328 : i32 to index
    %get3A_330 = arith.constant 16 : index
    %get3A_331 = tpu.vector_load %arg4[%get3A_329, %get3A_330] {strides = array<i32>} : memref<8x64xf32, #tpu.memory_space<vmem>>, vector<1x16xf32>,
    %get3A_332 = vector.shape_cast %get3A_331 : vector<1x16xf32> to vector<16xf32>
    %get3A_333 = arith.constant 6 : i32
    %get3A_334 = arith.index_cast %get3A_333 : i32 to index
    %get3A_335 = arith.constant 16 : index
    %get3A_336 = tpu.vector_load %arg4[%get3A_334, %get3A_335] {strides = array<i32>} : memref<8x64xf32, #tpu.memory_space<vmem>>, vector<1x16xf32>,
    %get3A_337 = vector.shape_cast %get3A_336 : vector<1x16xf32> to vector<16xf32>
    %get3A_338 = arith.constant 7 : i32
    %get3A_339 = arith.index_cast %get3A_338 : i32 to index
    %get3A_340 = arith.constant 16 : index
    %get3A_341 = tpu.vector_load %arg4[%get3A_339, %get3A_340] {strides = array<i32>} : memref<8x64xf32, #tpu.memory_space<vmem>>, vector<1x16xf32>,
    %get3A_342 = vector.shape_cast %get3A_341 : vector<1x16xf32> to vector<16xf32>
    %broadcast_in_dim3A_343 = arith.constant 0.000000e+00 : f32
    %broadcast_in_dim3A_344 = vector.broadcast %broadcast_in_dim3A_343 : f32 to vector<16xf32>
    %gt3A_345 = arith.cmpf ogt, %get3A_312, %get3A_307 : vector<16xf32>
    %select_n3A_346 = arith.select %gt3A_345, %get3A_312, %get3A_307 : vector<16xi1>, vector<16xf32>
    %jit3A_347 = arith.constant 1.000000e+00 : f32
    %broadcast_in_dim3A_348 = vector.broadcast %jit3A_347 : f32 to vector<16xf32>
    %select_n3A_349 = arith.select %gt3A_345, %broadcast_in_dim3A_348, %broadcast_in_dim3A_344 : vector<16xi1>, vector<16xf32>
    %gt3A_350 = arith.cmpf ogt, %get3A_317, %select_n3A_346 : vector<16xf32>
    %select_n3A_351 = arith.select %gt3A_350, %get3A_317, %select_n3A_346 : vector<16xi1>, vector<16xf32>
    %jit3A_352 = arith.constant 2.000000e+00 : f32
    %broadcast_in_dim3A_353 = vector.broadcast %jit3A_352 : f32 to vector<16xf32>
    %select_n3A_354 = arith.select %gt3A_350, %broadcast_in_dim3A_353, %select_n3A_349 : vector<16xi1>, vector<16xf32>
    %gt3A_355 = arith.cmpf ogt, %get3A_322, %select_n3A_351 : vector<16xf32>
    %select_n3A_356 = arith.select %gt3A_355, %get3A_322, %select_n3A_351 : vector<16xi1>, vector<16xf32>
    %jit3A_357 = arith.constant 3.000000e+00 : f32
    %broadcast_in_dim3A_358 = vector.broadcast %jit3A_357 : f32 to vector<16xf32>
    %select_n3A_359 = arith.select %gt3A_355, %broadcast_in_dim3A_358, %select_n3A_354 : vector<16xi1>, vector<16xf32>
    %gt3A_360 = arith.cmpf ogt, %get3A_327, %select_n3A_356 : vector<16xf32>
    %select_n3A_361 = arith.select %gt3A_360, %get3A_327, %select_n3A_356 : vector<16xi1>, vector<16xf32>
    %jit3A_362 = arith.constant 4.000000e+00 : f32
    %broadcast_in_dim3A_363 = vector.broadcast %jit3A_362 : f32 to vector<16xf32>
    %select_n3A_364 = arith.select %gt3A_360, %broadcast_in_dim3A_363, %select_n3A_359 : vector<16xi1>, vector<16xf32>
    %gt3A_365 = arith.cmpf ogt, %get3A_332, %select_n3A_361 : vector<16xf32>
    %select_n3A_366 = arith.select %gt3A_365, %get3A_332, %select_n3A_361 : vector<16xi1>, vector<16xf32>
    %jit3A_367 = arith.constant 5.000000e+00 : f32
    %broadcast_in_dim3A_368 = vector.broadcast %jit3A_367 : f32 to vector<16xf32>
    %select_n3A_369 = arith.select %gt3A_365, %broadcast_in_dim3A_368, %select_n3A_364 : vector<16xi1>, vector<16xf32>
    %gt3A_370 = arith.cmpf ogt, %get3A_337, %select_n3A_366 : vector<16xf32>
    %select_n3A_371 = arith.select %gt3A_370, %get3A_337, %select_n3A_366 : vector<16xi1>, vector<16xf32>
    %jit3A_372 = arith.constant 6.000000e+00 : f32
    %broadcast_in_dim3A_373 = vector.broadcast %jit3A_372 : f32 to vector<16xf32>
    %select_n3A_374 = arith.select %gt3A_370, %broadcast_in_dim3A_373, %select_n3A_369 : vector<16xi1>, vector<16xf32>
    %gt3A_375 = arith.cmpf ogt, %get3A_342, %select_n3A_371 : vector<16xf32>
    %select_n3A_376 = arith.select %gt3A_375, %get3A_342, %select_n3A_371 : vector<16xi1>, vector<16xf32>
    %jit3A_377 = arith.constant 7.000000e+00 : f32
    %broadcast_in_dim3A_378 = vector.broadcast %jit3A_377 : f32 to vector<16xf32>
    %select_n3A_379 = arith.select %gt3A_375, %broadcast_in_dim3A_378, %select_n3A_374 : vector<16xi1>, vector<16xf32>
    %eq3A_380 = arith.constant 0.000000e+00 : f32
    %eq3A_381 = vector.broadcast %eq3A_380 : f32 to vector<16xf32>
    %eq3A_382 = arith.cmpf oeq, %select_n3A_379, %eq3A_381 : vector<16xf32>
    %broadcast_in_dim3A_383 = arith.constant -1.000000e+30 : f32
    %broadcast_in_dim3A_384 = vector.broadcast %broadcast_in_dim3A_383 : f32 to vector<16xf32>
    %select_n3A_385 = arith.select %eq3A_382, %broadcast_in_dim3A_384, %get3A_307 : vector<16xi1>, vector<16xf32>
    %broadcast_in_dim3A_386 = arith.constant 0.000000e+00 : f32
    %broadcast_in_dim3A_387 = vector.broadcast %broadcast_in_dim3A_386 : f32 to vector<16xf32>
    %eq3A_388 = arith.constant 1.000000e+00 : f32
    %eq3A_389 = vector.broadcast %eq3A_388 : f32 to vector<16xf32>
    %eq3A_390 = arith.cmpf oeq, %select_n3A_379, %eq3A_389 : vector<16xf32>
    %broadcast_in_dim3A_391 = arith.constant -1.000000e+30 : f32
    %broadcast_in_dim3A_392 = vector.broadcast %broadcast_in_dim3A_391 : f32 to vector<16xf32>
    %select_n3A_393 = arith.select %eq3A_390, %broadcast_in_dim3A_392, %get3A_312 : vector<16xi1>, vector<16xf32>
    %gt3A_394 = arith.cmpf ogt, %select_n3A_393, %select_n3A_385 : vector<16xf32>
    %select_n3A_395 = arith.select %gt3A_394, %select_n3A_393, %select_n3A_385 : vector<16xi1>, vector<16xf32>
    %jit3A_396 = arith.constant 1.000000e+00 : f32
    %broadcast_in_dim3A_397 = vector.broadcast %jit3A_396 : f32 to vector<16xf32>
    %select_n3A_398 = arith.select %gt3A_394, %broadcast_in_dim3A_397, %broadcast_in_dim3A_387 : vector<16xi1>, vector<16xf32>
    %eq3A_399 = arith.constant 2.000000e+00 : f32
    %eq3A_400 = vector.broadcast %eq3A_399 : f32 to vector<16xf32>
    %eq3A_401 = arith.cmpf oeq, %select_n3A_379, %eq3A_400 : vector<16xf32>
    %broadcast_in_dim3A_402 = arith.constant -1.000000e+30 : f32
    %broadcast_in_dim3A_403 = vector.broadcast %broadcast_in_dim3A_402 : f32 to vector<16xf32>
    %select_n3A_404 = arith.select %eq3A_401, %broadcast_in_dim3A_403, %get3A_317 : vector<16xi1>, vector<16xf32>
    %gt3A_405 = arith.cmpf ogt, %select_n3A_404, %select_n3A_395 : vector<16xf32>
    %select_n3A_406 = arith.select %gt3A_405, %select_n3A_404, %select_n3A_395 : vector<16xi1>, vector<16xf32>
    %jit3A_407 = arith.constant 2.000000e+00 : f32
    %broadcast_in_dim3A_408 = vector.broadcast %jit3A_407 : f32 to vector<16xf32>
    %select_n3A_409 = arith.select %gt3A_405, %broadcast_in_dim3A_408, %select_n3A_398 : vector<16xi1>, vector<16xf32>
    %eq3A_410 = arith.constant 3.000000e+00 : f32
    %eq3A_411 = vector.broadcast %eq3A_410 : f32 to vector<16xf32>
    %eq3A_412 = arith.cmpf oeq, %select_n3A_379, %eq3A_411 : vector<16xf32>
    %broadcast_in_dim3A_413 = arith.constant -1.000000e+30 : f32
    %broadcast_in_dim3A_414 = vector.broadcast %broadcast_in_dim3A_413 : f32 to vector<16xf32>
    %select_n3A_415 = arith.select %eq3A_412, %broadcast_in_dim3A_414, %get3A_322 : vector<16xi1>, vector<16xf32>
    %gt3A_416 = arith.cmpf ogt, %select_n3A_415, %select_n3A_406 : vector<16xf32>
    %select_n3A_417 = arith.select %gt3A_416, %select_n3A_415, %select_n3A_406 : vector<16xi1>, vector<16xf32>
    %jit3A_418 = arith.constant 3.000000e+00 : f32
    %broadcast_in_dim3A_419 = vector.broadcast %jit3A_418 : f32 to vector<16xf32>
    %select_n3A_420 = arith.select %gt3A_416, %broadcast_in_dim3A_419, %select_n3A_409 : vector<16xi1>, vector<16xf32>
    %eq3A_421 = arith.constant 4.000000e+00 : f32
    %eq3A_422 = vector.broadcast %eq3A_421 : f32 to vector<16xf32>
    %eq3A_423 = arith.cmpf oeq, %select_n3A_379, %eq3A_422 : vector<16xf32>
    %broadcast_in_dim3A_424 = arith.constant -1.000000e+30 : f32
    %broadcast_in_dim3A_425 = vector.broadcast %broadcast_in_dim3A_424 : f32 to vector<16xf32>
    %select_n3A_426 = arith.select %eq3A_423, %broadcast_in_dim3A_425, %get3A_327 : vector<16xi1>, vector<16xf32>
    %gt3A_427 = arith.cmpf ogt, %select_n3A_426, %select_n3A_417 : vector<16xf32>
    %select_n3A_428 = arith.select %gt3A_427, %select_n3A_426, %select_n3A_417 : vector<16xi1>, vector<16xf32>
    %jit3A_429 = arith.constant 4.000000e+00 : f32
    %broadcast_in_dim3A_430 = vector.broadcast %jit3A_429 : f32 to vector<16xf32>
    %select_n3A_431 = arith.select %gt3A_427, %broadcast_in_dim3A_430, %select_n3A_420 : vector<16xi1>, vector<16xf32>
    %eq3A_432 = arith.constant 5.000000e+00 : f32
    %eq3A_433 = vector.broadcast %eq3A_432 : f32 to vector<16xf32>
    %eq3A_434 = arith.cmpf oeq, %select_n3A_379, %eq3A_433 : vector<16xf32>
    %broadcast_in_dim3A_435 = arith.constant -1.000000e+30 : f32
    %broadcast_in_dim3A_436 = vector.broadcast %broadcast_in_dim3A_435 : f32 to vector<16xf32>
    %select_n3A_437 = arith.select %eq3A_434, %broadcast_in_dim3A_436, %get3A_332 : vector<16xi1>, vector<16xf32>
    %gt3A_438 = arith.cmpf ogt, %select_n3A_437, %select_n3A_428 : vector<16xf32>
    %select_n3A_439 = arith.select %gt3A_438, %select_n3A_437, %select_n3A_428 : vector<16xi1>, vector<16xf32>
    %jit3A_440 = arith.constant 5.000000e+00 : f32
    %broadcast_in_dim3A_441 = vector.broadcast %jit3A_440 : f32 to vector<16xf32>
    %select_n3A_442 = arith.select %gt3A_438, %broadcast_in_dim3A_441, %select_n3A_431 : vector<16xi1>, vector<16xf32>
    %eq3A_443 = arith.constant 6.000000e+00 : f32
    %eq3A_444 = vector.broadcast %eq3A_443 : f32 to vector<16xf32>
    %eq3A_445 = arith.cmpf oeq, %select_n3A_379, %eq3A_444 : vector<16xf32>
    %broadcast_in_dim3A_446 = arith.constant -1.000000e+30 : f32
    %broadcast_in_dim3A_447 = vector.broadcast %broadcast_in_dim3A_446 : f32 to vector<16xf32>
    %select_n3A_448 = arith.select %eq3A_445, %broadcast_in_dim3A_447, %get3A_337 : vector<16xi1>, vector<16xf32>
    %gt3A_449 = arith.cmpf ogt, %select_n3A_448, %select_n3A_439 : vector<16xf32>
    %select_n3A_450 = arith.select %gt3A_449, %select_n3A_448, %select_n3A_439 : vector<16xi1>, vector<16xf32>
    %jit3A_451 = arith.constant 6.000000e+00 : f32
    %broadcast_in_dim3A_452 = vector.broadcast %jit3A_451 : f32 to vector<16xf32>
    %select_n3A_453 = arith.select %gt3A_449, %broadcast_in_dim3A_452, %select_n3A_442 : vector<16xi1>, vector<16xf32>
    %eq3A_454 = arith.constant 7.000000e+00 : f32
    %eq3A_455 = vector.broadcast %eq3A_454 : f32 to vector<16xf32>
    %eq3A_456 = arith.cmpf oeq, %select_n3A_379, %eq3A_455 : vector<16xf32>
    %broadcast_in_dim3A_457 = arith.constant -1.000000e+30 : f32
    %broadcast_in_dim3A_458 = vector.broadcast %broadcast_in_dim3A_457 : f32 to vector<16xf32>
    %select_n3A_459 = arith.select %eq3A_456, %broadcast_in_dim3A_458, %get3A_342 : vector<16xi1>, vector<16xf32>
    %gt3A_460 = arith.cmpf ogt, %select_n3A_459, %select_n3A_450 : vector<16xf32>
    %select_n3A_461 = arith.select %gt3A_460, %select_n3A_459, %select_n3A_450 : vector<16xi1>, vector<16xf32>
    %jit3A_462 = arith.constant 7.000000e+00 : f32
    %broadcast_in_dim3A_463 = vector.broadcast %jit3A_462 : f32 to vector<16xf32>
    %select_n3A_464 = arith.select %gt3A_460, %broadcast_in_dim3A_463, %select_n3A_453 : vector<16xi1>, vector<16xf32>
    %sub3A_465 = arith.subf %select_n3A_461, %select_n3A_376 : vector<16xf32>
    %exp3A_466 = math.exp %sub3A_465 : vector<16xf32>
    %add3A_467 = arith.constant 1.000000e+00 : f32
    %add3A_468 = vector.broadcast %add3A_467 : f32 to vector<16xf32>
    %add3A_469 = arith.addf %add3A_468, %exp3A_466 : vector<16xf32>
    %div3A_470 = arith.constant 1.000000e+00 : f32
    %div3A_471 = vector.broadcast %div3A_470 : f32 to vector<16xf32>
    %div3A_472 = arith.divf %div3A_471, %add3A_469 : vector<16xf32>
    %sub3A_473 = arith.constant 1.000000e+00 : f32
    %sub3A_474 = vector.broadcast %sub3A_473 : f32 to vector<16xf32>
    %sub3A_475 = arith.subf %sub3A_474, %div3A_472 : vector<16xf32>
    %broadcast_in_dim3A_476 = arith.constant 0.000000e+00 : f32
    %broadcast_in_dim3A_477 = vector.broadcast %broadcast_in_dim3A_476 : f32 to vector<16xf32>
    %eq3A_478 = arith.constant 0.000000e+00 : f32
    %eq3A_479 = vector.broadcast %eq3A_478 : f32 to vector<16xf32>
    %eq3A_480 = arith.cmpf oeq, %select_n3A_379, %eq3A_479 : vector<16xf32>
    %select_n3A_481 = arith.select %eq3A_480, %div3A_472, %broadcast_in_dim3A_477 : vector<16xi1>, vector<16xf32>
    %eq3A_482 = arith.constant 0.000000e+00 : f32
    %eq3A_483 = vector.broadcast %eq3A_482 : f32 to vector<16xf32>
    %eq3A_484 = arith.cmpf oeq, %select_n3A_464, %eq3A_483 : vector<16xf32>
    %select_n3A_485 = arith.select %eq3A_484, %sub3A_475, %broadcast_in_dim3A_477 : vector<16xi1>, vector<16xf32>
    %add3A_486 = arith.addf %select_n3A_481, %select_n3A_485 : vector<16xf32>
    %swap3A_487 = arith.constant 0 : i32
    %swap3A_488 = arith.index_cast %swap3A_487 : i32 to index
    %swap3A_489 = arith.constant 16 : index
    %swap3A_490 = tpu.vector_load %arg5[%swap3A_488, %swap3A_489] {strides = array<i32>} : memref<8x64xf32, #tpu.memory_space<vmem>>, vector<1x16xf32>,
    %swap3A_491 = vector.shape_cast %swap3A_490 : vector<1x16xf32> to vector<16xf32>
    %swap3A_492 = vector.shape_cast %add3A_486 : vector<16xf32> to vector<1x16xf32>
    tpu.vector_store %arg5[%swap3A_488, %swap3A_489], %swap3A_492 {strides = array<i32>} : memref<8x64xf32, #tpu.memory_space<vmem>>, vector<1x16xf32>,
    %eq3A_493 = arith.constant 1.000000e+00 : f32
    %eq3A_494 = vector.broadcast %eq3A_493 : f32 to vector<16xf32>
    %eq3A_495 = arith.cmpf oeq, %select_n3A_379, %eq3A_494 : vector<16xf32>
    %select_n3A_496 = arith.select %eq3A_495, %div3A_472, %broadcast_in_dim3A_477 : vector<16xi1>, vector<16xf32>
    %eq3A_497 = arith.constant 1.000000e+00 : f32
    %eq3A_498 = vector.broadcast %eq3A_497 : f32 to vector<16xf32>
    %eq3A_499 = arith.cmpf oeq, %select_n3A_464, %eq3A_498 : vector<16xf32>
    %select_n3A_500 = arith.select %eq3A_499, %sub3A_475, %broadcast_in_dim3A_477 : vector<16xi1>, vector<16xf32>
    %add3A_501 = arith.addf %select_n3A_496, %select_n3A_500 : vector<16xf32>
    %swap3A_502 = arith.constant 1 : i32
    %swap3A_503 = arith.index_cast %swap3A_502 : i32 to index
    %swap3A_504 = arith.constant 16 : index
    %swap3A_505 = tpu.vector_load %arg5[%swap3A_503, %swap3A_504] {strides = array<i32>} : memref<8x64xf32, #tpu.memory_space<vmem>>, vector<1x16xf32>,
    %swap3A_506 = vector.shape_cast %swap3A_505 : vector<1x16xf32> to vector<16xf32>
    %swap3A_507 = vector.shape_cast %add3A_501 : vector<16xf32> to vector<1x16xf32>
    tpu.vector_store %arg5[%swap3A_503, %swap3A_504], %swap3A_507 {strides = array<i32>} : memref<8x64xf32, #tpu.memory_space<vmem>>, vector<1x16xf32>,
    %eq3A_508 = arith.constant 2.000000e+00 : f32
    %eq3A_509 = vector.broadcast %eq3A_508 : f32 to vector<16xf32>
    %eq3A_510 = arith.cmpf oeq, %select_n3A_379, %eq3A_509 : vector<16xf32>
    %select_n3A_511 = arith.select %eq3A_510, %div3A_472, %broadcast_in_dim3A_477 : vector<16xi1>, vector<16xf32>
    %eq3A_512 = arith.constant 2.000000e+00 : f32
    %eq3A_513 = vector.broadcast %eq3A_512 : f32 to vector<16xf32>
    %eq3A_514 = arith.cmpf oeq, %select_n3A_464, %eq3A_513 : vector<16xf32>
    %select_n3A_515 = arith.select %eq3A_514, %sub3A_475, %broadcast_in_dim3A_477 : vector<16xi1>, vector<16xf32>
    %add3A_516 = arith.addf %select_n3A_511, %select_n3A_515 : vector<16xf32>
    %swap3A_517 = arith.constant 2 : i32
    %swap3A_518 = arith.index_cast %swap3A_517 : i32 to index
    %swap3A_519 = arith.constant 16 : index
    %swap3A_520 = tpu.vector_load %arg5[%swap3A_518, %swap3A_519] {strides = array<i32>} : memref<8x64xf32, #tpu.memory_space<vmem>>, vector<1x16xf32>,
    %swap3A_521 = vector.shape_cast %swap3A_520 : vector<1x16xf32> to vector<16xf32>
    %swap3A_522 = vector.shape_cast %add3A_516 : vector<16xf32> to vector<1x16xf32>
    tpu.vector_store %arg5[%swap3A_518, %swap3A_519], %swap3A_522 {strides = array<i32>} : memref<8x64xf32, #tpu.memory_space<vmem>>, vector<1x16xf32>,
    %eq3A_523 = arith.constant 3.000000e+00 : f32
    %eq3A_524 = vector.broadcast %eq3A_523 : f32 to vector<16xf32>
    %eq3A_525 = arith.cmpf oeq, %select_n3A_379, %eq3A_524 : vector<16xf32>
    %select_n3A_526 = arith.select %eq3A_525, %div3A_472, %broadcast_in_dim3A_477 : vector<16xi1>, vector<16xf32>
    %eq3A_527 = arith.constant 3.000000e+00 : f32
    %eq3A_528 = vector.broadcast %eq3A_527 : f32 to vector<16xf32>
    %eq3A_529 = arith.cmpf oeq, %select_n3A_464, %eq3A_528 : vector<16xf32>
    %select_n3A_530 = arith.select %eq3A_529, %sub3A_475, %broadcast_in_dim3A_477 : vector<16xi1>, vector<16xf32>
    %add3A_531 = arith.addf %select_n3A_526, %select_n3A_530 : vector<16xf32>
    %swap3A_532 = arith.constant 3 : i32
    %swap3A_533 = arith.index_cast %swap3A_532 : i32 to index
    %swap3A_534 = arith.constant 16 : index
    %swap3A_535 = tpu.vector_load %arg5[%swap3A_533, %swap3A_534] {strides = array<i32>} : memref<8x64xf32, #tpu.memory_space<vmem>>, vector<1x16xf32>,
    %swap3A_536 = vector.shape_cast %swap3A_535 : vector<1x16xf32> to vector<16xf32>
    %swap3A_537 = vector.shape_cast %add3A_531 : vector<16xf32> to vector<1x16xf32>
    tpu.vector_store %arg5[%swap3A_533, %swap3A_534], %swap3A_537 {strides = array<i32>} : memref<8x64xf32, #tpu.memory_space<vmem>>, vector<1x16xf32>,
    %eq3A_538 = arith.constant 4.000000e+00 : f32
    %eq3A_539 = vector.broadcast %eq3A_538 : f32 to vector<16xf32>
    %eq3A_540 = arith.cmpf oeq, %select_n3A_379, %eq3A_539 : vector<16xf32>
    %select_n3A_541 = arith.select %eq3A_540, %div3A_472, %broadcast_in_dim3A_477 : vector<16xi1>, vector<16xf32>
    %eq3A_542 = arith.constant 4.000000e+00 : f32
    %eq3A_543 = vector.broadcast %eq3A_542 : f32 to vector<16xf32>
    %eq3A_544 = arith.cmpf oeq, %select_n3A_464, %eq3A_543 : vector<16xf32>
    %select_n3A_545 = arith.select %eq3A_544, %sub3A_475, %broadcast_in_dim3A_477 : vector<16xi1>, vector<16xf32>
    %add3A_546 = arith.addf %select_n3A_541, %select_n3A_545 : vector<16xf32>
    %swap3A_547 = arith.constant 4 : i32
    %swap3A_548 = arith.index_cast %swap3A_547 : i32 to index
    %swap3A_549 = arith.constant 16 : index
    %swap3A_550 = tpu.vector_load %arg5[%swap3A_548, %swap3A_549] {strides = array<i32>} : memref<8x64xf32, #tpu.memory_space<vmem>>, vector<1x16xf32>,
    %swap3A_551 = vector.shape_cast %swap3A_550 : vector<1x16xf32> to vector<16xf32>
    %swap3A_552 = vector.shape_cast %add3A_546 : vector<16xf32> to vector<1x16xf32>
    tpu.vector_store %arg5[%swap3A_548, %swap3A_549], %swap3A_552 {strides = array<i32>} : memref<8x64xf32, #tpu.memory_space<vmem>>, vector<1x16xf32>,
    %eq3A_553 = arith.constant 5.000000e+00 : f32
    %eq3A_554 = vector.broadcast %eq3A_553 : f32 to vector<16xf32>
    %eq3A_555 = arith.cmpf oeq, %select_n3A_379, %eq3A_554 : vector<16xf32>
    %select_n3A_556 = arith.select %eq3A_555, %div3A_472, %broadcast_in_dim3A_477 : vector<16xi1>, vector<16xf32>
    %eq3A_557 = arith.constant 5.000000e+00 : f32
    %eq3A_558 = vector.broadcast %eq3A_557 : f32 to vector<16xf32>
    %eq3A_559 = arith.cmpf oeq, %select_n3A_464, %eq3A_558 : vector<16xf32>
    %select_n3A_560 = arith.select %eq3A_559, %sub3A_475, %broadcast_in_dim3A_477 : vector<16xi1>, vector<16xf32>
    %add3A_561 = arith.addf %select_n3A_556, %select_n3A_560 : vector<16xf32>
    %swap3A_562 = arith.constant 5 : i32
    %swap3A_563 = arith.index_cast %swap3A_562 : i32 to index
    %swap3A_564 = arith.constant 16 : index
    %swap3A_565 = tpu.vector_load %arg5[%swap3A_563, %swap3A_564] {strides = array<i32>} : memref<8x64xf32, #tpu.memory_space<vmem>>, vector<1x16xf32>,
    %swap3A_566 = vector.shape_cast %swap3A_565 : vector<1x16xf32> to vector<16xf32>
    %swap3A_567 = vector.shape_cast %add3A_561 : vector<16xf32> to vector<1x16xf32>
    tpu.vector_store %arg5[%swap3A_563, %swap3A_564], %swap3A_567 {strides = array<i32>} : memref<8x64xf32, #tpu.memory_space<vmem>>, vector<1x16xf32>,
    %eq3A_568 = arith.constant 6.000000e+00 : f32
    %eq3A_569 = vector.broadcast %eq3A_568 : f32 to vector<16xf32>
    %eq3A_570 = arith.cmpf oeq, %select_n3A_379, %eq3A_569 : vector<16xf32>
    %select_n3A_571 = arith.select %eq3A_570, %div3A_472, %broadcast_in_dim3A_477 : vector<16xi1>, vector<16xf32>
    %eq3A_572 = arith.constant 6.000000e+00 : f32
    %eq3A_573 = vector.broadcast %eq3A_572 : f32 to vector<16xf32>
    %eq3A_574 = arith.cmpf oeq, %select_n3A_464, %eq3A_573 : vector<16xf32>
    %select_n3A_575 = arith.select %eq3A_574, %sub3A_475, %broadcast_in_dim3A_477 : vector<16xi1>, vector<16xf32>
    %add3A_576 = arith.addf %select_n3A_571, %select_n3A_575 : vector<16xf32>
    %swap3A_577 = arith.constant 6 : i32
    %swap3A_578 = arith.index_cast %swap3A_577 : i32 to index
    %swap3A_579 = arith.constant 16 : index
    %swap3A_580 = tpu.vector_load %arg5[%swap3A_578, %swap3A_579] {strides = array<i32>} : memref<8x64xf32, #tpu.memory_space<vmem>>, vector<1x16xf32>,
    %swap3A_581 = vector.shape_cast %swap3A_580 : vector<1x16xf32> to vector<16xf32>
    %swap3A_582 = vector.shape_cast %add3A_576 : vector<16xf32> to vector<1x16xf32>
    tpu.vector_store %arg5[%swap3A_578, %swap3A_579], %swap3A_582 {strides = array<i32>} : memref<8x64xf32, #tpu.memory_space<vmem>>, vector<1x16xf32>,
    %eq3A_583 = arith.constant 7.000000e+00 : f32
    %eq3A_584 = vector.broadcast %eq3A_583 : f32 to vector<16xf32>
    %eq3A_585 = arith.cmpf oeq, %select_n3A_379, %eq3A_584 : vector<16xf32>
    %select_n3A_586 = arith.select %eq3A_585, %div3A_472, %broadcast_in_dim3A_477 : vector<16xi1>, vector<16xf32>
    %eq3A_587 = arith.constant 7.000000e+00 : f32
    %eq3A_588 = vector.broadcast %eq3A_587 : f32 to vector<16xf32>
    %eq3A_589 = arith.cmpf oeq, %select_n3A_464, %eq3A_588 : vector<16xf32>
    %select_n3A_590 = arith.select %eq3A_589, %sub3A_475, %broadcast_in_dim3A_477 : vector<16xi1>, vector<16xf32>
    %add3A_591 = arith.addf %select_n3A_586, %select_n3A_590 : vector<16xf32>
    %swap3A_592 = arith.constant 7 : i32
    %swap3A_593 = arith.index_cast %swap3A_592 : i32 to index
    %swap3A_594 = arith.constant 16 : index
    %swap3A_595 = tpu.vector_load %arg5[%swap3A_593, %swap3A_594] {strides = array<i32>} : memref<8x64xf32, #tpu.memory_space<vmem>>, vector<1x16xf32>,
    %swap3A_596 = vector.shape_cast %swap3A_595 : vector<1x16xf32> to vector<16xf32>
    %swap3A_597 = vector.shape_cast %add3A_591 : vector<16xf32> to vector<1x16xf32>
    tpu.vector_store %arg5[%swap3A_593, %swap3A_594], %swap3A_597 {strides = array<i32>} : memref<8x64xf32, #tpu.memory_space<vmem>>, vector<1x16xf32>,
    %get3A_598 = arith.constant 0 : i32
    %get3A_599 = arith.index_cast %get3A_598 : i32 to index
    %get3A_600 = arith.constant 32 : index
    %get3A_601 = tpu.vector_load %arg4[%get3A_599, %get3A_600] {strides = array<i32>} : memref<8x64xf32, #tpu.memory_space<vmem>>, vector<1x16xf32>,
    %get3A_602 = vector.shape_cast %get3A_601 : vector<1x16xf32> to vector<16xf32>
    %get3A_603 = arith.constant 1 : i32
    %get3A_604 = arith.index_cast %get3A_603 : i32 to index
    %get3A_605 = arith.constant 32 : index
    %get3A_606 = tpu.vector_load %arg4[%get3A_604, %get3A_605] {strides = array<i32>} : memref<8x64xf32, #tpu.memory_space<vmem>>, vector<1x16xf32>,
    %get3A_607 = vector.shape_cast %get3A_606 : vector<1x16xf32> to vector<16xf32>
    %get3A_608 = arith.constant 2 : i32
    %get3A_609 = arith.index_cast %get3A_608 : i32 to index
    %get3A_610 = arith.constant 32 : index
    %get3A_611 = tpu.vector_load %arg4[%get3A_609, %get3A_610] {strides = array<i32>} : memref<8x64xf32, #tpu.memory_space<vmem>>, vector<1x16xf32>,
    %get3A_612 = vector.shape_cast %get3A_611 : vector<1x16xf32> to vector<16xf32>
    %get3A_613 = arith.constant 3 : i32
    %get3A_614 = arith.index_cast %get3A_613 : i32 to index
    %get3A_615 = arith.constant 32 : index
    %get3A_616 = tpu.vector_load %arg4[%get3A_614, %get3A_615] {strides = array<i32>} : memref<8x64xf32, #tpu.memory_space<vmem>>, vector<1x16xf32>,
    %get3A_617 = vector.shape_cast %get3A_616 : vector<1x16xf32> to vector<16xf32>
    %get3A_618 = arith.constant 4 : i32
    %get3A_619 = arith.index_cast %get3A_618 : i32 to index
    %get3A_620 = arith.constant 32 : index
    %get3A_621 = tpu.vector_load %arg4[%get3A_619, %get3A_620] {strides = array<i32>} : memref<8x64xf32, #tpu.memory_space<vmem>>, vector<1x16xf32>,
    %get3A_622 = vector.shape_cast %get3A_621 : vector<1x16xf32> to vector<16xf32>
    %get3A_623 = arith.constant 5 : i32
    %get3A_624 = arith.index_cast %get3A_623 : i32 to index
    %get3A_625 = arith.constant 32 : index
    %get3A_626 = tpu.vector_load %arg4[%get3A_624, %get3A_625] {strides = array<i32>} : memref<8x64xf32, #tpu.memory_space<vmem>>, vector<1x16xf32>,
    %get3A_627 = vector.shape_cast %get3A_626 : vector<1x16xf32> to vector<16xf32>
    %get3A_628 = arith.constant 6 : i32
    %get3A_629 = arith.index_cast %get3A_628 : i32 to index
    %get3A_630 = arith.constant 32 : index
    %get3A_631 = tpu.vector_load %arg4[%get3A_629, %get3A_630] {strides = array<i32>} : memref<8x64xf32, #tpu.memory_space<vmem>>, vector<1x16xf32>,
    %get3A_632 = vector.shape_cast %get3A_631 : vector<1x16xf32> to vector<16xf32>
    %get3A_633 = arith.constant 7 : i32
    %get3A_634 = arith.index_cast %get3A_633 : i32 to index
    %get3A_635 = arith.constant 32 : index
    %get3A_636 = tpu.vector_load %arg4[%get3A_634, %get3A_635] {strides = array<i32>} : memref<8x64xf32, #tpu.memory_space<vmem>>, vector<1x16xf32>,
    %get3A_637 = vector.shape_cast %get3A_636 : vector<1x16xf32> to vector<16xf32>
    %broadcast_in_dim3A_638 = arith.constant 0.000000e+00 : f32
    %broadcast_in_dim3A_639 = vector.broadcast %broadcast_in_dim3A_638 : f32 to vector<16xf32>
    %gt3A_640 = arith.cmpf ogt, %get3A_607, %get3A_602 : vector<16xf32>
    %select_n3A_641 = arith.select %gt3A_640, %get3A_607, %get3A_602 : vector<16xi1>, vector<16xf32>
    %jit3A_642 = arith.constant 1.000000e+00 : f32
    %broadcast_in_dim3A_643 = vector.broadcast %jit3A_642 : f32 to vector<16xf32>
    %select_n3A_644 = arith.select %gt3A_640, %broadcast_in_dim3A_643, %broadcast_in_dim3A_639 : vector<16xi1>, vector<16xf32>
    %gt3A_645 = arith.cmpf ogt, %get3A_612, %select_n3A_641 : vector<16xf32>
    %select_n3A_646 = arith.select %gt3A_645, %get3A_612, %select_n3A_641 : vector<16xi1>, vector<16xf32>
    %jit3A_647 = arith.constant 2.000000e+00 : f32
    %broadcast_in_dim3A_648 = vector.broadcast %jit3A_647 : f32 to vector<16xf32>
    %select_n3A_649 = arith.select %gt3A_645, %broadcast_in_dim3A_648, %select_n3A_644 : vector<16xi1>, vector<16xf32>
    %gt3A_650 = arith.cmpf ogt, %get3A_617, %select_n3A_646 : vector<16xf32>
    %select_n3A_651 = arith.select %gt3A_650, %get3A_617, %select_n3A_646 : vector<16xi1>, vector<16xf32>
    %jit3A_652 = arith.constant 3.000000e+00 : f32
    %broadcast_in_dim3A_653 = vector.broadcast %jit3A_652 : f32 to vector<16xf32>
    %select_n3A_654 = arith.select %gt3A_650, %broadcast_in_dim3A_653, %select_n3A_649 : vector<16xi1>, vector<16xf32>
    %gt3A_655 = arith.cmpf ogt, %get3A_622, %select_n3A_651 : vector<16xf32>
    %select_n3A_656 = arith.select %gt3A_655, %get3A_622, %select_n3A_651 : vector<16xi1>, vector<16xf32>
    %jit3A_657 = arith.constant 4.000000e+00 : f32
    %broadcast_in_dim3A_658 = vector.broadcast %jit3A_657 : f32 to vector<16xf32>
    %select_n3A_659 = arith.select %gt3A_655, %broadcast_in_dim3A_658, %select_n3A_654 : vector<16xi1>, vector<16xf32>
    %gt3A_660 = arith.cmpf ogt, %get3A_627, %select_n3A_656 : vector<16xf32>
    %select_n3A_661 = arith.select %gt3A_660, %get3A_627, %select_n3A_656 : vector<16xi1>, vector<16xf32>
    %jit3A_662 = arith.constant 5.000000e+00 : f32
    %broadcast_in_dim3A_663 = vector.broadcast %jit3A_662 : f32 to vector<16xf32>
    %select_n3A_664 = arith.select %gt3A_660, %broadcast_in_dim3A_663, %select_n3A_659 : vector<16xi1>, vector<16xf32>
    %gt3A_665 = arith.cmpf ogt, %get3A_632, %select_n3A_661 : vector<16xf32>
    %select_n3A_666 = arith.select %gt3A_665, %get3A_632, %select_n3A_661 : vector<16xi1>, vector<16xf32>
    %jit3A_667 = arith.constant 6.000000e+00 : f32
    %broadcast_in_dim3A_668 = vector.broadcast %jit3A_667 : f32 to vector<16xf32>
    %select_n3A_669 = arith.select %gt3A_665, %broadcast_in_dim3A_668, %select_n3A_664 : vector<16xi1>, vector<16xf32>
    %gt3A_670 = arith.cmpf ogt, %get3A_637, %select_n3A_666 : vector<16xf32>
    %select_n3A_671 = arith.select %gt3A_670, %get3A_637, %select_n3A_666 : vector<16xi1>, vector<16xf32>
    %jit3A_672 = arith.constant 7.000000e+00 : f32
    %broadcast_in_dim3A_673 = vector.broadcast %jit3A_672 : f32 to vector<16xf32>
    %select_n3A_674 = arith.select %gt3A_670, %broadcast_in_dim3A_673, %select_n3A_669 : vector<16xi1>, vector<16xf32>
    %eq3A_675 = arith.constant 0.000000e+00 : f32
    %eq3A_676 = vector.broadcast %eq3A_675 : f32 to vector<16xf32>
    %eq3A_677 = arith.cmpf oeq, %select_n3A_674, %eq3A_676 : vector<16xf32>
    %broadcast_in_dim3A_678 = arith.constant -1.000000e+30 : f32
    %broadcast_in_dim3A_679 = vector.broadcast %broadcast_in_dim3A_678 : f32 to vector<16xf32>
    %select_n3A_680 = arith.select %eq3A_677, %broadcast_in_dim3A_679, %get3A_602 : vector<16xi1>, vector<16xf32>
    %broadcast_in_dim3A_681 = arith.constant 0.000000e+00 : f32
    %broadcast_in_dim3A_682 = vector.broadcast %broadcast_in_dim3A_681 : f32 to vector<16xf32>
    %eq3A_683 = arith.constant 1.000000e+00 : f32
    %eq3A_684 = vector.broadcast %eq3A_683 : f32 to vector<16xf32>
    %eq3A_685 = arith.cmpf oeq, %select_n3A_674, %eq3A_684 : vector<16xf32>
    %broadcast_in_dim3A_686 = arith.constant -1.000000e+30 : f32
    %broadcast_in_dim3A_687 = vector.broadcast %broadcast_in_dim3A_686 : f32 to vector<16xf32>
    %select_n3A_688 = arith.select %eq3A_685, %broadcast_in_dim3A_687, %get3A_607 : vector<16xi1>, vector<16xf32>
    %gt3A_689 = arith.cmpf ogt, %select_n3A_688, %select_n3A_680 : vector<16xf32>
    %select_n3A_690 = arith.select %gt3A_689, %select_n3A_688, %select_n3A_680 : vector<16xi1>, vector<16xf32>
    %jit3A_691 = arith.constant 1.000000e+00 : f32
    %broadcast_in_dim3A_692 = vector.broadcast %jit3A_691 : f32 to vector<16xf32>
    %select_n3A_693 = arith.select %gt3A_689, %broadcast_in_dim3A_692, %broadcast_in_dim3A_682 : vector<16xi1>, vector<16xf32>
    %eq3A_694 = arith.constant 2.000000e+00 : f32
    %eq3A_695 = vector.broadcast %eq3A_694 : f32 to vector<16xf32>
    %eq3A_696 = arith.cmpf oeq, %select_n3A_674, %eq3A_695 : vector<16xf32>
    %broadcast_in_dim3A_697 = arith.constant -1.000000e+30 : f32
    %broadcast_in_dim3A_698 = vector.broadcast %broadcast_in_dim3A_697 : f32 to vector<16xf32>
    %select_n3A_699 = arith.select %eq3A_696, %broadcast_in_dim3A_698, %get3A_612 : vector<16xi1>, vector<16xf32>
    %gt3A_700 = arith.cmpf ogt, %select_n3A_699, %select_n3A_690 : vector<16xf32>
    %select_n3A_701 = arith.select %gt3A_700, %select_n3A_699, %select_n3A_690 : vector<16xi1>, vector<16xf32>
    %jit3A_702 = arith.constant 2.000000e+00 : f32
    %broadcast_in_dim3A_703 = vector.broadcast %jit3A_702 : f32 to vector<16xf32>
    %select_n3A_704 = arith.select %gt3A_700, %broadcast_in_dim3A_703, %select_n3A_693 : vector<16xi1>, vector<16xf32>
    %eq3A_705 = arith.constant 3.000000e+00 : f32
    %eq3A_706 = vector.broadcast %eq3A_705 : f32 to vector<16xf32>
    %eq3A_707 = arith.cmpf oeq, %select_n3A_674, %eq3A_706 : vector<16xf32>
    %broadcast_in_dim3A_708 = arith.constant -1.000000e+30 : f32
    %broadcast_in_dim3A_709 = vector.broadcast %broadcast_in_dim3A_708 : f32 to vector<16xf32>
    %select_n3A_710 = arith.select %eq3A_707, %broadcast_in_dim3A_709, %get3A_617 : vector<16xi1>, vector<16xf32>
    %gt3A_711 = arith.cmpf ogt, %select_n3A_710, %select_n3A_701 : vector<16xf32>
    %select_n3A_712 = arith.select %gt3A_711, %select_n3A_710, %select_n3A_701 : vector<16xi1>, vector<16xf32>
    %jit3A_713 = arith.constant 3.000000e+00 : f32
    %broadcast_in_dim3A_714 = vector.broadcast %jit3A_713 : f32 to vector<16xf32>
    %select_n3A_715 = arith.select %gt3A_711, %broadcast_in_dim3A_714, %select_n3A_704 : vector<16xi1>, vector<16xf32>
    %eq3A_716 = arith.constant 4.000000e+00 : f32
    %eq3A_717 = vector.broadcast %eq3A_716 : f32 to vector<16xf32>
    %eq3A_718 = arith.cmpf oeq, %select_n3A_674, %eq3A_717 : vector<16xf32>
    %broadcast_in_dim3A_719 = arith.constant -1.000000e+30 : f32
    %broadcast_in_dim3A_720 = vector.broadcast %broadcast_in_dim3A_719 : f32 to vector<16xf32>
    %select_n3A_721 = arith.select %eq3A_718, %broadcast_in_dim3A_720, %get3A_622 : vector<16xi1>, vector<16xf32>
    %gt3A_722 = arith.cmpf ogt, %select_n3A_721, %select_n3A_712 : vector<16xf32>
    %select_n3A_723 = arith.select %gt3A_722, %select_n3A_721, %select_n3A_712 : vector<16xi1>, vector<16xf32>
    %jit3A_724 = arith.constant 4.000000e+00 : f32
    %broadcast_in_dim3A_725 = vector.broadcast %jit3A_724 : f32 to vector<16xf32>
    %select_n3A_726 = arith.select %gt3A_722, %broadcast_in_dim3A_725, %select_n3A_715 : vector<16xi1>, vector<16xf32>
    %eq3A_727 = arith.constant 5.000000e+00 : f32
    %eq3A_728 = vector.broadcast %eq3A_727 : f32 to vector<16xf32>
    %eq3A_729 = arith.cmpf oeq, %select_n3A_674, %eq3A_728 : vector<16xf32>
    %broadcast_in_dim3A_730 = arith.constant -1.000000e+30 : f32
    %broadcast_in_dim3A_731 = vector.broadcast %broadcast_in_dim3A_730 : f32 to vector<16xf32>
    %select_n3A_732 = arith.select %eq3A_729, %broadcast_in_dim3A_731, %get3A_627 : vector<16xi1>, vector<16xf32>
    %gt3A_733 = arith.cmpf ogt, %select_n3A_732, %select_n3A_723 : vector<16xf32>
    %select_n3A_734 = arith.select %gt3A_733, %select_n3A_732, %select_n3A_723 : vector<16xi1>, vector<16xf32>
    %jit3A_735 = arith.constant 5.000000e+00 : f32
    %broadcast_in_dim3A_736 = vector.broadcast %jit3A_735 : f32 to vector<16xf32>
    %select_n3A_737 = arith.select %gt3A_733, %broadcast_in_dim3A_736, %select_n3A_726 : vector<16xi1>, vector<16xf32>
    %eq3A_738 = arith.constant 6.000000e+00 : f32
    %eq3A_739 = vector.broadcast %eq3A_738 : f32 to vector<16xf32>
    %eq3A_740 = arith.cmpf oeq, %select_n3A_674, %eq3A_739 : vector<16xf32>
    %broadcast_in_dim3A_741 = arith.constant -1.000000e+30 : f32
    %broadcast_in_dim3A_742 = vector.broadcast %broadcast_in_dim3A_741 : f32 to vector<16xf32>
    %select_n3A_743 = arith.select %eq3A_740, %broadcast_in_dim3A_742, %get3A_632 : vector<16xi1>, vector<16xf32>
    %gt3A_744 = arith.cmpf ogt, %select_n3A_743, %select_n3A_734 : vector<16xf32>
    %select_n3A_745 = arith.select %gt3A_744, %select_n3A_743, %select_n3A_734 : vector<16xi1>, vector<16xf32>
    %jit3A_746 = arith.constant 6.000000e+00 : f32
    %broadcast_in_dim3A_747 = vector.broadcast %jit3A_746 : f32 to vector<16xf32>
    %select_n3A_748 = arith.select %gt3A_744, %broadcast_in_dim3A_747, %select_n3A_737 : vector<16xi1>, vector<16xf32>
    %eq3A_749 = arith.constant 7.000000e+00 : f32
    %eq3A_750 = vector.broadcast %eq3A_749 : f32 to vector<16xf32>
    %eq3A_751 = arith.cmpf oeq, %select_n3A_674, %eq3A_750 : vector<16xf32>
    %broadcast_in_dim3A_752 = arith.constant -1.000000e+30 : f32
    %broadcast_in_dim3A_753 = vector.broadcast %broadcast_in_dim3A_752 : f32 to vector<16xf32>
    %select_n3A_754 = arith.select %eq3A_751, %broadcast_in_dim3A_753, %get3A_637 : vector<16xi1>, vector<16xf32>
    %gt3A_755 = arith.cmpf ogt, %select_n3A_754, %select_n3A_745 : vector<16xf32>
    %select_n3A_756 = arith.select %gt3A_755, %select_n3A_754, %select_n3A_745 : vector<16xi1>, vector<16xf32>
    %jit3A_757 = arith.constant 7.000000e+00 : f32
    %broadcast_in_dim3A_758 = vector.broadcast %jit3A_757 : f32 to vector<16xf32>
    %select_n3A_759 = arith.select %gt3A_755, %broadcast_in_dim3A_758, %select_n3A_748 : vector<16xi1>, vector<16xf32>
    %sub3A_760 = arith.subf %select_n3A_756, %select_n3A_671 : vector<16xf32>
    %exp3A_761 = math.exp %sub3A_760 : vector<16xf32>
    %add3A_762 = arith.constant 1.000000e+00 : f32
    %add3A_763 = vector.broadcast %add3A_762 : f32 to vector<16xf32>
    %add3A_764 = arith.addf %add3A_763, %exp3A_761 : vector<16xf32>
    %div3A_765 = arith.constant 1.000000e+00 : f32
    %div3A_766 = vector.broadcast %div3A_765 : f32 to vector<16xf32>
    %div3A_767 = arith.divf %div3A_766, %add3A_764 : vector<16xf32>
    %sub3A_768 = arith.constant 1.000000e+00 : f32
    %sub3A_769 = vector.broadcast %sub3A_768 : f32 to vector<16xf32>
    %sub3A_770 = arith.subf %sub3A_769, %div3A_767 : vector<16xf32>
    %broadcast_in_dim3A_771 = arith.constant 0.000000e+00 : f32
    %broadcast_in_dim3A_772 = vector.broadcast %broadcast_in_dim3A_771 : f32 to vector<16xf32>
    %eq3A_773 = arith.constant 0.000000e+00 : f32
    %eq3A_774 = vector.broadcast %eq3A_773 : f32 to vector<16xf32>
    %eq3A_775 = arith.cmpf oeq, %select_n3A_674, %eq3A_774 : vector<16xf32>
    %select_n3A_776 = arith.select %eq3A_775, %div3A_767, %broadcast_in_dim3A_772 : vector<16xi1>, vector<16xf32>
    %eq3A_777 = arith.constant 0.000000e+00 : f32
    %eq3A_778 = vector.broadcast %eq3A_777 : f32 to vector<16xf32>
    %eq3A_779 = arith.cmpf oeq, %select_n3A_759, %eq3A_778 : vector<16xf32>
    %select_n3A_780 = arith.select %eq3A_779, %sub3A_770, %broadcast_in_dim3A_772 : vector<16xi1>, vector<16xf32>
    %add3A_781 = arith.addf %select_n3A_776, %select_n3A_780 : vector<16xf32>
    %swap3A_782 = arith.constant 0 : i32
    %swap3A_783 = arith.index_cast %swap3A_782 : i32 to index
    %swap3A_784 = arith.constant 32 : index
    %swap3A_785 = tpu.vector_load %arg5[%swap3A_783, %swap3A_784] {strides = array<i32>} : memref<8x64xf32, #tpu.memory_space<vmem>>, vector<1x16xf32>,
    %swap3A_786 = vector.shape_cast %swap3A_785 : vector<1x16xf32> to vector<16xf32>
    %swap3A_787 = vector.shape_cast %add3A_781 : vector<16xf32> to vector<1x16xf32>
    tpu.vector_store %arg5[%swap3A_783, %swap3A_784], %swap3A_787 {strides = array<i32>} : memref<8x64xf32, #tpu.memory_space<vmem>>, vector<1x16xf32>,
    %eq3A_788 = arith.constant 1.000000e+00 : f32
    %eq3A_789 = vector.broadcast %eq3A_788 : f32 to vector<16xf32>
    %eq3A_790 = arith.cmpf oeq, %select_n3A_674, %eq3A_789 : vector<16xf32>
    %select_n3A_791 = arith.select %eq3A_790, %div3A_767, %broadcast_in_dim3A_772 : vector<16xi1>, vector<16xf32>
    %eq3A_792 = arith.constant 1.000000e+00 : f32
    %eq3A_793 = vector.broadcast %eq3A_792 : f32 to vector<16xf32>
    %eq3A_794 = arith.cmpf oeq, %select_n3A_759, %eq3A_793 : vector<16xf32>
    %select_n3A_795 = arith.select %eq3A_794, %sub3A_770, %broadcast_in_dim3A_772 : vector<16xi1>, vector<16xf32>
    %add3A_796 = arith.addf %select_n3A_791, %select_n3A_795 : vector<16xf32>
    %swap3A_797 = arith.constant 1 : i32
    %swap3A_798 = arith.index_cast %swap3A_797 : i32 to index
    %swap3A_799 = arith.constant 32 : index
    %swap3A_800 = tpu.vector_load %arg5[%swap3A_798, %swap3A_799] {strides = array<i32>} : memref<8x64xf32, #tpu.memory_space<vmem>>, vector<1x16xf32>,
    %swap3A_801 = vector.shape_cast %swap3A_800 : vector<1x16xf32> to vector<16xf32>
    %swap3A_802 = vector.shape_cast %add3A_796 : vector<16xf32> to vector<1x16xf32>
    tpu.vector_store %arg5[%swap3A_798, %swap3A_799], %swap3A_802 {strides = array<i32>} : memref<8x64xf32, #tpu.memory_space<vmem>>, vector<1x16xf32>,
    %eq3A_803 = arith.constant 2.000000e+00 : f32
    %eq3A_804 = vector.broadcast %eq3A_803 : f32 to vector<16xf32>
    %eq3A_805 = arith.cmpf oeq, %select_n3A_674, %eq3A_804 : vector<16xf32>
    %select_n3A_806 = arith.select %eq3A_805, %div3A_767, %broadcast_in_dim3A_772 : vector<16xi1>, vector<16xf32>
    %eq3A_807 = arith.constant 2.000000e+00 : f32
    %eq3A_808 = vector.broadcast %eq3A_807 : f32 to vector<16xf32>
    %eq3A_809 = arith.cmpf oeq, %select_n3A_759, %eq3A_808 : vector<16xf32>
    %select_n3A_810 = arith.select %eq3A_809, %sub3A_770, %broadcast_in_dim3A_772 : vector<16xi1>, vector<16xf32>
    %add3A_811 = arith.addf %select_n3A_806, %select_n3A_810 : vector<16xf32>
    %swap3A_812 = arith.constant 2 : i32
    %swap3A_813 = arith.index_cast %swap3A_812 : i32 to index
    %swap3A_814 = arith.constant 32 : index
    %swap3A_815 = tpu.vector_load %arg5[%swap3A_813, %swap3A_814] {strides = array<i32>} : memref<8x64xf32, #tpu.memory_space<vmem>>, vector<1x16xf32>,
    %swap3A_816 = vector.shape_cast %swap3A_815 : vector<1x16xf32> to vector<16xf32>
    %swap3A_817 = vector.shape_cast %add3A_811 : vector<16xf32> to vector<1x16xf32>
    tpu.vector_store %arg5[%swap3A_813, %swap3A_814], %swap3A_817 {strides = array<i32>} : memref<8x64xf32, #tpu.memory_space<vmem>>, vector<1x16xf32>,
    %eq3A_818 = arith.constant 3.000000e+00 : f32
    %eq3A_819 = vector.broadcast %eq3A_818 : f32 to vector<16xf32>
    %eq3A_820 = arith.cmpf oeq, %select_n3A_674, %eq3A_819 : vector<16xf32>
    %select_n3A_821 = arith.select %eq3A_820, %div3A_767, %broadcast_in_dim3A_772 : vector<16xi1>, vector<16xf32>
    %eq3A_822 = arith.constant 3.000000e+00 : f32
    %eq3A_823 = vector.broadcast %eq3A_822 : f32 to vector<16xf32>
    %eq3A_824 = arith.cmpf oeq, %select_n3A_759, %eq3A_823 : vector<16xf32>
    %select_n3A_825 = arith.select %eq3A_824, %sub3A_770, %broadcast_in_dim3A_772 : vector<16xi1>, vector<16xf32>
    %add3A_826 = arith.addf %select_n3A_821, %select_n3A_825 : vector<16xf32>
    %swap3A_827 = arith.constant 3 : i32
    %swap3A_828 = arith.index_cast %swap3A_827 : i32 to index
    %swap3A_829 = arith.constant 32 : index
    %swap3A_830 = tpu.vector_load %arg5[%swap3A_828, %swap3A_829] {strides = array<i32>} : memref<8x64xf32, #tpu.memory_space<vmem>>, vector<1x16xf32>,
    %swap3A_831 = vector.shape_cast %swap3A_830 : vector<1x16xf32> to vector<16xf32>
    %swap3A_832 = vector.shape_cast %add3A_826 : vector<16xf32> to vector<1x16xf32>
    tpu.vector_store %arg5[%swap3A_828, %swap3A_829], %swap3A_832 {strides = array<i32>} : memref<8x64xf32, #tpu.memory_space<vmem>>, vector<1x16xf32>,
    %eq3A_833 = arith.constant 4.000000e+00 : f32
    %eq3A_834 = vector.broadcast %eq3A_833 : f32 to vector<16xf32>
    %eq3A_835 = arith.cmpf oeq, %select_n3A_674, %eq3A_834 : vector<16xf32>
    %select_n3A_836 = arith.select %eq3A_835, %div3A_767, %broadcast_in_dim3A_772 : vector<16xi1>, vector<16xf32>
    %eq3A_837 = arith.constant 4.000000e+00 : f32
    %eq3A_838 = vector.broadcast %eq3A_837 : f32 to vector<16xf32>
    %eq3A_839 = arith.cmpf oeq, %select_n3A_759, %eq3A_838 : vector<16xf32>
    %select_n3A_840 = arith.select %eq3A_839, %sub3A_770, %broadcast_in_dim3A_772 : vector<16xi1>, vector<16xf32>
    %add3A_841 = arith.addf %select_n3A_836, %select_n3A_840 : vector<16xf32>
    %swap3A_842 = arith.constant 4 : i32
    %swap3A_843 = arith.index_cast %swap3A_842 : i32 to index
    %swap3A_844 = arith.constant 32 : index
    %swap3A_845 = tpu.vector_load %arg5[%swap3A_843, %swap3A_844] {strides = array<i32>} : memref<8x64xf32, #tpu.memory_space<vmem>>, vector<1x16xf32>,
    %swap3A_846 = vector.shape_cast %swap3A_845 : vector<1x16xf32> to vector<16xf32>
    %swap3A_847 = vector.shape_cast %add3A_841 : vector<16xf32> to vector<1x16xf32>
    tpu.vector_store %arg5[%swap3A_843, %swap3A_844], %swap3A_847 {strides = array<i32>} : memref<8x64xf32, #tpu.memory_space<vmem>>, vector<1x16xf32>,
    %eq3A_848 = arith.constant 5.000000e+00 : f32
    %eq3A_849 = vector.broadcast %eq3A_848 : f32 to vector<16xf32>
    %eq3A_850 = arith.cmpf oeq, %select_n3A_674, %eq3A_849 : vector<16xf32>
    %select_n3A_851 = arith.select %eq3A_850, %div3A_767, %broadcast_in_dim3A_772 : vector<16xi1>, vector<16xf32>
    %eq3A_852 = arith.constant 5.000000e+00 : f32
    %eq3A_853 = vector.broadcast %eq3A_852 : f32 to vector<16xf32>
    %eq3A_854 = arith.cmpf oeq, %select_n3A_759, %eq3A_853 : vector<16xf32>
    %select_n3A_855 = arith.select %eq3A_854, %sub3A_770, %broadcast_in_dim3A_772 : vector<16xi1>, vector<16xf32>
    %add3A_856 = arith.addf %select_n3A_851, %select_n3A_855 : vector<16xf32>
    %swap3A_857 = arith.constant 5 : i32
    %swap3A_858 = arith.index_cast %swap3A_857 : i32 to index
    %swap3A_859 = arith.constant 32 : index
    %swap3A_860 = tpu.vector_load %arg5[%swap3A_858, %swap3A_859] {strides = array<i32>} : memref<8x64xf32, #tpu.memory_space<vmem>>, vector<1x16xf32>,
    %swap3A_861 = vector.shape_cast %swap3A_860 : vector<1x16xf32> to vector<16xf32>
    %swap3A_862 = vector.shape_cast %add3A_856 : vector<16xf32> to vector<1x16xf32>
    tpu.vector_store %arg5[%swap3A_858, %swap3A_859], %swap3A_862 {strides = array<i32>} : memref<8x64xf32, #tpu.memory_space<vmem>>, vector<1x16xf32>,
    %eq3A_863 = arith.constant 6.000000e+00 : f32
    %eq3A_864 = vector.broadcast %eq3A_863 : f32 to vector<16xf32>
    %eq3A_865 = arith.cmpf oeq, %select_n3A_674, %eq3A_864 : vector<16xf32>
    %select_n3A_866 = arith.select %eq3A_865, %div3A_767, %broadcast_in_dim3A_772 : vector<16xi1>, vector<16xf32>
    %eq3A_867 = arith.constant 6.000000e+00 : f32
    %eq3A_868 = vector.broadcast %eq3A_867 : f32 to vector<16xf32>
    %eq3A_869 = arith.cmpf oeq, %select_n3A_759, %eq3A_868 : vector<16xf32>
    %select_n3A_870 = arith.select %eq3A_869, %sub3A_770, %broadcast_in_dim3A_772 : vector<16xi1>, vector<16xf32>
    %add3A_871 = arith.addf %select_n3A_866, %select_n3A_870 : vector<16xf32>
    %swap3A_872 = arith.constant 6 : i32
    %swap3A_873 = arith.index_cast %swap3A_872 : i32 to index
    %swap3A_874 = arith.constant 32 : index
    %swap3A_875 = tpu.vector_load %arg5[%swap3A_873, %swap3A_874] {strides = array<i32>} : memref<8x64xf32, #tpu.memory_space<vmem>>, vector<1x16xf32>,
    %swap3A_876 = vector.shape_cast %swap3A_875 : vector<1x16xf32> to vector<16xf32>
    %swap3A_877 = vector.shape_cast %add3A_871 : vector<16xf32> to vector<1x16xf32>
    tpu.vector_store %arg5[%swap3A_873, %swap3A_874], %swap3A_877 {strides = array<i32>} : memref<8x64xf32, #tpu.memory_space<vmem>>, vector<1x16xf32>,
    %eq3A_878 = arith.constant 7.000000e+00 : f32
    %eq3A_879 = vector.broadcast %eq3A_878 : f32 to vector<16xf32>
    %eq3A_880 = arith.cmpf oeq, %select_n3A_674, %eq3A_879 : vector<16xf32>
    %select_n3A_881 = arith.select %eq3A_880, %div3A_767, %broadcast_in_dim3A_772 : vector<16xi1>, vector<16xf32>
    %eq3A_882 = arith.constant 7.000000e+00 : f32
    %eq3A_883 = vector.broadcast %eq3A_882 : f32 to vector<16xf32>
    %eq3A_884 = arith.cmpf oeq, %select_n3A_759, %eq3A_883 : vector<16xf32>
    %select_n3A_885 = arith.select %eq3A_884, %sub3A_770, %broadcast_in_dim3A_772 : vector<16xi1>, vector<16xf32>
    %add3A_886 = arith.addf %select_n3A_881, %select_n3A_885 : vector<16xf32>
    %swap3A_887 = arith.constant 7 : i32
    %swap3A_888 = arith.index_cast %swap3A_887 : i32 to index
    %swap3A_889 = arith.constant 32 : index
    %swap3A_890 = tpu.vector_load %arg5[%swap3A_888, %swap3A_889] {strides = array<i32>} : memref<8x64xf32, #tpu.memory_space<vmem>>, vector<1x16xf32>,
    %swap3A_891 = vector.shape_cast %swap3A_890 : vector<1x16xf32> to vector<16xf32>
    %swap3A_892 = vector.shape_cast %add3A_886 : vector<16xf32> to vector<1x16xf32>
    tpu.vector_store %arg5[%swap3A_888, %swap3A_889], %swap3A_892 {strides = array<i32>} : memref<8x64xf32, #tpu.memory_space<vmem>>, vector<1x16xf32>,
    %get3A_893 = arith.constant 0 : i32
    %get3A_894 = arith.index_cast %get3A_893 : i32 to index
    %get3A_895 = arith.constant 48 : index
    %get3A_896 = tpu.vector_load %arg4[%get3A_894, %get3A_895] {strides = array<i32>} : memref<8x64xf32, #tpu.memory_space<vmem>>, vector<1x16xf32>,
    %get3A_897 = vector.shape_cast %get3A_896 : vector<1x16xf32> to vector<16xf32>
    %get3A_898 = arith.constant 1 : i32
    %get3A_899 = arith.index_cast %get3A_898 : i32 to index
    %get3A_900 = arith.constant 48 : index
    %get3A_901 = tpu.vector_load %arg4[%get3A_899, %get3A_900] {strides = array<i32>} : memref<8x64xf32, #tpu.memory_space<vmem>>, vector<1x16xf32>,
    %get3A_902 = vector.shape_cast %get3A_901 : vector<1x16xf32> to vector<16xf32>
    %get3A_903 = arith.constant 2 : i32
    %get3A_904 = arith.index_cast %get3A_903 : i32 to index
    %get3A_905 = arith.constant 48 : index
    %get3A_906 = tpu.vector_load %arg4[%get3A_904, %get3A_905] {strides = array<i32>} : memref<8x64xf32, #tpu.memory_space<vmem>>, vector<1x16xf32>,
    %get3A_907 = vector.shape_cast %get3A_906 : vector<1x16xf32> to vector<16xf32>
    %get3A_908 = arith.constant 3 : i32
    %get3A_909 = arith.index_cast %get3A_908 : i32 to index
    %get3A_910 = arith.constant 48 : index
    %get3A_911 = tpu.vector_load %arg4[%get3A_909, %get3A_910] {strides = array<i32>} : memref<8x64xf32, #tpu.memory_space<vmem>>, vector<1x16xf32>,
    %get3A_912 = vector.shape_cast %get3A_911 : vector<1x16xf32> to vector<16xf32>
    %get3A_913 = arith.constant 4 : i32
    %get3A_914 = arith.index_cast %get3A_913 : i32 to index
    %get3A_915 = arith.constant 48 : index
    %get3A_916 = tpu.vector_load %arg4[%get3A_914, %get3A_915] {strides = array<i32>} : memref<8x64xf32, #tpu.memory_space<vmem>>, vector<1x16xf32>,
    %get3A_917 = vector.shape_cast %get3A_916 : vector<1x16xf32> to vector<16xf32>
    %get3A_918 = arith.constant 5 : i32
    %get3A_919 = arith.index_cast %get3A_918 : i32 to index
    %get3A_920 = arith.constant 48 : index
    %get3A_921 = tpu.vector_load %arg4[%get3A_919, %get3A_920] {strides = array<i32>} : memref<8x64xf32, #tpu.memory_space<vmem>>, vector<1x16xf32>,
    %get3A_922 = vector.shape_cast %get3A_921 : vector<1x16xf32> to vector<16xf32>
    %get3A_923 = arith.constant 6 : i32
    %get3A_924 = arith.index_cast %get3A_923 : i32 to index
    %get3A_925 = arith.constant 48 : index
    %get3A_926 = tpu.vector_load %arg4[%get3A_924, %get3A_925] {strides = array<i32>} : memref<8x64xf32, #tpu.memory_space<vmem>>, vector<1x16xf32>,
    %get3A_927 = vector.shape_cast %get3A_926 : vector<1x16xf32> to vector<16xf32>
    %get3A_928 = arith.constant 7 : i32
    %get3A_929 = arith.index_cast %get3A_928 : i32 to index
    %get3A_930 = arith.constant 48 : index
    %get3A_931 = tpu.vector_load %arg4[%get3A_929, %get3A_930] {strides = array<i32>} : memref<8x64xf32, #tpu.memory_space<vmem>>, vector<1x16xf32>,
    %get3A_932 = vector.shape_cast %get3A_931 : vector<1x16xf32> to vector<16xf32>
    %broadcast_in_dim3A_933 = arith.constant 0.000000e+00 : f32
    %broadcast_in_dim3A_934 = vector.broadcast %broadcast_in_dim3A_933 : f32 to vector<16xf32>
    %gt3A_935 = arith.cmpf ogt, %get3A_902, %get3A_897 : vector<16xf32>
    %select_n3A_936 = arith.select %gt3A_935, %get3A_902, %get3A_897 : vector<16xi1>, vector<16xf32>
    %jit3A_937 = arith.constant 1.000000e+00 : f32
    %broadcast_in_dim3A_938 = vector.broadcast %jit3A_937 : f32 to vector<16xf32>
    %select_n3A_939 = arith.select %gt3A_935, %broadcast_in_dim3A_938, %broadcast_in_dim3A_934 : vector<16xi1>, vector<16xf32>
    %gt3A_940 = arith.cmpf ogt, %get3A_907, %select_n3A_936 : vector<16xf32>
    %select_n3A_941 = arith.select %gt3A_940, %get3A_907, %select_n3A_936 : vector<16xi1>, vector<16xf32>
    %jit3A_942 = arith.constant 2.000000e+00 : f32
    %broadcast_in_dim3A_943 = vector.broadcast %jit3A_942 : f32 to vector<16xf32>
    %select_n3A_944 = arith.select %gt3A_940, %broadcast_in_dim3A_943, %select_n3A_939 : vector<16xi1>, vector<16xf32>
    %gt3A_945 = arith.cmpf ogt, %get3A_912, %select_n3A_941 : vector<16xf32>
    %select_n3A_946 = arith.select %gt3A_945, %get3A_912, %select_n3A_941 : vector<16xi1>, vector<16xf32>
    %jit3A_947 = arith.constant 3.000000e+00 : f32
    %broadcast_in_dim3A_948 = vector.broadcast %jit3A_947 : f32 to vector<16xf32>
    %select_n3A_949 = arith.select %gt3A_945, %broadcast_in_dim3A_948, %select_n3A_944 : vector<16xi1>, vector<16xf32>
    %gt3A_950 = arith.cmpf ogt, %get3A_917, %select_n3A_946 : vector<16xf32>
    %select_n3A_951 = arith.select %gt3A_950, %get3A_917, %select_n3A_946 : vector<16xi1>, vector<16xf32>
    %jit3A_952 = arith.constant 4.000000e+00 : f32
    %broadcast_in_dim3A_953 = vector.broadcast %jit3A_952 : f32 to vector<16xf32>
    %select_n3A_954 = arith.select %gt3A_950, %broadcast_in_dim3A_953, %select_n3A_949 : vector<16xi1>, vector<16xf32>
    %gt3A_955 = arith.cmpf ogt, %get3A_922, %select_n3A_951 : vector<16xf32>
    %select_n3A_956 = arith.select %gt3A_955, %get3A_922, %select_n3A_951 : vector<16xi1>, vector<16xf32>
    %jit3A_957 = arith.constant 5.000000e+00 : f32
    %broadcast_in_dim3A_958 = vector.broadcast %jit3A_957 : f32 to vector<16xf32>
    %select_n3A_959 = arith.select %gt3A_955, %broadcast_in_dim3A_958, %select_n3A_954 : vector<16xi1>, vector<16xf32>
    %gt3A_960 = arith.cmpf ogt, %get3A_927, %select_n3A_956 : vector<16xf32>
    %select_n3A_961 = arith.select %gt3A_960, %get3A_927, %select_n3A_956 : vector<16xi1>, vector<16xf32>
    %jit3A_962 = arith.constant 6.000000e+00 : f32
    %broadcast_in_dim3A_963 = vector.broadcast %jit3A_962 : f32 to vector<16xf32>
    %select_n3A_964 = arith.select %gt3A_960, %broadcast_in_dim3A_963, %select_n3A_959 : vector<16xi1>, vector<16xf32>
    %gt3A_965 = arith.cmpf ogt, %get3A_932, %select_n3A_961 : vector<16xf32>
    %select_n3A_966 = arith.select %gt3A_965, %get3A_932, %select_n3A_961 : vector<16xi1>, vector<16xf32>
    %jit3A_967 = arith.constant 7.000000e+00 : f32
    %broadcast_in_dim3A_968 = vector.broadcast %jit3A_967 : f32 to vector<16xf32>
    %select_n3A_969 = arith.select %gt3A_965, %broadcast_in_dim3A_968, %select_n3A_964 : vector<16xi1>, vector<16xf32>
    %eq3A_970 = arith.constant 0.000000e+00 : f32
    %eq3A_971 = vector.broadcast %eq3A_970 : f32 to vector<16xf32>
    %eq3A_972 = arith.cmpf oeq, %select_n3A_969, %eq3A_971 : vector<16xf32>
    %broadcast_in_dim3A_973 = arith.constant -1.000000e+30 : f32
    %broadcast_in_dim3A_974 = vector.broadcast %broadcast_in_dim3A_973 : f32 to vector<16xf32>
    %select_n3A_975 = arith.select %eq3A_972, %broadcast_in_dim3A_974, %get3A_897 : vector<16xi1>, vector<16xf32>
    %broadcast_in_dim3A_976 = arith.constant 0.000000e+00 : f32
    %broadcast_in_dim3A_977 = vector.broadcast %broadcast_in_dim3A_976 : f32 to vector<16xf32>
    %eq3A_978 = arith.constant 1.000000e+00 : f32
    %eq3A_979 = vector.broadcast %eq3A_978 : f32 to vector<16xf32>
    %eq3A_980 = arith.cmpf oeq, %select_n3A_969, %eq3A_979 : vector<16xf32>
    %broadcast_in_dim3A_981 = arith.constant -1.000000e+30 : f32
    %broadcast_in_dim3A_982 = vector.broadcast %broadcast_in_dim3A_981 : f32 to vector<16xf32>
    %select_n3A_983 = arith.select %eq3A_980, %broadcast_in_dim3A_982, %get3A_902 : vector<16xi1>, vector<16xf32>
    %gt3A_984 = arith.cmpf ogt, %select_n3A_983, %select_n3A_975 : vector<16xf32>
    %select_n3A_985 = arith.select %gt3A_984, %select_n3A_983, %select_n3A_975 : vector<16xi1>, vector<16xf32>
    %jit3A_986 = arith.constant 1.000000e+00 : f32
    %broadcast_in_dim3A_987 = vector.broadcast %jit3A_986 : f32 to vector<16xf32>
    %select_n3A_988 = arith.select %gt3A_984, %broadcast_in_dim3A_987, %broadcast_in_dim3A_977 : vector<16xi1>, vector<16xf32>
    %eq3A_989 = arith.constant 2.000000e+00 : f32
    %eq3A_990 = vector.broadcast %eq3A_989 : f32 to vector<16xf32>
    %eq3A_991 = arith.cmpf oeq, %select_n3A_969, %eq3A_990 : vector<16xf32>
    %broadcast_in_dim3A_992 = arith.constant -1.000000e+30 : f32
    %broadcast_in_dim3A_993 = vector.broadcast %broadcast_in_dim3A_992 : f32 to vector<16xf32>
    %select_n3A_994 = arith.select %eq3A_991, %broadcast_in_dim3A_993, %get3A_907 : vector<16xi1>, vector<16xf32>
    %gt3A_995 = arith.cmpf ogt, %select_n3A_994, %select_n3A_985 : vector<16xf32>
    %select_n3A_996 = arith.select %gt3A_995, %select_n3A_994, %select_n3A_985 : vector<16xi1>, vector<16xf32>
    %jit3A_997 = arith.constant 2.000000e+00 : f32
    %broadcast_in_dim3A_998 = vector.broadcast %jit3A_997 : f32 to vector<16xf32>
    %select_n3A_999 = arith.select %gt3A_995, %broadcast_in_dim3A_998, %select_n3A_988 : vector<16xi1>, vector<16xf32>
    %eq3A_1000 = arith.constant 3.000000e+00 : f32
    %eq3A_1001 = vector.broadcast %eq3A_1000 : f32 to vector<16xf32>
    %eq3A_1002 = arith.cmpf oeq, %select_n3A_969, %eq3A_1001 : vector<16xf32>
    %broadcast_in_dim3A_1003 = arith.constant -1.000000e+30 : f32
    %broadcast_in_dim3A_1004 = vector.broadcast %broadcast_in_dim3A_1003 : f32 to vector<16xf32>
    %select_n3A_1005 = arith.select %eq3A_1002, %broadcast_in_dim3A_1004, %get3A_912 : vector<16xi1>, vector<16xf32>
    %gt3A_1006 = arith.cmpf ogt, %select_n3A_1005, %select_n3A_996 : vector<16xf32>
    %select_n3A_1007 = arith.select %gt3A_1006, %select_n3A_1005, %select_n3A_996 : vector<16xi1>, vector<16xf32>
    %jit3A_1008 = arith.constant 3.000000e+00 : f32
    %broadcast_in_dim3A_1009 = vector.broadcast %jit3A_1008 : f32 to vector<16xf32>
    %select_n3A_1010 = arith.select %gt3A_1006, %broadcast_in_dim3A_1009, %select_n3A_999 : vector<16xi1>, vector<16xf32>
    %eq3A_1011 = arith.constant 4.000000e+00 : f32
    %eq3A_1012 = vector.broadcast %eq3A_1011 : f32 to vector<16xf32>
    %eq3A_1013 = arith.cmpf oeq, %select_n3A_969, %eq3A_1012 : vector<16xf32>
    %broadcast_in_dim3A_1014 = arith.constant -1.000000e+30 : f32
    %broadcast_in_dim3A_1015 = vector.broadcast %broadcast_in_dim3A_1014 : f32 to vector<16xf32>
    %select_n3A_1016 = arith.select %eq3A_1013, %broadcast_in_dim3A_1015, %get3A_917 : vector<16xi1>, vector<16xf32>
    %gt3A_1017 = arith.cmpf ogt, %select_n3A_1016, %select_n3A_1007 : vector<16xf32>
    %select_n3A_1018 = arith.select %gt3A_1017, %select_n3A_1016, %select_n3A_1007 : vector<16xi1>, vector<16xf32>
    %jit3A_1019 = arith.constant 4.000000e+00 : f32
    %broadcast_in_dim3A_1020 = vector.broadcast %jit3A_1019 : f32 to vector<16xf32>
    %select_n3A_1021 = arith.select %gt3A_1017, %broadcast_in_dim3A_1020, %select_n3A_1010 : vector<16xi1>, vector<16xf32>
    %eq3A_1022 = arith.constant 5.000000e+00 : f32
    %eq3A_1023 = vector.broadcast %eq3A_1022 : f32 to vector<16xf32>
    %eq3A_1024 = arith.cmpf oeq, %select_n3A_969, %eq3A_1023 : vector<16xf32>
    %broadcast_in_dim3A_1025 = arith.constant -1.000000e+30 : f32
    %broadcast_in_dim3A_1026 = vector.broadcast %broadcast_in_dim3A_1025 : f32 to vector<16xf32>
    %select_n3A_1027 = arith.select %eq3A_1024, %broadcast_in_dim3A_1026, %get3A_922 : vector<16xi1>, vector<16xf32>
    %gt3A_1028 = arith.cmpf ogt, %select_n3A_1027, %select_n3A_1018 : vector<16xf32>
    %select_n3A_1029 = arith.select %gt3A_1028, %select_n3A_1027, %select_n3A_1018 : vector<16xi1>, vector<16xf32>
    %jit3A_1030 = arith.constant 5.000000e+00 : f32
    %broadcast_in_dim3A_1031 = vector.broadcast %jit3A_1030 : f32 to vector<16xf32>
    %select_n3A_1032 = arith.select %gt3A_1028, %broadcast_in_dim3A_1031, %select_n3A_1021 : vector<16xi1>, vector<16xf32>
    %eq3A_1033 = arith.constant 6.000000e+00 : f32
    %eq3A_1034 = vector.broadcast %eq3A_1033 : f32 to vector<16xf32>
    %eq3A_1035 = arith.cmpf oeq, %select_n3A_969, %eq3A_1034 : vector<16xf32>
    %broadcast_in_dim3A_1036 = arith.constant -1.000000e+30 : f32
    %broadcast_in_dim3A_1037 = vector.broadcast %broadcast_in_dim3A_1036 : f32 to vector<16xf32>
    %select_n3A_1038 = arith.select %eq3A_1035, %broadcast_in_dim3A_1037, %get3A_927 : vector<16xi1>, vector<16xf32>
    %gt3A_1039 = arith.cmpf ogt, %select_n3A_1038, %select_n3A_1029 : vector<16xf32>
    %select_n3A_1040 = arith.select %gt3A_1039, %select_n3A_1038, %select_n3A_1029 : vector<16xi1>, vector<16xf32>
    %jit3A_1041 = arith.constant 6.000000e+00 : f32
    %broadcast_in_dim3A_1042 = vector.broadcast %jit3A_1041 : f32 to vector<16xf32>
    %select_n3A_1043 = arith.select %gt3A_1039, %broadcast_in_dim3A_1042, %select_n3A_1032 : vector<16xi1>, vector<16xf32>
    %eq3A_1044 = arith.constant 7.000000e+00 : f32
    %eq3A_1045 = vector.broadcast %eq3A_1044 : f32 to vector<16xf32>
    %eq3A_1046 = arith.cmpf oeq, %select_n3A_969, %eq3A_1045 : vector<16xf32>
    %broadcast_in_dim3A_1047 = arith.constant -1.000000e+30 : f32
    %broadcast_in_dim3A_1048 = vector.broadcast %broadcast_in_dim3A_1047 : f32 to vector<16xf32>
    %select_n3A_1049 = arith.select %eq3A_1046, %broadcast_in_dim3A_1048, %get3A_932 : vector<16xi1>, vector<16xf32>
    %gt3A_1050 = arith.cmpf ogt, %select_n3A_1049, %select_n3A_1040 : vector<16xf32>
    %select_n3A_1051 = arith.select %gt3A_1050, %select_n3A_1049, %select_n3A_1040 : vector<16xi1>, vector<16xf32>
    %jit3A_1052 = arith.constant 7.000000e+00 : f32
    %broadcast_in_dim3A_1053 = vector.broadcast %jit3A_1052 : f32 to vector<16xf32>
    %select_n3A_1054 = arith.select %gt3A_1050, %broadcast_in_dim3A_1053, %select_n3A_1043 : vector<16xi1>, vector<16xf32>
    %sub3A_1055 = arith.subf %select_n3A_1051, %select_n3A_966 : vector<16xf32>
    %exp3A_1056 = math.exp %sub3A_1055 : vector<16xf32>
    %add3A_1057 = arith.constant 1.000000e+00 : f32
    %add3A_1058 = vector.broadcast %add3A_1057 : f32 to vector<16xf32>
    %add3A_1059 = arith.addf %add3A_1058, %exp3A_1056 : vector<16xf32>
    %div3A_1060 = arith.constant 1.000000e+00 : f32
    %div3A_1061 = vector.broadcast %div3A_1060 : f32 to vector<16xf32>
    %div3A_1062 = arith.divf %div3A_1061, %add3A_1059 : vector<16xf32>
    %sub3A_1063 = arith.constant 1.000000e+00 : f32
    %sub3A_1064 = vector.broadcast %sub3A_1063 : f32 to vector<16xf32>
    %sub3A_1065 = arith.subf %sub3A_1064, %div3A_1062 : vector<16xf32>
    %broadcast_in_dim3A_1066 = arith.constant 0.000000e+00 : f32
    %broadcast_in_dim3A_1067 = vector.broadcast %broadcast_in_dim3A_1066 : f32 to vector<16xf32>
    %eq3A_1068 = arith.constant 0.000000e+00 : f32
    %eq3A_1069 = vector.broadcast %eq3A_1068 : f32 to vector<16xf32>
    %eq3A_1070 = arith.cmpf oeq, %select_n3A_969, %eq3A_1069 : vector<16xf32>
    %select_n3A_1071 = arith.select %eq3A_1070, %div3A_1062, %broadcast_in_dim3A_1067 : vector<16xi1>, vector<16xf32>
    %eq3A_1072 = arith.constant 0.000000e+00 : f32
    %eq3A_1073 = vector.broadcast %eq3A_1072 : f32 to vector<16xf32>
    %eq3A_1074 = arith.cmpf oeq, %select_n3A_1054, %eq3A_1073 : vector<16xf32>
    %select_n3A_1075 = arith.select %eq3A_1074, %sub3A_1065, %broadcast_in_dim3A_1067 : vector<16xi1>, vector<16xf32>
    %add3A_1076 = arith.addf %select_n3A_1071, %select_n3A_1075 : vector<16xf32>
    %swap3A_1077 = arith.constant 0 : i32
    %swap3A_1078 = arith.index_cast %swap3A_1077 : i32 to index
    %swap3A_1079 = arith.constant 48 : index
    %swap3A_1080 = tpu.vector_load %arg5[%swap3A_1078, %swap3A_1079] {strides = array<i32>} : memref<8x64xf32, #tpu.memory_space<vmem>>, vector<1x16xf32>,
    %swap3A_1081 = vector.shape_cast %swap3A_1080 : vector<1x16xf32> to vector<16xf32>
    %swap3A_1082 = vector.shape_cast %add3A_1076 : vector<16xf32> to vector<1x16xf32>
    tpu.vector_store %arg5[%swap3A_1078, %swap3A_1079], %swap3A_1082 {strides = array<i32>} : memref<8x64xf32, #tpu.memory_space<vmem>>, vector<1x16xf32>,
    %eq3A_1083 = arith.constant 1.000000e+00 : f32
    %eq3A_1084 = vector.broadcast %eq3A_1083 : f32 to vector<16xf32>
    %eq3A_1085 = arith.cmpf oeq, %select_n3A_969, %eq3A_1084 : vector<16xf32>
    %select_n3A_1086 = arith.select %eq3A_1085, %div3A_1062, %broadcast_in_dim3A_1067 : vector<16xi1>, vector<16xf32>
    %eq3A_1087 = arith.constant 1.000000e+00 : f32
    %eq3A_1088 = vector.broadcast %eq3A_1087 : f32 to vector<16xf32>
    %eq3A_1089 = arith.cmpf oeq, %select_n3A_1054, %eq3A_1088 : vector<16xf32>
    %select_n3A_1090 = arith.select %eq3A_1089, %sub3A_1065, %broadcast_in_dim3A_1067 : vector<16xi1>, vector<16xf32>
    %add3A_1091 = arith.addf %select_n3A_1086, %select_n3A_1090 : vector<16xf32>
    %swap3A_1092 = arith.constant 1 : i32
    %swap3A_1093 = arith.index_cast %swap3A_1092 : i32 to index
    %swap3A_1094 = arith.constant 48 : index
    %swap3A_1095 = tpu.vector_load %arg5[%swap3A_1093, %swap3A_1094] {strides = array<i32>} : memref<8x64xf32, #tpu.memory_space<vmem>>, vector<1x16xf32>,
    %swap3A_1096 = vector.shape_cast %swap3A_1095 : vector<1x16xf32> to vector<16xf32>
    %swap3A_1097 = vector.shape_cast %add3A_1091 : vector<16xf32> to vector<1x16xf32>
    tpu.vector_store %arg5[%swap3A_1093, %swap3A_1094], %swap3A_1097 {strides = array<i32>} : memref<8x64xf32, #tpu.memory_space<vmem>>, vector<1x16xf32>,
    %eq3A_1098 = arith.constant 2.000000e+00 : f32
    %eq3A_1099 = vector.broadcast %eq3A_1098 : f32 to vector<16xf32>
    %eq3A_1100 = arith.cmpf oeq, %select_n3A_969, %eq3A_1099 : vector<16xf32>
    %select_n3A_1101 = arith.select %eq3A_1100, %div3A_1062, %broadcast_in_dim3A_1067 : vector<16xi1>, vector<16xf32>
    %eq3A_1102 = arith.constant 2.000000e+00 : f32
    %eq3A_1103 = vector.broadcast %eq3A_1102 : f32 to vector<16xf32>
    %eq3A_1104 = arith.cmpf oeq, %select_n3A_1054, %eq3A_1103 : vector<16xf32>
    %select_n3A_1105 = arith.select %eq3A_1104, %sub3A_1065, %broadcast_in_dim3A_1067 : vector<16xi1>, vector<16xf32>
    %add3A_1106 = arith.addf %select_n3A_1101, %select_n3A_1105 : vector<16xf32>
    %swap3A_1107 = arith.constant 2 : i32
    %swap3A_1108 = arith.index_cast %swap3A_1107 : i32 to index
    %swap3A_1109 = arith.constant 48 : index
    %swap3A_1110 = tpu.vector_load %arg5[%swap3A_1108, %swap3A_1109] {strides = array<i32>} : memref<8x64xf32, #tpu.memory_space<vmem>>, vector<1x16xf32>,
    %swap3A_1111 = vector.shape_cast %swap3A_1110 : vector<1x16xf32> to vector<16xf32>
    %swap3A_1112 = vector.shape_cast %add3A_1106 : vector<16xf32> to vector<1x16xf32>
    tpu.vector_store %arg5[%swap3A_1108, %swap3A_1109], %swap3A_1112 {strides = array<i32>} : memref<8x64xf32, #tpu.memory_space<vmem>>, vector<1x16xf32>,
    %eq3A_1113 = arith.constant 3.000000e+00 : f32
    %eq3A_1114 = vector.broadcast %eq3A_1113 : f32 to vector<16xf32>
    %eq3A_1115 = arith.cmpf oeq, %select_n3A_969, %eq3A_1114 : vector<16xf32>
    %select_n3A_1116 = arith.select %eq3A_1115, %div3A_1062, %broadcast_in_dim3A_1067 : vector<16xi1>, vector<16xf32>
    %eq3A_1117 = arith.constant 3.000000e+00 : f32
    %eq3A_1118 = vector.broadcast %eq3A_1117 : f32 to vector<16xf32>
    %eq3A_1119 = arith.cmpf oeq, %select_n3A_1054, %eq3A_1118 : vector<16xf32>
    %select_n3A_1120 = arith.select %eq3A_1119, %sub3A_1065, %broadcast_in_dim3A_1067 : vector<16xi1>, vector<16xf32>
    %add3A_1121 = arith.addf %select_n3A_1116, %select_n3A_1120 : vector<16xf32>
    %swap3A_1122 = arith.constant 3 : i32
    %swap3A_1123 = arith.index_cast %swap3A_1122 : i32 to index
    %swap3A_1124 = arith.constant 48 : index
    %swap3A_1125 = tpu.vector_load %arg5[%swap3A_1123, %swap3A_1124] {strides = array<i32>} : memref<8x64xf32, #tpu.memory_space<vmem>>, vector<1x16xf32>,
    %swap3A_1126 = vector.shape_cast %swap3A_1125 : vector<1x16xf32> to vector<16xf32>
    %swap3A_1127 = vector.shape_cast %add3A_1121 : vector<16xf32> to vector<1x16xf32>
    tpu.vector_store %arg5[%swap3A_1123, %swap3A_1124], %swap3A_1127 {strides = array<i32>} : memref<8x64xf32, #tpu.memory_space<vmem>>, vector<1x16xf32>,
    %eq3A_1128 = arith.constant 4.000000e+00 : f32
    %eq3A_1129 = vector.broadcast %eq3A_1128 : f32 to vector<16xf32>
    %eq3A_1130 = arith.cmpf oeq, %select_n3A_969, %eq3A_1129 : vector<16xf32>
    %select_n3A_1131 = arith.select %eq3A_1130, %div3A_1062, %broadcast_in_dim3A_1067 : vector<16xi1>, vector<16xf32>
    %eq3A_1132 = arith.constant 4.000000e+00 : f32
    %eq3A_1133 = vector.broadcast %eq3A_1132 : f32 to vector<16xf32>
    %eq3A_1134 = arith.cmpf oeq, %select_n3A_1054, %eq3A_1133 : vector<16xf32>
    %select_n3A_1135 = arith.select %eq3A_1134, %sub3A_1065, %broadcast_in_dim3A_1067 : vector<16xi1>, vector<16xf32>
    %add3A_1136 = arith.addf %select_n3A_1131, %select_n3A_1135 : vector<16xf32>
    %swap3A_1137 = arith.constant 4 : i32
    %swap3A_1138 = arith.index_cast %swap3A_1137 : i32 to index
    %swap3A_1139 = arith.constant 48 : index
    %swap3A_1140 = tpu.vector_load %arg5[%swap3A_1138, %swap3A_1139] {strides = array<i32>} : memref<8x64xf32, #tpu.memory_space<vmem>>, vector<1x16xf32>,
    %swap3A_1141 = vector.shape_cast %swap3A_1140 : vector<1x16xf32> to vector<16xf32>
    %swap3A_1142 = vector.shape_cast %add3A_1136 : vector<16xf32> to vector<1x16xf32>
    tpu.vector_store %arg5[%swap3A_1138, %swap3A_1139], %swap3A_1142 {strides = array<i32>} : memref<8x64xf32, #tpu.memory_space<vmem>>, vector<1x16xf32>,
    %eq3A_1143 = arith.constant 5.000000e+00 : f32
    %eq3A_1144 = vector.broadcast %eq3A_1143 : f32 to vector<16xf32>
    %eq3A_1145 = arith.cmpf oeq, %select_n3A_969, %eq3A_1144 : vector<16xf32>
    %select_n3A_1146 = arith.select %eq3A_1145, %div3A_1062, %broadcast_in_dim3A_1067 : vector<16xi1>, vector<16xf32>
    %eq3A_1147 = arith.constant 5.000000e+00 : f32
    %eq3A_1148 = vector.broadcast %eq3A_1147 : f32 to vector<16xf32>
    %eq3A_1149 = arith.cmpf oeq, %select_n3A_1054, %eq3A_1148 : vector<16xf32>
    %select_n3A_1150 = arith.select %eq3A_1149, %sub3A_1065, %broadcast_in_dim3A_1067 : vector<16xi1>, vector<16xf32>
    %add3A_1151 = arith.addf %select_n3A_1146, %select_n3A_1150 : vector<16xf32>
    %swap3A_1152 = arith.constant 5 : i32
    %swap3A_1153 = arith.index_cast %swap3A_1152 : i32 to index
    %swap3A_1154 = arith.constant 48 : index
    %swap3A_1155 = tpu.vector_load %arg5[%swap3A_1153, %swap3A_1154] {strides = array<i32>} : memref<8x64xf32, #tpu.memory_space<vmem>>, vector<1x16xf32>,
    %swap3A_1156 = vector.shape_cast %swap3A_1155 : vector<1x16xf32> to vector<16xf32>
    %swap3A_1157 = vector.shape_cast %add3A_1151 : vector<16xf32> to vector<1x16xf32>
    tpu.vector_store %arg5[%swap3A_1153, %swap3A_1154], %swap3A_1157 {strides = array<i32>} : memref<8x64xf32, #tpu.memory_space<vmem>>, vector<1x16xf32>,
    %eq3A_1158 = arith.constant 6.000000e+00 : f32
    %eq3A_1159 = vector.broadcast %eq3A_1158 : f32 to vector<16xf32>
    %eq3A_1160 = arith.cmpf oeq, %select_n3A_969, %eq3A_1159 : vector<16xf32>
    %select_n3A_1161 = arith.select %eq3A_1160, %div3A_1062, %broadcast_in_dim3A_1067 : vector<16xi1>, vector<16xf32>
    %eq3A_1162 = arith.constant 6.000000e+00 : f32
    %eq3A_1163 = vector.broadcast %eq3A_1162 : f32 to vector<16xf32>
    %eq3A_1164 = arith.cmpf oeq, %select_n3A_1054, %eq3A_1163 : vector<16xf32>
    %select_n3A_1165 = arith.select %eq3A_1164, %sub3A_1065, %broadcast_in_dim3A_1067 : vector<16xi1>, vector<16xf32>
    %add3A_1166 = arith.addf %select_n3A_1161, %select_n3A_1165 : vector<16xf32>
    %swap3A_1167 = arith.constant 6 : i32
    %swap3A_1168 = arith.index_cast %swap3A_1167 : i32 to index
    %swap3A_1169 = arith.constant 48 : index
    %swap3A_1170 = tpu.vector_load %arg5[%swap3A_1168, %swap3A_1169] {strides = array<i32>} : memref<8x64xf32, #tpu.memory_space<vmem>>, vector<1x16xf32>,
    %swap3A_1171 = vector.shape_cast %swap3A_1170 : vector<1x16xf32> to vector<16xf32>
    %swap3A_1172 = vector.shape_cast %add3A_1166 : vector<16xf32> to vector<1x16xf32>
    tpu.vector_store %arg5[%swap3A_1168, %swap3A_1169], %swap3A_1172 {strides = array<i32>} : memref<8x64xf32, #tpu.memory_space<vmem>>, vector<1x16xf32>,
    %eq3A_1173 = arith.constant 7.000000e+00 : f32
    %eq3A_1174 = vector.broadcast %eq3A_1173 : f32 to vector<16xf32>
    %eq3A_1175 = arith.cmpf oeq, %select_n3A_969, %eq3A_1174 : vector<16xf32>
    %select_n3A_1176 = arith.select %eq3A_1175, %div3A_1062, %broadcast_in_dim3A_1067 : vector<16xi1>, vector<16xf32>
    %eq3A_1177 = arith.constant 7.000000e+00 : f32
    %eq3A_1178 = vector.broadcast %eq3A_1177 : f32 to vector<16xf32>
    %eq3A_1179 = arith.cmpf oeq, %select_n3A_1054, %eq3A_1178 : vector<16xf32>
    %select_n3A_1180 = arith.select %eq3A_1179, %sub3A_1065, %broadcast_in_dim3A_1067 : vector<16xi1>, vector<16xf32>
    %add3A_1181 = arith.addf %select_n3A_1176, %select_n3A_1180 : vector<16xf32>
    %swap3A_1182 = arith.constant 7 : i32
    %swap3A_1183 = arith.index_cast %swap3A_1182 : i32 to index
    %swap3A_1184 = arith.constant 48 : index
    %swap3A_1185 = tpu.vector_load %arg5[%swap3A_1183, %swap3A_1184] {strides = array<i32>} : memref<8x64xf32, #tpu.memory_space<vmem>>, vector<1x16xf32>,
    %swap3A_1186 = vector.shape_cast %swap3A_1185 : vector<1x16xf32> to vector<16xf32>
    %swap3A_1187 = vector.shape_cast %add3A_1181 : vector<16xf32> to vector<1x16xf32>
    tpu.vector_store %arg5[%swap3A_1183, %swap3A_1184], %swap3A_1187 {strides = array<i32>} : memref<8x64xf32, #tpu.memory_space<vmem>>, vector<1x16xf32>,
    %run_scoped3A_1188 = arith.constant 0 : i32
    %run_scoped3A_1189 = arith.constant 0 : i32
    "tpu.region"() ({
      %run_scoped3A_1204 = tpu.sem_alloc : memref<!tpu.dma_semaphore, #tpu.memory_space<semaphore_mem>>
      %dma_start3A = arith.constant 0 : i32
      %dma_start3A_1205 = tpu.memref_slice %arg5[%run_scoped3A_1188, %dma_start3A] : memref<8x64xf32, #tpu.memory_space<vmem>> -> memref<1x64xf32, #tpu.memory_space<vmem>>
      %dma_start3A_1206 = tpu.memref_squeeze %dma_start3A_1205 : memref<1x64xf32, #tpu.memory_space<vmem>> -> memref<64xf32, #tpu.memory_space<vmem>>
      %dma_start3A_1207 = tpu.memref_slice %arg3[%run_scoped3A_1189, %mul3A_2] : memref<8x2048xf32, #tpu.memory_space<hbm>> -> memref<1x64xf32, #tpu.memory_space<hbm>>
      %dma_start3A_1208 = tpu.memref_squeeze %dma_start3A_1207 : memref<1x64xf32, #tpu.memory_space<hbm>> -> memref<64xf32, #tpu.memory_space<hbm>>
      %dma_start3A_1209 = tpu.memref_slice %arg3[%run_scoped3A_1189, %mul3A_2] : memref<8x2048xf32, #tpu.memory_space<hbm>> -> memref<1x64xf32, #tpu.memory_space<hbm>>
      %dma_start3A_1210 = tpu.memref_squeeze %dma_start3A_1209 : memref<1x64xf32, #tpu.memory_space<hbm>> -> memref<64xf32, #tpu.memory_space<hbm>>
      %dma_start3A_1211 = arith.constant 0 : i32
      %dma_start3A_1212 = tpu.memref_slice %arg5[%run_scoped3A_1188, %dma_start3A_1211] : memref<8x64xf32, #tpu.memory_space<vmem>> -> memref<1x64xf32, #tpu.memory_space<vmem>>
      %dma_start3A_1213 = tpu.memref_squeeze %dma_start3A_1212 : memref<1x64xf32, #tpu.memory_space<vmem>> -> memref<64xf32, #tpu.memory_space<vmem>>
      tpu.enqueue_dma source(%dma_start3A_1213 : memref<64xf32, #tpu.memory_space<vmem>>) target(%dma_start3A_1210 : memref<64xf32, #tpu.memory_space<hbm>>) target_semaphore(%run_scoped3A_1204 : memref<!tpu.dma_semaphore, #tpu.memory_space<semaphore_mem>>)
      %dma_wait3A = arith.constant 0 : i32
      %dma_wait3A_1214 = tpu.memref_slice %arg5[%run_scoped3A_1188, %dma_wait3A] : memref<8x64xf32, #tpu.memory_space<vmem>> -> memref<1x64xf32, #tpu.memory_space<vmem>>
      %dma_wait3A_1215 = tpu.memref_squeeze %dma_wait3A_1214 : memref<1x64xf32, #tpu.memory_space<vmem>> -> memref<64xf32, #tpu.memory_space<vmem>>
      %dma_wait3A_1216 = tpu.memref_slice %arg3[%run_scoped3A_1189, %mul3A_2] : memref<8x2048xf32, #tpu.memory_space<hbm>> -> memref<1x64xf32, #tpu.memory_space<hbm>>
      %dma_wait3A_1217 = tpu.memref_squeeze %dma_wait3A_1216 : memref<1x64xf32, #tpu.memory_space<hbm>> -> memref<64xf32, #tpu.memory_space<hbm>>
      %dma_wait3A_1218 = tpu.memref_slice %arg3[%run_scoped3A_1189, %mul3A_2] : memref<8x2048xf32, #tpu.memory_space<hbm>> -> memref<1x64xf32, #tpu.memory_space<hbm>>
      %dma_wait3A_1219 = tpu.memref_squeeze %dma_wait3A_1218 : memref<1x64xf32, #tpu.memory_space<hbm>> -> memref<64xf32, #tpu.memory_space<hbm>>
      %dma_wait3A_1220 = arith.constant 0 : i32
      %dma_wait3A_1221 = tpu.memref_slice %arg5[%run_scoped3A_1188, %dma_wait3A_1220] : memref<8x64xf32, #tpu.memory_space<vmem>> -> memref<1x64xf32, #tpu.memory_space<vmem>>
      %dma_wait3A_1222 = tpu.memref_squeeze %dma_wait3A_1221 : memref<1x64xf32, #tpu.memory_space<vmem>> -> memref<64xf32, #tpu.memory_space<vmem>>
      tpu.wait_dma2 semaphore(%run_scoped3A_1204 : memref<!tpu.dma_semaphore, #tpu.memory_space<semaphore_mem>>) src(%dma_wait3A_1222 : memref<64xf32, #tpu.memory_space<vmem>>) dst(%dma_wait3A_1219 : memref<64xf32, #tpu.memory_space<hbm>>)
      tpu.yield
    }) : () -> ()
    %run_scoped3A_1190 = arith.constant 1 : i32
    %run_scoped3A_1191 = arith.constant 1 : i32
    "tpu.region"() ({
      %run_scoped3A_1204 = tpu.sem_alloc : memref<!tpu.dma_semaphore, #tpu.memory_space<semaphore_mem>>
      %dma_start3A = arith.constant 0 : i32
      %dma_start3A_1205 = tpu.memref_slice %arg5[%run_scoped3A_1190, %dma_start3A] : memref<8x64xf32, #tpu.memory_space<vmem>> -> memref<1x64xf32, #tpu.memory_space<vmem>>
      %dma_start3A_1206 = tpu.memref_squeeze %dma_start3A_1205 : memref<1x64xf32, #tpu.memory_space<vmem>> -> memref<64xf32, #tpu.memory_space<vmem>>
      %dma_start3A_1207 = tpu.memref_slice %arg3[%run_scoped3A_1191, %mul3A_2] : memref<8x2048xf32, #tpu.memory_space<hbm>> -> memref<1x64xf32, #tpu.memory_space<hbm>>
      %dma_start3A_1208 = tpu.memref_squeeze %dma_start3A_1207 : memref<1x64xf32, #tpu.memory_space<hbm>> -> memref<64xf32, #tpu.memory_space<hbm>>
      %dma_start3A_1209 = tpu.memref_slice %arg3[%run_scoped3A_1191, %mul3A_2] : memref<8x2048xf32, #tpu.memory_space<hbm>> -> memref<1x64xf32, #tpu.memory_space<hbm>>
      %dma_start3A_1210 = tpu.memref_squeeze %dma_start3A_1209 : memref<1x64xf32, #tpu.memory_space<hbm>> -> memref<64xf32, #tpu.memory_space<hbm>>
      %dma_start3A_1211 = arith.constant 0 : i32
      %dma_start3A_1212 = tpu.memref_slice %arg5[%run_scoped3A_1190, %dma_start3A_1211] : memref<8x64xf32, #tpu.memory_space<vmem>> -> memref<1x64xf32, #tpu.memory_space<vmem>>
      %dma_start3A_1213 = tpu.memref_squeeze %dma_start3A_1212 : memref<1x64xf32, #tpu.memory_space<vmem>> -> memref<64xf32, #tpu.memory_space<vmem>>
      tpu.enqueue_dma source(%dma_start3A_1213 : memref<64xf32, #tpu.memory_space<vmem>>) target(%dma_start3A_1210 : memref<64xf32, #tpu.memory_space<hbm>>) target_semaphore(%run_scoped3A_1204 : memref<!tpu.dma_semaphore, #tpu.memory_space<semaphore_mem>>)
      %dma_wait3A = arith.constant 0 : i32
      %dma_wait3A_1214 = tpu.memref_slice %arg5[%run_scoped3A_1190, %dma_wait3A] : memref<8x64xf32, #tpu.memory_space<vmem>> -> memref<1x64xf32, #tpu.memory_space<vmem>>
      %dma_wait3A_1215 = tpu.memref_squeeze %dma_wait3A_1214 : memref<1x64xf32, #tpu.memory_space<vmem>> -> memref<64xf32, #tpu.memory_space<vmem>>
      %dma_wait3A_1216 = tpu.memref_slice %arg3[%run_scoped3A_1191, %mul3A_2] : memref<8x2048xf32, #tpu.memory_space<hbm>> -> memref<1x64xf32, #tpu.memory_space<hbm>>
      %dma_wait3A_1217 = tpu.memref_squeeze %dma_wait3A_1216 : memref<1x64xf32, #tpu.memory_space<hbm>> -> memref<64xf32, #tpu.memory_space<hbm>>
      %dma_wait3A_1218 = tpu.memref_slice %arg3[%run_scoped3A_1191, %mul3A_2] : memref<8x2048xf32, #tpu.memory_space<hbm>> -> memref<1x64xf32, #tpu.memory_space<hbm>>
      %dma_wait3A_1219 = tpu.memref_squeeze %dma_wait3A_1218 : memref<1x64xf32, #tpu.memory_space<hbm>> -> memref<64xf32, #tpu.memory_space<hbm>>
      %dma_wait3A_1220 = arith.constant 0 : i32
      %dma_wait3A_1221 = tpu.memref_slice %arg5[%run_scoped3A_1190, %dma_wait3A_1220] : memref<8x64xf32, #tpu.memory_space<vmem>> -> memref<1x64xf32, #tpu.memory_space<vmem>>
      %dma_wait3A_1222 = tpu.memref_squeeze %dma_wait3A_1221 : memref<1x64xf32, #tpu.memory_space<vmem>> -> memref<64xf32, #tpu.memory_space<vmem>>
      tpu.wait_dma2 semaphore(%run_scoped3A_1204 : memref<!tpu.dma_semaphore, #tpu.memory_space<semaphore_mem>>) src(%dma_wait3A_1222 : memref<64xf32, #tpu.memory_space<vmem>>) dst(%dma_wait3A_1219 : memref<64xf32, #tpu.memory_space<hbm>>)
      tpu.yield
    }) : () -> ()
    %run_scoped3A_1192 = arith.constant 2 : i32
    %run_scoped3A_1193 = arith.constant 2 : i32
    "tpu.region"() ({
      %run_scoped3A_1204 = tpu.sem_alloc : memref<!tpu.dma_semaphore, #tpu.memory_space<semaphore_mem>>
      %dma_start3A = arith.constant 0 : i32
      %dma_start3A_1205 = tpu.memref_slice %arg5[%run_scoped3A_1192, %dma_start3A] : memref<8x64xf32, #tpu.memory_space<vmem>> -> memref<1x64xf32, #tpu.memory_space<vmem>>
      %dma_start3A_1206 = tpu.memref_squeeze %dma_start3A_1205 : memref<1x64xf32, #tpu.memory_space<vmem>> -> memref<64xf32, #tpu.memory_space<vmem>>
      %dma_start3A_1207 = tpu.memref_slice %arg3[%run_scoped3A_1193, %mul3A_2] : memref<8x2048xf32, #tpu.memory_space<hbm>> -> memref<1x64xf32, #tpu.memory_space<hbm>>
      %dma_start3A_1208 = tpu.memref_squeeze %dma_start3A_1207 : memref<1x64xf32, #tpu.memory_space<hbm>> -> memref<64xf32, #tpu.memory_space<hbm>>
      %dma_start3A_1209 = tpu.memref_slice %arg3[%run_scoped3A_1193, %mul3A_2] : memref<8x2048xf32, #tpu.memory_space<hbm>> -> memref<1x64xf32, #tpu.memory_space<hbm>>
      %dma_start3A_1210 = tpu.memref_squeeze %dma_start3A_1209 : memref<1x64xf32, #tpu.memory_space<hbm>> -> memref<64xf32, #tpu.memory_space<hbm>>
      %dma_start3A_1211 = arith.constant 0 : i32
      %dma_start3A_1212 = tpu.memref_slice %arg5[%run_scoped3A_1192, %dma_start3A_1211] : memref<8x64xf32, #tpu.memory_space<vmem>> -> memref<1x64xf32, #tpu.memory_space<vmem>>
      %dma_start3A_1213 = tpu.memref_squeeze %dma_start3A_1212 : memref<1x64xf32, #tpu.memory_space<vmem>> -> memref<64xf32, #tpu.memory_space<vmem>>
      tpu.enqueue_dma source(%dma_start3A_1213 : memref<64xf32, #tpu.memory_space<vmem>>) target(%dma_start3A_1210 : memref<64xf32, #tpu.memory_space<hbm>>) target_semaphore(%run_scoped3A_1204 : memref<!tpu.dma_semaphore, #tpu.memory_space<semaphore_mem>>)
      %dma_wait3A = arith.constant 0 : i32
      %dma_wait3A_1214 = tpu.memref_slice %arg5[%run_scoped3A_1192, %dma_wait3A] : memref<8x64xf32, #tpu.memory_space<vmem>> -> memref<1x64xf32, #tpu.memory_space<vmem>>
      %dma_wait3A_1215 = tpu.memref_squeeze %dma_wait3A_1214 : memref<1x64xf32, #tpu.memory_space<vmem>> -> memref<64xf32, #tpu.memory_space<vmem>>
      %dma_wait3A_1216 = tpu.memref_slice %arg3[%run_scoped3A_1193, %mul3A_2] : memref<8x2048xf32, #tpu.memory_space<hbm>> -> memref<1x64xf32, #tpu.memory_space<hbm>>
      %dma_wait3A_1217 = tpu.memref_squeeze %dma_wait3A_1216 : memref<1x64xf32, #tpu.memory_space<hbm>> -> memref<64xf32, #tpu.memory_space<hbm>>
      %dma_wait3A_1218 = tpu.memref_slice %arg3[%run_scoped3A_1193, %mul3A_2] : memref<8x2048xf32, #tpu.memory_space<hbm>> -> memref<1x64xf32, #tpu.memory_space<hbm>>
      %dma_wait3A_1219 = tpu.memref_squeeze %dma_wait3A_1218 : memref<1x64xf32, #tpu.memory_space<hbm>> -> memref<64xf32, #tpu.memory_space<hbm>>
      %dma_wait3A_1220 = arith.constant 0 : i32
      %dma_wait3A_1221 = tpu.memref_slice %arg5[%run_scoped3A_1192, %dma_wait3A_1220] : memref<8x64xf32, #tpu.memory_space<vmem>> -> memref<1x64xf32, #tpu.memory_space<vmem>>
      %dma_wait3A_1222 = tpu.memref_squeeze %dma_wait3A_1221 : memref<1x64xf32, #tpu.memory_space<vmem>> -> memref<64xf32, #tpu.memory_space<vmem>>
      tpu.wait_dma2 semaphore(%run_scoped3A_1204 : memref<!tpu.dma_semaphore, #tpu.memory_space<semaphore_mem>>) src(%dma_wait3A_1222 : memref<64xf32, #tpu.memory_space<vmem>>) dst(%dma_wait3A_1219 : memref<64xf32, #tpu.memory_space<hbm>>)
      tpu.yield
    }) : () -> ()
    %run_scoped3A_1194 = arith.constant 3 : i32
    %run_scoped3A_1195 = arith.constant 3 : i32
    "tpu.region"() ({
      %run_scoped3A_1204 = tpu.sem_alloc : memref<!tpu.dma_semaphore, #tpu.memory_space<semaphore_mem>>
      %dma_start3A = arith.constant 0 : i32
      %dma_start3A_1205 = tpu.memref_slice %arg5[%run_scoped3A_1194, %dma_start3A] : memref<8x64xf32, #tpu.memory_space<vmem>> -> memref<1x64xf32, #tpu.memory_space<vmem>>
      %dma_start3A_1206 = tpu.memref_squeeze %dma_start3A_1205 : memref<1x64xf32, #tpu.memory_space<vmem>> -> memref<64xf32, #tpu.memory_space<vmem>>
      %dma_start3A_1207 = tpu.memref_slice %arg3[%run_scoped3A_1195, %mul3A_2] : memref<8x2048xf32, #tpu.memory_space<hbm>> -> memref<1x64xf32, #tpu.memory_space<hbm>>
      %dma_start3A_1208 = tpu.memref_squeeze %dma_start3A_1207 : memref<1x64xf32, #tpu.memory_space<hbm>> -> memref<64xf32, #tpu.memory_space<hbm>>
      %dma_start3A_1209 = tpu.memref_slice %arg3[%run_scoped3A_1195, %mul3A_2] : memref<8x2048xf32, #tpu.memory_space<hbm>> -> memref<1x64xf32, #tpu.memory_space<hbm>>
      %dma_start3A_1210 = tpu.memref_squeeze %dma_start3A_1209 : memref<1x64xf32, #tpu.memory_space<hbm>> -> memref<64xf32, #tpu.memory_space<hbm>>
      %dma_start3A_1211 = arith.constant 0 : i32
      %dma_start3A_1212 = tpu.memref_slice %arg5[%run_scoped3A_1194, %dma_start3A_1211] : memref<8x64xf32, #tpu.memory_space<vmem>> -> memref<1x64xf32, #tpu.memory_space<vmem>>
      %dma_start3A_1213 = tpu.memref_squeeze %dma_start3A_1212 : memref<1x64xf32, #tpu.memory_space<vmem>> -> memref<64xf32, #tpu.memory_space<vmem>>
      tpu.enqueue_dma source(%dma_start3A_1213 : memref<64xf32, #tpu.memory_space<vmem>>) target(%dma_start3A_1210 : memref<64xf32, #tpu.memory_space<hbm>>) target_semaphore(%run_scoped3A_1204 : memref<!tpu.dma_semaphore, #tpu.memory_space<semaphore_mem>>)
      %dma_wait3A = arith.constant 0 : i32
      %dma_wait3A_1214 = tpu.memref_slice %arg5[%run_scoped3A_1194, %dma_wait3A] : memref<8x64xf32, #tpu.memory_space<vmem>> -> memref<1x64xf32, #tpu.memory_space<vmem>>
      %dma_wait3A_1215 = tpu.memref_squeeze %dma_wait3A_1214 : memref<1x64xf32, #tpu.memory_space<vmem>> -> memref<64xf32, #tpu.memory_space<vmem>>
      %dma_wait3A_1216 = tpu.memref_slice %arg3[%run_scoped3A_1195, %mul3A_2] : memref<8x2048xf32, #tpu.memory_space<hbm>> -> memref<1x64xf32, #tpu.memory_space<hbm>>
      %dma_wait3A_1217 = tpu.memref_squeeze %dma_wait3A_1216 : memref<1x64xf32, #tpu.memory_space<hbm>> -> memref<64xf32, #tpu.memory_space<hbm>>
      %dma_wait3A_1218 = tpu.memref_slice %arg3[%run_scoped3A_1195, %mul3A_2] : memref<8x2048xf32, #tpu.memory_space<hbm>> -> memref<1x64xf32, #tpu.memory_space<hbm>>
      %dma_wait3A_1219 = tpu.memref_squeeze %dma_wait3A_1218 : memref<1x64xf32, #tpu.memory_space<hbm>> -> memref<64xf32, #tpu.memory_space<hbm>>
      %dma_wait3A_1220 = arith.constant 0 : i32
      %dma_wait3A_1221 = tpu.memref_slice %arg5[%run_scoped3A_1194, %dma_wait3A_1220] : memref<8x64xf32, #tpu.memory_space<vmem>> -> memref<1x64xf32, #tpu.memory_space<vmem>>
      %dma_wait3A_1222 = tpu.memref_squeeze %dma_wait3A_1221 : memref<1x64xf32, #tpu.memory_space<vmem>> -> memref<64xf32, #tpu.memory_space<vmem>>
      tpu.wait_dma2 semaphore(%run_scoped3A_1204 : memref<!tpu.dma_semaphore, #tpu.memory_space<semaphore_mem>>) src(%dma_wait3A_1222 : memref<64xf32, #tpu.memory_space<vmem>>) dst(%dma_wait3A_1219 : memref<64xf32, #tpu.memory_space<hbm>>)
      tpu.yield
    }) : () -> ()
    %run_scoped3A_1196 = arith.constant 4 : i32
    %run_scoped3A_1197 = arith.constant 4 : i32
    "tpu.region"() ({
      %run_scoped3A_1204 = tpu.sem_alloc : memref<!tpu.dma_semaphore, #tpu.memory_space<semaphore_mem>>
      %dma_start3A = arith.constant 0 : i32
      %dma_start3A_1205 = tpu.memref_slice %arg5[%run_scoped3A_1196, %dma_start3A] : memref<8x64xf32, #tpu.memory_space<vmem>> -> memref<1x64xf32, #tpu.memory_space<vmem>>
      %dma_start3A_1206 = tpu.memref_squeeze %dma_start3A_1205 : memref<1x64xf32, #tpu.memory_space<vmem>> -> memref<64xf32, #tpu.memory_space<vmem>>
      %dma_start3A_1207 = tpu.memref_slice %arg3[%run_scoped3A_1197, %mul3A_2] : memref<8x2048xf32, #tpu.memory_space<hbm>> -> memref<1x64xf32, #tpu.memory_space<hbm>>
      %dma_start3A_1208 = tpu.memref_squeeze %dma_start3A_1207 : memref<1x64xf32, #tpu.memory_space<hbm>> -> memref<64xf32, #tpu.memory_space<hbm>>
      %dma_start3A_1209 = tpu.memref_slice %arg3[%run_scoped3A_1197, %mul3A_2] : memref<8x2048xf32, #tpu.memory_space<hbm>> -> memref<1x64xf32, #tpu.memory_space<hbm>>
      %dma_start3A_1210 = tpu.memref_squeeze %dma_start3A_1209 : memref<1x64xf32, #tpu.memory_space<hbm>> -> memref<64xf32, #tpu.memory_space<hbm>>
      %dma_start3A_1211 = arith.constant 0 : i32
      %dma_start3A_1212 = tpu.memref_slice %arg5[%run_scoped3A_1196, %dma_start3A_1211] : memref<8x64xf32, #tpu.memory_space<vmem>> -> memref<1x64xf32, #tpu.memory_space<vmem>>
      %dma_start3A_1213 = tpu.memref_squeeze %dma_start3A_1212 : memref<1x64xf32, #tpu.memory_space<vmem>> -> memref<64xf32, #tpu.memory_space<vmem>>
      tpu.enqueue_dma source(%dma_start3A_1213 : memref<64xf32, #tpu.memory_space<vmem>>) target(%dma_start3A_1210 : memref<64xf32, #tpu.memory_space<hbm>>) target_semaphore(%run_scoped3A_1204 : memref<!tpu.dma_semaphore, #tpu.memory_space<semaphore_mem>>)
      %dma_wait3A = arith.constant 0 : i32
      %dma_wait3A_1214 = tpu.memref_slice %arg5[%run_scoped3A_1196, %dma_wait3A] : memref<8x64xf32, #tpu.memory_space<vmem>> -> memref<1x64xf32, #tpu.memory_space<vmem>>
      %dma_wait3A_1215 = tpu.memref_squeeze %dma_wait3A_1214 : memref<1x64xf32, #tpu.memory_space<vmem>> -> memref<64xf32, #tpu.memory_space<vmem>>
      %dma_wait3A_1216 = tpu.memref_slice %arg3[%run_scoped3A_1197, %mul3A_2] : memref<8x2048xf32, #tpu.memory_space<hbm>> -> memref<1x64xf32, #tpu.memory_space<hbm>>
      %dma_wait3A_1217 = tpu.memref_squeeze %dma_wait3A_1216 : memref<1x64xf32, #tpu.memory_space<hbm>> -> memref<64xf32, #tpu.memory_space<hbm>>
      %dma_wait3A_1218 = tpu.memref_slice %arg3[%run_scoped3A_1197, %mul3A_2] : memref<8x2048xf32, #tpu.memory_space<hbm>> -> memref<1x64xf32, #tpu.memory_space<hbm>>
      %dma_wait3A_1219 = tpu.memref_squeeze %dma_wait3A_1218 : memref<1x64xf32, #tpu.memory_space<hbm>> -> memref<64xf32, #tpu.memory_space<hbm>>
      %dma_wait3A_1220 = arith.constant 0 : i32
      %dma_wait3A_1221 = tpu.memref_slice %arg5[%run_scoped3A_1196, %dma_wait3A_1220] : memref<8x64xf32, #tpu.memory_space<vmem>> -> memref<1x64xf32, #tpu.memory_space<vmem>>
      %dma_wait3A_1222 = tpu.memref_squeeze %dma_wait3A_1221 : memref<1x64xf32, #tpu.memory_space<vmem>> -> memref<64xf32, #tpu.memory_space<vmem>>
      tpu.wait_dma2 semaphore(%run_scoped3A_1204 : memref<!tpu.dma_semaphore, #tpu.memory_space<semaphore_mem>>) src(%dma_wait3A_1222 : memref<64xf32, #tpu.memory_space<vmem>>) dst(%dma_wait3A_1219 : memref<64xf32, #tpu.memory_space<hbm>>)
      tpu.yield
    }) : () -> ()
    %run_scoped3A_1198 = arith.constant 5 : i32
    %run_scoped3A_1199 = arith.constant 5 : i32
    "tpu.region"() ({
      %run_scoped3A_1204 = tpu.sem_alloc : memref<!tpu.dma_semaphore, #tpu.memory_space<semaphore_mem>>
      %dma_start3A = arith.constant 0 : i32
      %dma_start3A_1205 = tpu.memref_slice %arg5[%run_scoped3A_1198, %dma_start3A] : memref<8x64xf32, #tpu.memory_space<vmem>> -> memref<1x64xf32, #tpu.memory_space<vmem>>
      %dma_start3A_1206 = tpu.memref_squeeze %dma_start3A_1205 : memref<1x64xf32, #tpu.memory_space<vmem>> -> memref<64xf32, #tpu.memory_space<vmem>>
      %dma_start3A_1207 = tpu.memref_slice %arg3[%run_scoped3A_1199, %mul3A_2] : memref<8x2048xf32, #tpu.memory_space<hbm>> -> memref<1x64xf32, #tpu.memory_space<hbm>>
      %dma_start3A_1208 = tpu.memref_squeeze %dma_start3A_1207 : memref<1x64xf32, #tpu.memory_space<hbm>> -> memref<64xf32, #tpu.memory_space<hbm>>
      %dma_start3A_1209 = tpu.memref_slice %arg3[%run_scoped3A_1199, %mul3A_2] : memref<8x2048xf32, #tpu.memory_space<hbm>> -> memref<1x64xf32, #tpu.memory_space<hbm>>
      %dma_start3A_1210 = tpu.memref_squeeze %dma_start3A_1209 : memref<1x64xf32, #tpu.memory_space<hbm>> -> memref<64xf32, #tpu.memory_space<hbm>>
      %dma_start3A_1211 = arith.constant 0 : i32
      %dma_start3A_1212 = tpu.memref_slice %arg5[%run_scoped3A_1198, %dma_start3A_1211] : memref<8x64xf32, #tpu.memory_space<vmem>> -> memref<1x64xf32, #tpu.memory_space<vmem>>
      %dma_start3A_1213 = tpu.memref_squeeze %dma_start3A_1212 : memref<1x64xf32, #tpu.memory_space<vmem>> -> memref<64xf32, #tpu.memory_space<vmem>>
      tpu.enqueue_dma source(%dma_start3A_1213 : memref<64xf32, #tpu.memory_space<vmem>>) target(%dma_start3A_1210 : memref<64xf32, #tpu.memory_space<hbm>>) target_semaphore(%run_scoped3A_1204 : memref<!tpu.dma_semaphore, #tpu.memory_space<semaphore_mem>>)
      %dma_wait3A = arith.constant 0 : i32
      %dma_wait3A_1214 = tpu.memref_slice %arg5[%run_scoped3A_1198, %dma_wait3A] : memref<8x64xf32, #tpu.memory_space<vmem>> -> memref<1x64xf32, #tpu.memory_space<vmem>>
      %dma_wait3A_1215 = tpu.memref_squeeze %dma_wait3A_1214 : memref<1x64xf32, #tpu.memory_space<vmem>> -> memref<64xf32, #tpu.memory_space<vmem>>
      %dma_wait3A_1216 = tpu.memref_slice %arg3[%run_scoped3A_1199, %mul3A_2] : memref<8x2048xf32, #tpu.memory_space<hbm>> -> memref<1x64xf32, #tpu.memory_space<hbm>>
      %dma_wait3A_1217 = tpu.memref_squeeze %dma_wait3A_1216 : memref<1x64xf32, #tpu.memory_space<hbm>> -> memref<64xf32, #tpu.memory_space<hbm>>
      %dma_wait3A_1218 = tpu.memref_slice %arg3[%run_scoped3A_1199, %mul3A_2] : memref<8x2048xf32, #tpu.memory_space<hbm>> -> memref<1x64xf32, #tpu.memory_space<hbm>>
      %dma_wait3A_1219 = tpu.memref_squeeze %dma_wait3A_1218 : memref<1x64xf32, #tpu.memory_space<hbm>> -> memref<64xf32, #tpu.memory_space<hbm>>
      %dma_wait3A_1220 = arith.constant 0 : i32
      %dma_wait3A_1221 = tpu.memref_slice %arg5[%run_scoped3A_1198, %dma_wait3A_1220] : memref<8x64xf32, #tpu.memory_space<vmem>> -> memref<1x64xf32, #tpu.memory_space<vmem>>
      %dma_wait3A_1222 = tpu.memref_squeeze %dma_wait3A_1221 : memref<1x64xf32, #tpu.memory_space<vmem>> -> memref<64xf32, #tpu.memory_space<vmem>>
      tpu.wait_dma2 semaphore(%run_scoped3A_1204 : memref<!tpu.dma_semaphore, #tpu.memory_space<semaphore_mem>>) src(%dma_wait3A_1222 : memref<64xf32, #tpu.memory_space<vmem>>) dst(%dma_wait3A_1219 : memref<64xf32, #tpu.memory_space<hbm>>)
      tpu.yield
    }) : () -> ()
    %run_scoped3A_1200 = arith.constant 6 : i32
    %run_scoped3A_1201 = arith.constant 6 : i32
    "tpu.region"() ({
      %run_scoped3A_1204 = tpu.sem_alloc : memref<!tpu.dma_semaphore, #tpu.memory_space<semaphore_mem>>
      %dma_start3A = arith.constant 0 : i32
      %dma_start3A_1205 = tpu.memref_slice %arg5[%run_scoped3A_1200, %dma_start3A] : memref<8x64xf32, #tpu.memory_space<vmem>> -> memref<1x64xf32, #tpu.memory_space<vmem>>
      %dma_start3A_1206 = tpu.memref_squeeze %dma_start3A_1205 : memref<1x64xf32, #tpu.memory_space<vmem>> -> memref<64xf32, #tpu.memory_space<vmem>>
      %dma_start3A_1207 = tpu.memref_slice %arg3[%run_scoped3A_1201, %mul3A_2] : memref<8x2048xf32, #tpu.memory_space<hbm>> -> memref<1x64xf32, #tpu.memory_space<hbm>>
      %dma_start3A_1208 = tpu.memref_squeeze %dma_start3A_1207 : memref<1x64xf32, #tpu.memory_space<hbm>> -> memref<64xf32, #tpu.memory_space<hbm>>
      %dma_start3A_1209 = tpu.memref_slice %arg3[%run_scoped3A_1201, %mul3A_2] : memref<8x2048xf32, #tpu.memory_space<hbm>> -> memref<1x64xf32, #tpu.memory_space<hbm>>
      %dma_start3A_1210 = tpu.memref_squeeze %dma_start3A_1209 : memref<1x64xf32, #tpu.memory_space<hbm>> -> memref<64xf32, #tpu.memory_space<hbm>>
      %dma_start3A_1211 = arith.constant 0 : i32
      %dma_start3A_1212 = tpu.memref_slice %arg5[%run_scoped3A_1200, %dma_start3A_1211] : memref<8x64xf32, #tpu.memory_space<vmem>> -> memref<1x64xf32, #tpu.memory_space<vmem>>
      %dma_start3A_1213 = tpu.memref_squeeze %dma_start3A_1212 : memref<1x64xf32, #tpu.memory_space<vmem>> -> memref<64xf32, #tpu.memory_space<vmem>>
      tpu.enqueue_dma source(%dma_start3A_1213 : memref<64xf32, #tpu.memory_space<vmem>>) target(%dma_start3A_1210 : memref<64xf32, #tpu.memory_space<hbm>>) target_semaphore(%run_scoped3A_1204 : memref<!tpu.dma_semaphore, #tpu.memory_space<semaphore_mem>>)
      %dma_wait3A = arith.constant 0 : i32
      %dma_wait3A_1214 = tpu.memref_slice %arg5[%run_scoped3A_1200, %dma_wait3A] : memref<8x64xf32, #tpu.memory_space<vmem>> -> memref<1x64xf32, #tpu.memory_space<vmem>>
      %dma_wait3A_1215 = tpu.memref_squeeze %dma_wait3A_1214 : memref<1x64xf32, #tpu.memory_space<vmem>> -> memref<64xf32, #tpu.memory_space<vmem>>
      %dma_wait3A_1216 = tpu.memref_slice %arg3[%run_scoped3A_1201, %mul3A_2] : memref<8x2048xf32, #tpu.memory_space<hbm>> -> memref<1x64xf32, #tpu.memory_space<hbm>>
      %dma_wait3A_1217 = tpu.memref_squeeze %dma_wait3A_1216 : memref<1x64xf32, #tpu.memory_space<hbm>> -> memref<64xf32, #tpu.memory_space<hbm>>
      %dma_wait3A_1218 = tpu.memref_slice %arg3[%run_scoped3A_1201, %mul3A_2] : memref<8x2048xf32, #tpu.memory_space<hbm>> -> memref<1x64xf32, #tpu.memory_space<hbm>>
      %dma_wait3A_1219 = tpu.memref_squeeze %dma_wait3A_1218 : memref<1x64xf32, #tpu.memory_space<hbm>> -> memref<64xf32, #tpu.memory_space<hbm>>
      %dma_wait3A_1220 = arith.constant 0 : i32
      %dma_wait3A_1221 = tpu.memref_slice %arg5[%run_scoped3A_1200, %dma_wait3A_1220] : memref<8x64xf32, #tpu.memory_space<vmem>> -> memref<1x64xf32, #tpu.memory_space<vmem>>
      %dma_wait3A_1222 = tpu.memref_squeeze %dma_wait3A_1221 : memref<1x64xf32, #tpu.memory_space<vmem>> -> memref<64xf32, #tpu.memory_space<vmem>>
      tpu.wait_dma2 semaphore(%run_scoped3A_1204 : memref<!tpu.dma_semaphore, #tpu.memory_space<semaphore_mem>>) src(%dma_wait3A_1222 : memref<64xf32, #tpu.memory_space<vmem>>) dst(%dma_wait3A_1219 : memref<64xf32, #tpu.memory_space<hbm>>)
      tpu.yield
    }) : () -> ()
    %run_scoped3A_1202 = arith.constant 7 : i32
    %run_scoped3A_1203 = arith.constant 7 : i32
    "tpu.region"() ({
      %run_scoped3A_1204 = tpu.sem_alloc : memref<!tpu.dma_semaphore, #tpu.memory_space<semaphore_mem>>
      %dma_start3A = arith.constant 0 : i32
      %dma_start3A_1205 = tpu.memref_slice %arg5[%run_scoped3A_1202, %dma_start3A] : memref<8x64xf32, #tpu.memory_space<vmem>> -> memref<1x64xf32, #tpu.memory_space<vmem>>
      %dma_start3A_1206 = tpu.memref_squeeze %dma_start3A_1205 : memref<1x64xf32, #tpu.memory_space<vmem>> -> memref<64xf32, #tpu.memory_space<vmem>>
      %dma_start3A_1207 = tpu.memref_slice %arg3[%run_scoped3A_1203, %mul3A_2] : memref<8x2048xf32, #tpu.memory_space<hbm>> -> memref<1x64xf32, #tpu.memory_space<hbm>>
      %dma_start3A_1208 = tpu.memref_squeeze %dma_start3A_1207 : memref<1x64xf32, #tpu.memory_space<hbm>> -> memref<64xf32, #tpu.memory_space<hbm>>
      %dma_start3A_1209 = tpu.memref_slice %arg3[%run_scoped3A_1203, %mul3A_2] : memref<8x2048xf32, #tpu.memory_space<hbm>> -> memref<1x64xf32, #tpu.memory_space<hbm>>
      %dma_start3A_1210 = tpu.memref_squeeze %dma_start3A_1209 : memref<1x64xf32, #tpu.memory_space<hbm>> -> memref<64xf32, #tpu.memory_space<hbm>>
      %dma_start3A_1211 = arith.constant 0 : i32
      %dma_start3A_1212 = tpu.memref_slice %arg5[%run_scoped3A_1202, %dma_start3A_1211] : memref<8x64xf32, #tpu.memory_space<vmem>> -> memref<1x64xf32, #tpu.memory_space<vmem>>
      %dma_start3A_1213 = tpu.memref_squeeze %dma_start3A_1212 : memref<1x64xf32, #tpu.memory_space<vmem>> -> memref<64xf32, #tpu.memory_space<vmem>>
      tpu.enqueue_dma source(%dma_start3A_1213 : memref<64xf32, #tpu.memory_space<vmem>>) target(%dma_start3A_1210 : memref<64xf32, #tpu.memory_space<hbm>>) target_semaphore(%run_scoped3A_1204 : memref<!tpu.dma_semaphore, #tpu.memory_space<semaphore_mem>>)
      %dma_wait3A = arith.constant 0 : i32
      %dma_wait3A_1214 = tpu.memref_slice %arg5[%run_scoped3A_1202, %dma_wait3A] : memref<8x64xf32, #tpu.memory_space<vmem>> -> memref<1x64xf32, #tpu.memory_space<vmem>>
      %dma_wait3A_1215 = tpu.memref_squeeze %dma_wait3A_1214 : memref<1x64xf32, #tpu.memory_space<vmem>> -> memref<64xf32, #tpu.memory_space<vmem>>
      %dma_wait3A_1216 = tpu.memref_slice %arg3[%run_scoped3A_1203, %mul3A_2] : memref<8x2048xf32, #tpu.memory_space<hbm>> -> memref<1x64xf32, #tpu.memory_space<hbm>>
      %dma_wait3A_1217 = tpu.memref_squeeze %dma_wait3A_1216 : memref<1x64xf32, #tpu.memory_space<hbm>> -> memref<64xf32, #tpu.memory_space<hbm>>
      %dma_wait3A_1218 = tpu.memref_slice %arg3[%run_scoped3A_1203, %mul3A_2] : memref<8x2048xf32, #tpu.memory_space<hbm>> -> memref<1x64xf32, #tpu.memory_space<hbm>>
      %dma_wait3A_1219 = tpu.memref_squeeze %dma_wait3A_1218 : memref<1x64xf32, #tpu.memory_space<hbm>> -> memref<64xf32, #tpu.memory_space<hbm>>
      %dma_wait3A_1220 = arith.constant 0 : i32
      %dma_wait3A_1221 = tpu.memref_slice %arg5[%run_scoped3A_1202, %dma_wait3A_1220] : memref<8x64xf32, #tpu.memory_space<vmem>> -> memref<1x64xf32, #tpu.memory_space<vmem>>
      %dma_wait3A_1222 = tpu.memref_squeeze %dma_wait3A_1221 : memref<1x64xf32, #tpu.memory_space<vmem>> -> memref<64xf32, #tpu.memory_space<vmem>>
      tpu.wait_dma2 semaphore(%run_scoped3A_1204 : memref<!tpu.dma_semaphore, #tpu.memory_space<semaphore_mem>>) src(%dma_wait3A_1222 : memref<64xf32, #tpu.memory_space<vmem>>) dst(%dma_wait3A_1219 : memref<64xf32, #tpu.memory_space<hbm>>)
      tpu.yield
    }) : () -> ()
    return
  }
}

module attributes {stable_mosaic.version = 14 : i64} {
  func.func @_qkv_body(%arg0: i32, %arg1: memref<256x768xf32, #tpu.memory_space<vmem>>, %arg2: memref<1x768xf32, #tpu.memory_space<vmem>>, %arg3: memref<768x768xf32, #tpu.memory_space<vmem>>, %arg4: memref<768x768xf32, #tpu.memory_space<vmem>>, %arg5: memref<768x768xf32, #tpu.memory_space<vmem>>, %arg6: memref<256x768xbf16, #tpu.memory_space<vmem>>, %arg7: memref<256x768xbf16, #tpu.memory_space<vmem>>, %arg8: memref<256x768xbf16, #tpu.memory_space<vmem>>, %arg9: memref<256x768xbf16, #tpu.memory_space<vmem>>, %arg10: memref<256x768xbf16, #tpu.memory_space<vmem>>, %arg11: memref<768x768xbf16, #tpu.memory_space<vmem>>, %arg12: memref<768x768xbf16, #tpu.memory_space<vmem>>, %arg13: memref<768x768xbf16, #tpu.memory_space<vmem>>, %arg14: memref<768x768xbf16, #tpu.memory_space<vmem>>, %arg15: memref<768x768xbf16, #tpu.memory_space<vmem>>) attributes {dimension_semantics = [#tpu.dimension_semantics<arbitrary>], iteration_bounds = array<i64: 8>, scalar_prefetch = 0 : i64, scratch_operands = 5 : i64, tpu.core_type = #tpu.core_type<tc>, window_params = [{transform_indices = @transform_0, window_bounds = array<i64: 256, 768>}, {pipeline_mode = #tpu.pipeline_mode<synchronous>, transform_indices = @transform_1, window_bounds = array<i64: 1, 768>}, {pipeline_mode = #tpu.pipeline_mode<synchronous>, transform_indices = @transform_2, window_bounds = array<i64: 768, 768>}, {pipeline_mode = #tpu.pipeline_mode<synchronous>, transform_indices = @transform_3, window_bounds = array<i64: 768, 768>}, {pipeline_mode = #tpu.pipeline_mode<synchronous>, transform_indices = @transform_4, window_bounds = array<i64: 768, 768>}, {transform_indices = @transform_5, window_bounds = array<i64: 256, 768>}, {transform_indices = @transform_6, window_bounds = array<i64: 256, 768>}, {transform_indices = @transform_7, window_bounds = array<i64: 256, 768>}, {transform_indices = @transform_8, window_bounds = array<i64: 256, 768>}, {transform_indices = @transform_9, window_bounds = array<i64: 256, 768>}]} {
    %eq3A = arith.constant 0 : i32
    %eq3A_0 = arith.cmpi eq, %arg0, %eq3A : i32
    %convert_element_type3A = arith.extui %eq3A_0 : i1 to i32
    %cond3A = arith.constant 0 : i32
    %cond3A_1 = arith.cmpi ne, %convert_element_type3A, %cond3A : i32
    scf.if %cond3A_1 {
      %get3A_66 = arith.constant 0 : index
      %get3A_67 = arith.constant 0 : index
      %get3A_68 = vector.load %arg3[%get3A_66, %get3A_67] : memref<768x768xf32, #tpu.memory_space<vmem>>, vector<768x768xf32>
      %convert_element_type3A_69 = arith.truncf %get3A_68 : vector<768x768xf32> to vector<768x768xbf16>
      %swap3A_70 = arith.constant 0 : index
      %swap3A_71 = arith.constant 0 : index
      %swap3A_72 = vector.load %arg11[%swap3A_70, %swap3A_71] : memref<768x768xbf16, #tpu.memory_space<vmem>>, vector<768x768xbf16>
      tpu.vector_store %arg11[%swap3A_70, %swap3A_71], %convert_element_type3A_69 {strides = array<i32>} : memref<768x768xbf16, #tpu.memory_space<vmem>>, vector<768x768xbf16>,
      %get3A_73 = arith.constant 0 : index
      %get3A_74 = arith.constant 0 : index
      %get3A_75 = vector.load %arg4[%get3A_73, %get3A_74] : memref<768x768xf32, #tpu.memory_space<vmem>>, vector<768x768xf32>
      %convert_element_type3A_76 = arith.truncf %get3A_75 : vector<768x768xf32> to vector<768x768xbf16>
      %swap3A_77 = arith.constant 0 : index
      %swap3A_78 = arith.constant 0 : index
      %swap3A_79 = vector.load %arg12[%swap3A_77, %swap3A_78] : memref<768x768xbf16, #tpu.memory_space<vmem>>, vector<768x768xbf16>
      tpu.vector_store %arg12[%swap3A_77, %swap3A_78], %convert_element_type3A_76 {strides = array<i32>} : memref<768x768xbf16, #tpu.memory_space<vmem>>, vector<768x768xbf16>,
      %get3A_80 = arith.constant 0 : index
      %get3A_81 = arith.constant 0 : index
      %get3A_82 = vector.load %arg5[%get3A_80, %get3A_81] : memref<768x768xf32, #tpu.memory_space<vmem>>, vector<768x768xf32>
      %convert_element_type3A_83 = arith.truncf %get3A_82 : vector<768x768xf32> to vector<768x768xbf16>
      %swap3A_84 = arith.constant 0 : index
      %swap3A_85 = arith.constant 0 : index
      %swap3A_86 = vector.load %arg13[%swap3A_84, %swap3A_85] : memref<768x768xbf16, #tpu.memory_space<vmem>>, vector<768x768xbf16>
      tpu.vector_store %arg13[%swap3A_84, %swap3A_85], %convert_element_type3A_83 {strides = array<i32>} : memref<768x768xbf16, #tpu.memory_space<vmem>>, vector<768x768xbf16>,
      %get3A_87 = arith.constant 32 : index
      %get3A_88 = arith.constant 0 : index
      %get3A_89 = vector.load %arg3[%get3A_87, %get3A_88] : memref<768x768xf32, #tpu.memory_space<vmem>>, vector<32x768xf32>
      %convert_element_type3A_90 = arith.truncf %get3A_89 : vector<32x768xf32> to vector<32x768xbf16>
      %neg3A = arith.constant 0.000000e+00 : bf16
      %neg3A_91 = vector.broadcast %neg3A : bf16 to vector<32x768xbf16>
      %neg3A_92 = arith.subf %neg3A_91, %convert_element_type3A_90 : vector<32x768xbf16>
      %swap3A_93 = arith.constant 0 : index
      %swap3A_94 = arith.constant 0 : index
      %swap3A_95 = vector.load %arg14[%swap3A_93, %swap3A_94] : memref<768x768xbf16, #tpu.memory_space<vmem>>, vector<32x768xbf16>
      tpu.vector_store %arg14[%swap3A_93, %swap3A_94], %neg3A_92 {strides = array<i32>} : memref<768x768xbf16, #tpu.memory_space<vmem>>, vector<32x768xbf16>,
      %get3A_96 = arith.constant 0 : index
      %get3A_97 = arith.constant 0 : index
      %get3A_98 = vector.load %arg3[%get3A_96, %get3A_97] : memref<768x768xf32, #tpu.memory_space<vmem>>, vector<32x768xf32>
      %convert_element_type3A_99 = arith.truncf %get3A_98 : vector<32x768xf32> to vector<32x768xbf16>
      %swap3A_100 = arith.constant 32 : index
      %swap3A_101 = arith.constant 0 : index
      %swap3A_102 = vector.load %arg14[%swap3A_100, %swap3A_101] : memref<768x768xbf16, #tpu.memory_space<vmem>>, vector<32x768xbf16>
      tpu.vector_store %arg14[%swap3A_100, %swap3A_101], %convert_element_type3A_99 {strides = array<i32>} : memref<768x768xbf16, #tpu.memory_space<vmem>>, vector<32x768xbf16>,
      %get3A_103 = arith.constant 32 : index
      %get3A_104 = arith.constant 0 : index
      %get3A_105 = vector.load %arg4[%get3A_103, %get3A_104] : memref<768x768xf32, #tpu.memory_space<vmem>>, vector<32x768xf32>
      %convert_element_type3A_106 = arith.truncf %get3A_105 : vector<32x768xf32> to vector<32x768xbf16>
      %neg3A_107 = arith.constant 0.000000e+00 : bf16
      %neg3A_108 = vector.broadcast %neg3A_107 : bf16 to vector<32x768xbf16>
      %neg3A_109 = arith.subf %neg3A_108, %convert_element_type3A_106 : vector<32x768xbf16>
      %swap3A_110 = arith.constant 0 : index
      %swap3A_111 = arith.constant 0 : index
      %swap3A_112 = vector.load %arg15[%swap3A_110, %swap3A_111] : memref<768x768xbf16, #tpu.memory_space<vmem>>, vector<32x768xbf16>
      tpu.vector_store %arg15[%swap3A_110, %swap3A_111], %neg3A_109 {strides = array<i32>} : memref<768x768xbf16, #tpu.memory_space<vmem>>, vector<32x768xbf16>,
      %get3A_113 = arith.constant 0 : index
      %get3A_114 = arith.constant 0 : index
      %get3A_115 = vector.load %arg4[%get3A_113, %get3A_114] : memref<768x768xf32, #tpu.memory_space<vmem>>, vector<32x768xf32>
      %convert_element_type3A_116 = arith.truncf %get3A_115 : vector<32x768xf32> to vector<32x768xbf16>
      %swap3A_117 = arith.constant 32 : index
      %swap3A_118 = arith.constant 0 : index
      %swap3A_119 = vector.load %arg15[%swap3A_117, %swap3A_118] : memref<768x768xbf16, #tpu.memory_space<vmem>>, vector<32x768xbf16>
      tpu.vector_store %arg15[%swap3A_117, %swap3A_118], %convert_element_type3A_116 {strides = array<i32>} : memref<768x768xbf16, #tpu.memory_space<vmem>>, vector<32x768xbf16>,
      %get3A_120 = arith.constant 96 : index
      %get3A_121 = arith.constant 0 : index
      %get3A_122 = vector.load %arg3[%get3A_120, %get3A_121] : memref<768x768xf32, #tpu.memory_space<vmem>>, vector<32x768xf32>
      %convert_element_type3A_123 = arith.truncf %get3A_122 : vector<32x768xf32> to vector<32x768xbf16>
      %neg3A_124 = arith.constant 0.000000e+00 : bf16
      %neg3A_125 = vector.broadcast %neg3A_124 : bf16 to vector<32x768xbf16>
      %neg3A_126 = arith.subf %neg3A_125, %convert_element_type3A_123 : vector<32x768xbf16>
      %swap3A_127 = arith.constant 64 : index
      %swap3A_128 = arith.constant 0 : index
      %swap3A_129 = vector.load %arg14[%swap3A_127, %swap3A_128] : memref<768x768xbf16, #tpu.memory_space<vmem>>, vector<32x768xbf16>
      tpu.vector_store %arg14[%swap3A_127, %swap3A_128], %neg3A_126 {strides = array<i32>} : memref<768x768xbf16, #tpu.memory_space<vmem>>, vector<32x768xbf16>,
      %get3A_130 = arith.constant 64 : index
      %get3A_131 = arith.constant 0 : index
      %get3A_132 = vector.load %arg3[%get3A_130, %get3A_131] : memref<768x768xf32, #tpu.memory_space<vmem>>, vector<32x768xf32>
      %convert_element_type3A_133 = arith.truncf %get3A_132 : vector<32x768xf32> to vector<32x768xbf16>
      %swap3A_134 = arith.constant 96 : index
      %swap3A_135 = arith.constant 0 : index
      %swap3A_136 = vector.load %arg14[%swap3A_134, %swap3A_135] : memref<768x768xbf16, #tpu.memory_space<vmem>>, vector<32x768xbf16>
      tpu.vector_store %arg14[%swap3A_134, %swap3A_135], %convert_element_type3A_133 {strides = array<i32>} : memref<768x768xbf16, #tpu.memory_space<vmem>>, vector<32x768xbf16>,
      %get3A_137 = arith.constant 96 : index
      %get3A_138 = arith.constant 0 : index
      %get3A_139 = vector.load %arg4[%get3A_137, %get3A_138] : memref<768x768xf32, #tpu.memory_space<vmem>>, vector<32x768xf32>
      %convert_element_type3A_140 = arith.truncf %get3A_139 : vector<32x768xf32> to vector<32x768xbf16>
      %neg3A_141 = arith.constant 0.000000e+00 : bf16
      %neg3A_142 = vector.broadcast %neg3A_141 : bf16 to vector<32x768xbf16>
      %neg3A_143 = arith.subf %neg3A_142, %convert_element_type3A_140 : vector<32x768xbf16>
      %swap3A_144 = arith.constant 64 : index
      %swap3A_145 = arith.constant 0 : index
      %swap3A_146 = vector.load %arg15[%swap3A_144, %swap3A_145] : memref<768x768xbf16, #tpu.memory_space<vmem>>, vector<32x768xbf16>
      tpu.vector_store %arg15[%swap3A_144, %swap3A_145], %neg3A_143 {strides = array<i32>} : memref<768x768xbf16, #tpu.memory_space<vmem>>, vector<32x768xbf16>,
      %get3A_147 = arith.constant 64 : index
      %get3A_148 = arith.constant 0 : index
      %get3A_149 = vector.load %arg4[%get3A_147, %get3A_148] : memref<768x768xf32, #tpu.memory_space<vmem>>, vector<32x768xf32>
      %convert_element_type3A_150 = arith.truncf %get3A_149 : vector<32x768xf32> to vector<32x768xbf16>
      %swap3A_151 = arith.constant 96 : index
      %swap3A_152 = arith.constant 0 : index
      %swap3A_153 = vector.load %arg15[%swap3A_151, %swap3A_152] : memref<768x768xbf16, #tpu.memory_space<vmem>>, vector<32x768xbf16>
      tpu.vector_store %arg15[%swap3A_151, %swap3A_152], %convert_element_type3A_150 {strides = array<i32>} : memref<768x768xbf16, #tpu.memory_space<vmem>>, vector<32x768xbf16>,
      %get3A_154 = arith.constant 160 : index
      %get3A_155 = arith.constant 0 : index
      %get3A_156 = vector.load %arg3[%get3A_154, %get3A_155] : memref<768x768xf32, #tpu.memory_space<vmem>>, vector<32x768xf32>
      %convert_element_type3A_157 = arith.truncf %get3A_156 : vector<32x768xf32> to vector<32x768xbf16>
      %neg3A_158 = arith.constant 0.000000e+00 : bf16
      %neg3A_159 = vector.broadcast %neg3A_158 : bf16 to vector<32x768xbf16>
      %neg3A_160 = arith.subf %neg3A_159, %convert_element_type3A_157 : vector<32x768xbf16>
      %swap3A_161 = arith.constant 128 : index
      %swap3A_162 = arith.constant 0 : index
      %swap3A_163 = vector.load %arg14[%swap3A_161, %swap3A_162] : memref<768x768xbf16, #tpu.memory_space<vmem>>, vector<32x768xbf16>
      tpu.vector_store %arg14[%swap3A_161, %swap3A_162], %neg3A_160 {strides = array<i32>} : memref<768x768xbf16, #tpu.memory_space<vmem>>, vector<32x768xbf16>,
      %get3A_164 = arith.constant 128 : index
      %get3A_165 = arith.constant 0 : index
      %get3A_166 = vector.load %arg3[%get3A_164, %get3A_165] : memref<768x768xf32, #tpu.memory_space<vmem>>, vector<32x768xf32>
      %convert_element_type3A_167 = arith.truncf %get3A_166 : vector<32x768xf32> to vector<32x768xbf16>
      %swap3A_168 = arith.constant 160 : index
      %swap3A_169 = arith.constant 0 : index
      %swap3A_170 = vector.load %arg14[%swap3A_168, %swap3A_169] : memref<768x768xbf16, #tpu.memory_space<vmem>>, vector<32x768xbf16>
      tpu.vector_store %arg14[%swap3A_168, %swap3A_169], %convert_element_type3A_167 {strides = array<i32>} : memref<768x768xbf16, #tpu.memory_space<vmem>>, vector<32x768xbf16>,
      %get3A_171 = arith.constant 160 : index
      %get3A_172 = arith.constant 0 : index
      %get3A_173 = vector.load %arg4[%get3A_171, %get3A_172] : memref<768x768xf32, #tpu.memory_space<vmem>>, vector<32x768xf32>
      %convert_element_type3A_174 = arith.truncf %get3A_173 : vector<32x768xf32> to vector<32x768xbf16>
      %neg3A_175 = arith.constant 0.000000e+00 : bf16
      %neg3A_176 = vector.broadcast %neg3A_175 : bf16 to vector<32x768xbf16>
      %neg3A_177 = arith.subf %neg3A_176, %convert_element_type3A_174 : vector<32x768xbf16>
      %swap3A_178 = arith.constant 128 : index
      %swap3A_179 = arith.constant 0 : index
      %swap3A_180 = vector.load %arg15[%swap3A_178, %swap3A_179] : memref<768x768xbf16, #tpu.memory_space<vmem>>, vector<32x768xbf16>
      tpu.vector_store %arg15[%swap3A_178, %swap3A_179], %neg3A_177 {strides = array<i32>} : memref<768x768xbf16, #tpu.memory_space<vmem>>, vector<32x768xbf16>,
      %get3A_181 = arith.constant 128 : index
      %get3A_182 = arith.constant 0 : index
      %get3A_183 = vector.load %arg4[%get3A_181, %get3A_182] : memref<768x768xf32, #tpu.memory_space<vmem>>, vector<32x768xf32>
      %convert_element_type3A_184 = arith.truncf %get3A_183 : vector<32x768xf32> to vector<32x768xbf16>
      %swap3A_185 = arith.constant 160 : index
      %swap3A_186 = arith.constant 0 : index
      %swap3A_187 = vector.load %arg15[%swap3A_185, %swap3A_186] : memref<768x768xbf16, #tpu.memory_space<vmem>>, vector<32x768xbf16>
      tpu.vector_store %arg15[%swap3A_185, %swap3A_186], %convert_element_type3A_184 {strides = array<i32>} : memref<768x768xbf16, #tpu.memory_space<vmem>>, vector<32x768xbf16>,
      %get3A_188 = arith.constant 224 : index
      %get3A_189 = arith.constant 0 : index
      %get3A_190 = vector.load %arg3[%get3A_188, %get3A_189] : memref<768x768xf32, #tpu.memory_space<vmem>>, vector<32x768xf32>
      %convert_element_type3A_191 = arith.truncf %get3A_190 : vector<32x768xf32> to vector<32x768xbf16>
      %neg3A_192 = arith.constant 0.000000e+00 : bf16
      %neg3A_193 = vector.broadcast %neg3A_192 : bf16 to vector<32x768xbf16>
      %neg3A_194 = arith.subf %neg3A_193, %convert_element_type3A_191 : vector<32x768xbf16>
      %swap3A_195 = arith.constant 192 : index
      %swap3A_196 = arith.constant 0 : index
      %swap3A_197 = vector.load %arg14[%swap3A_195, %swap3A_196] : memref<768x768xbf16, #tpu.memory_space<vmem>>, vector<32x768xbf16>
      tpu.vector_store %arg14[%swap3A_195, %swap3A_196], %neg3A_194 {strides = array<i32>} : memref<768x768xbf16, #tpu.memory_space<vmem>>, vector<32x768xbf16>,
      %get3A_198 = arith.constant 192 : index
      %get3A_199 = arith.constant 0 : index
      %get3A_200 = vector.load %arg3[%get3A_198, %get3A_199] : memref<768x768xf32, #tpu.memory_space<vmem>>, vector<32x768xf32>
      %convert_element_type3A_201 = arith.truncf %get3A_200 : vector<32x768xf32> to vector<32x768xbf16>
      %swap3A_202 = arith.constant 224 : index
      %swap3A_203 = arith.constant 0 : index
      %swap3A_204 = vector.load %arg14[%swap3A_202, %swap3A_203] : memref<768x768xbf16, #tpu.memory_space<vmem>>, vector<32x768xbf16>
      tpu.vector_store %arg14[%swap3A_202, %swap3A_203], %convert_element_type3A_201 {strides = array<i32>} : memref<768x768xbf16, #tpu.memory_space<vmem>>, vector<32x768xbf16>,
      %get3A_205 = arith.constant 224 : index
      %get3A_206 = arith.constant 0 : index
      %get3A_207 = vector.load %arg4[%get3A_205, %get3A_206] : memref<768x768xf32, #tpu.memory_space<vmem>>, vector<32x768xf32>
      %convert_element_type3A_208 = arith.truncf %get3A_207 : vector<32x768xf32> to vector<32x768xbf16>
      %neg3A_209 = arith.constant 0.000000e+00 : bf16
      %neg3A_210 = vector.broadcast %neg3A_209 : bf16 to vector<32x768xbf16>
      %neg3A_211 = arith.subf %neg3A_210, %convert_element_type3A_208 : vector<32x768xbf16>
      %swap3A_212 = arith.constant 192 : index
      %swap3A_213 = arith.constant 0 : index
      %swap3A_214 = vector.load %arg15[%swap3A_212, %swap3A_213] : memref<768x768xbf16, #tpu.memory_space<vmem>>, vector<32x768xbf16>
      tpu.vector_store %arg15[%swap3A_212, %swap3A_213], %neg3A_211 {strides = array<i32>} : memref<768x768xbf16, #tpu.memory_space<vmem>>, vector<32x768xbf16>,
      %get3A_215 = arith.constant 192 : index
      %get3A_216 = arith.constant 0 : index
      %get3A_217 = vector.load %arg4[%get3A_215, %get3A_216] : memref<768x768xf32, #tpu.memory_space<vmem>>, vector<32x768xf32>
      %convert_element_type3A_218 = arith.truncf %get3A_217 : vector<32x768xf32> to vector<32x768xbf16>
      %swap3A_219 = arith.constant 224 : index
      %swap3A_220 = arith.constant 0 : index
      %swap3A_221 = vector.load %arg15[%swap3A_219, %swap3A_220] : memref<768x768xbf16, #tpu.memory_space<vmem>>, vector<32x768xbf16>
      tpu.vector_store %arg15[%swap3A_219, %swap3A_220], %convert_element_type3A_218 {strides = array<i32>} : memref<768x768xbf16, #tpu.memory_space<vmem>>, vector<32x768xbf16>,
      %get3A_222 = arith.constant 288 : index
      %get3A_223 = arith.constant 0 : index
      %get3A_224 = vector.load %arg3[%get3A_222, %get3A_223] : memref<768x768xf32, #tpu.memory_space<vmem>>, vector<32x768xf32>
      %convert_element_type3A_225 = arith.truncf %get3A_224 : vector<32x768xf32> to vector<32x768xbf16>
      %neg3A_226 = arith.constant 0.000000e+00 : bf16
      %neg3A_227 = vector.broadcast %neg3A_226 : bf16 to vector<32x768xbf16>
      %neg3A_228 = arith.subf %neg3A_227, %convert_element_type3A_225 : vector<32x768xbf16>
      %swap3A_229 = arith.constant 256 : index
      %swap3A_230 = arith.constant 0 : index
      %swap3A_231 = vector.load %arg14[%swap3A_229, %swap3A_230] : memref<768x768xbf16, #tpu.memory_space<vmem>>, vector<32x768xbf16>
      tpu.vector_store %arg14[%swap3A_229, %swap3A_230], %neg3A_228 {strides = array<i32>} : memref<768x768xbf16, #tpu.memory_space<vmem>>, vector<32x768xbf16>,
      %get3A_232 = arith.constant 256 : index
      %get3A_233 = arith.constant 0 : index
      %get3A_234 = vector.load %arg3[%get3A_232, %get3A_233] : memref<768x768xf32, #tpu.memory_space<vmem>>, vector<32x768xf32>
      %convert_element_type3A_235 = arith.truncf %get3A_234 : vector<32x768xf32> to vector<32x768xbf16>
      %swap3A_236 = arith.constant 288 : index
      %swap3A_237 = arith.constant 0 : index
      %swap3A_238 = vector.load %arg14[%swap3A_236, %swap3A_237] : memref<768x768xbf16, #tpu.memory_space<vmem>>, vector<32x768xbf16>
      tpu.vector_store %arg14[%swap3A_236, %swap3A_237], %convert_element_type3A_235 {strides = array<i32>} : memref<768x768xbf16, #tpu.memory_space<vmem>>, vector<32x768xbf16>,
      %get3A_239 = arith.constant 288 : index
      %get3A_240 = arith.constant 0 : index
      %get3A_241 = vector.load %arg4[%get3A_239, %get3A_240] : memref<768x768xf32, #tpu.memory_space<vmem>>, vector<32x768xf32>
      %convert_element_type3A_242 = arith.truncf %get3A_241 : vector<32x768xf32> to vector<32x768xbf16>
      %neg3A_243 = arith.constant 0.000000e+00 : bf16
      %neg3A_244 = vector.broadcast %neg3A_243 : bf16 to vector<32x768xbf16>
      %neg3A_245 = arith.subf %neg3A_244, %convert_element_type3A_242 : vector<32x768xbf16>
      %swap3A_246 = arith.constant 256 : index
      %swap3A_247 = arith.constant 0 : index
      %swap3A_248 = vector.load %arg15[%swap3A_246, %swap3A_247] : memref<768x768xbf16, #tpu.memory_space<vmem>>, vector<32x768xbf16>
      tpu.vector_store %arg15[%swap3A_246, %swap3A_247], %neg3A_245 {strides = array<i32>} : memref<768x768xbf16, #tpu.memory_space<vmem>>, vector<32x768xbf16>,
      %get3A_249 = arith.constant 256 : index
      %get3A_250 = arith.constant 0 : index
      %get3A_251 = vector.load %arg4[%get3A_249, %get3A_250] : memref<768x768xf32, #tpu.memory_space<vmem>>, vector<32x768xf32>
      %convert_element_type3A_252 = arith.truncf %get3A_251 : vector<32x768xf32> to vector<32x768xbf16>
      %swap3A_253 = arith.constant 288 : index
      %swap3A_254 = arith.constant 0 : index
      %swap3A_255 = vector.load %arg15[%swap3A_253, %swap3A_254] : memref<768x768xbf16, #tpu.memory_space<vmem>>, vector<32x768xbf16>
      tpu.vector_store %arg15[%swap3A_253, %swap3A_254], %convert_element_type3A_252 {strides = array<i32>} : memref<768x768xbf16, #tpu.memory_space<vmem>>, vector<32x768xbf16>,
      %get3A_256 = arith.constant 352 : index
      %get3A_257 = arith.constant 0 : index
      %get3A_258 = vector.load %arg3[%get3A_256, %get3A_257] : memref<768x768xf32, #tpu.memory_space<vmem>>, vector<32x768xf32>
      %convert_element_type3A_259 = arith.truncf %get3A_258 : vector<32x768xf32> to vector<32x768xbf16>
      %neg3A_260 = arith.constant 0.000000e+00 : bf16
      %neg3A_261 = vector.broadcast %neg3A_260 : bf16 to vector<32x768xbf16>
      %neg3A_262 = arith.subf %neg3A_261, %convert_element_type3A_259 : vector<32x768xbf16>
      %swap3A_263 = arith.constant 320 : index
      %swap3A_264 = arith.constant 0 : index
      %swap3A_265 = vector.load %arg14[%swap3A_263, %swap3A_264] : memref<768x768xbf16, #tpu.memory_space<vmem>>, vector<32x768xbf16>
      tpu.vector_store %arg14[%swap3A_263, %swap3A_264], %neg3A_262 {strides = array<i32>} : memref<768x768xbf16, #tpu.memory_space<vmem>>, vector<32x768xbf16>,
      %get3A_266 = arith.constant 320 : index
      %get3A_267 = arith.constant 0 : index
      %get3A_268 = vector.load %arg3[%get3A_266, %get3A_267] : memref<768x768xf32, #tpu.memory_space<vmem>>, vector<32x768xf32>
      %convert_element_type3A_269 = arith.truncf %get3A_268 : vector<32x768xf32> to vector<32x768xbf16>
      %swap3A_270 = arith.constant 352 : index
      %swap3A_271 = arith.constant 0 : index
      %swap3A_272 = vector.load %arg14[%swap3A_270, %swap3A_271] : memref<768x768xbf16, #tpu.memory_space<vmem>>, vector<32x768xbf16>
      tpu.vector_store %arg14[%swap3A_270, %swap3A_271], %convert_element_type3A_269 {strides = array<i32>} : memref<768x768xbf16, #tpu.memory_space<vmem>>, vector<32x768xbf16>,
      %get3A_273 = arith.constant 352 : index
      %get3A_274 = arith.constant 0 : index
      %get3A_275 = vector.load %arg4[%get3A_273, %get3A_274] : memref<768x768xf32, #tpu.memory_space<vmem>>, vector<32x768xf32>
      %convert_element_type3A_276 = arith.truncf %get3A_275 : vector<32x768xf32> to vector<32x768xbf16>
      %neg3A_277 = arith.constant 0.000000e+00 : bf16
      %neg3A_278 = vector.broadcast %neg3A_277 : bf16 to vector<32x768xbf16>
      %neg3A_279 = arith.subf %neg3A_278, %convert_element_type3A_276 : vector<32x768xbf16>
      %swap3A_280 = arith.constant 320 : index
      %swap3A_281 = arith.constant 0 : index
      %swap3A_282 = vector.load %arg15[%swap3A_280, %swap3A_281] : memref<768x768xbf16, #tpu.memory_space<vmem>>, vector<32x768xbf16>
      tpu.vector_store %arg15[%swap3A_280, %swap3A_281], %neg3A_279 {strides = array<i32>} : memref<768x768xbf16, #tpu.memory_space<vmem>>, vector<32x768xbf16>,
      %get3A_283 = arith.constant 320 : index
      %get3A_284 = arith.constant 0 : index
      %get3A_285 = vector.load %arg4[%get3A_283, %get3A_284] : memref<768x768xf32, #tpu.memory_space<vmem>>, vector<32x768xf32>
      %convert_element_type3A_286 = arith.truncf %get3A_285 : vector<32x768xf32> to vector<32x768xbf16>
      %swap3A_287 = arith.constant 352 : index
      %swap3A_288 = arith.constant 0 : index
      %swap3A_289 = vector.load %arg15[%swap3A_287, %swap3A_288] : memref<768x768xbf16, #tpu.memory_space<vmem>>, vector<32x768xbf16>
      tpu.vector_store %arg15[%swap3A_287, %swap3A_288], %convert_element_type3A_286 {strides = array<i32>} : memref<768x768xbf16, #tpu.memory_space<vmem>>, vector<32x768xbf16>,
      %get3A_290 = arith.constant 416 : index
      %get3A_291 = arith.constant 0 : index
      %get3A_292 = vector.load %arg3[%get3A_290, %get3A_291] : memref<768x768xf32, #tpu.memory_space<vmem>>, vector<32x768xf32>
      %convert_element_type3A_293 = arith.truncf %get3A_292 : vector<32x768xf32> to vector<32x768xbf16>
      %neg3A_294 = arith.constant 0.000000e+00 : bf16
      %neg3A_295 = vector.broadcast %neg3A_294 : bf16 to vector<32x768xbf16>
      %neg3A_296 = arith.subf %neg3A_295, %convert_element_type3A_293 : vector<32x768xbf16>
      %swap3A_297 = arith.constant 384 : index
      %swap3A_298 = arith.constant 0 : index
      %swap3A_299 = vector.load %arg14[%swap3A_297, %swap3A_298] : memref<768x768xbf16, #tpu.memory_space<vmem>>, vector<32x768xbf16>
      tpu.vector_store %arg14[%swap3A_297, %swap3A_298], %neg3A_296 {strides = array<i32>} : memref<768x768xbf16, #tpu.memory_space<vmem>>, vector<32x768xbf16>,
      %get3A_300 = arith.constant 384 : index
      %get3A_301 = arith.constant 0 : index
      %get3A_302 = vector.load %arg3[%get3A_300, %get3A_301] : memref<768x768xf32, #tpu.memory_space<vmem>>, vector<32x768xf32>
      %convert_element_type3A_303 = arith.truncf %get3A_302 : vector<32x768xf32> to vector<32x768xbf16>
      %swap3A_304 = arith.constant 416 : index
      %swap3A_305 = arith.constant 0 : index
      %swap3A_306 = vector.load %arg14[%swap3A_304, %swap3A_305] : memref<768x768xbf16, #tpu.memory_space<vmem>>, vector<32x768xbf16>
      tpu.vector_store %arg14[%swap3A_304, %swap3A_305], %convert_element_type3A_303 {strides = array<i32>} : memref<768x768xbf16, #tpu.memory_space<vmem>>, vector<32x768xbf16>,
      %get3A_307 = arith.constant 416 : index
      %get3A_308 = arith.constant 0 : index
      %get3A_309 = vector.load %arg4[%get3A_307, %get3A_308] : memref<768x768xf32, #tpu.memory_space<vmem>>, vector<32x768xf32>
      %convert_element_type3A_310 = arith.truncf %get3A_309 : vector<32x768xf32> to vector<32x768xbf16>
      %neg3A_311 = arith.constant 0.000000e+00 : bf16
      %neg3A_312 = vector.broadcast %neg3A_311 : bf16 to vector<32x768xbf16>
      %neg3A_313 = arith.subf %neg3A_312, %convert_element_type3A_310 : vector<32x768xbf16>
      %swap3A_314 = arith.constant 384 : index
      %swap3A_315 = arith.constant 0 : index
      %swap3A_316 = vector.load %arg15[%swap3A_314, %swap3A_315] : memref<768x768xbf16, #tpu.memory_space<vmem>>, vector<32x768xbf16>
      tpu.vector_store %arg15[%swap3A_314, %swap3A_315], %neg3A_313 {strides = array<i32>} : memref<768x768xbf16, #tpu.memory_space<vmem>>, vector<32x768xbf16>,
      %get3A_317 = arith.constant 384 : index
      %get3A_318 = arith.constant 0 : index
      %get3A_319 = vector.load %arg4[%get3A_317, %get3A_318] : memref<768x768xf32, #tpu.memory_space<vmem>>, vector<32x768xf32>
      %convert_element_type3A_320 = arith.truncf %get3A_319 : vector<32x768xf32> to vector<32x768xbf16>
      %swap3A_321 = arith.constant 416 : index
      %swap3A_322 = arith.constant 0 : index
      %swap3A_323 = vector.load %arg15[%swap3A_321, %swap3A_322] : memref<768x768xbf16, #tpu.memory_space<vmem>>, vector<32x768xbf16>
      tpu.vector_store %arg15[%swap3A_321, %swap3A_322], %convert_element_type3A_320 {strides = array<i32>} : memref<768x768xbf16, #tpu.memory_space<vmem>>, vector<32x768xbf16>,
      %get3A_324 = arith.constant 480 : index
      %get3A_325 = arith.constant 0 : index
      %get3A_326 = vector.load %arg3[%get3A_324, %get3A_325] : memref<768x768xf32, #tpu.memory_space<vmem>>, vector<32x768xf32>
      %convert_element_type3A_327 = arith.truncf %get3A_326 : vector<32x768xf32> to vector<32x768xbf16>
      %neg3A_328 = arith.constant 0.000000e+00 : bf16
      %neg3A_329 = vector.broadcast %neg3A_328 : bf16 to vector<32x768xbf16>
      %neg3A_330 = arith.subf %neg3A_329, %convert_element_type3A_327 : vector<32x768xbf16>
      %swap3A_331 = arith.constant 448 : index
      %swap3A_332 = arith.constant 0 : index
      %swap3A_333 = vector.load %arg14[%swap3A_331, %swap3A_332] : memref<768x768xbf16, #tpu.memory_space<vmem>>, vector<32x768xbf16>
      tpu.vector_store %arg14[%swap3A_331, %swap3A_332], %neg3A_330 {strides = array<i32>} : memref<768x768xbf16, #tpu.memory_space<vmem>>, vector<32x768xbf16>,
      %get3A_334 = arith.constant 448 : index
      %get3A_335 = arith.constant 0 : index
      %get3A_336 = vector.load %arg3[%get3A_334, %get3A_335] : memref<768x768xf32, #tpu.memory_space<vmem>>, vector<32x768xf32>
      %convert_element_type3A_337 = arith.truncf %get3A_336 : vector<32x768xf32> to vector<32x768xbf16>
      %swap3A_338 = arith.constant 480 : index
      %swap3A_339 = arith.constant 0 : index
      %swap3A_340 = vector.load %arg14[%swap3A_338, %swap3A_339] : memref<768x768xbf16, #tpu.memory_space<vmem>>, vector<32x768xbf16>
      tpu.vector_store %arg14[%swap3A_338, %swap3A_339], %convert_element_type3A_337 {strides = array<i32>} : memref<768x768xbf16, #tpu.memory_space<vmem>>, vector<32x768xbf16>,
      %get3A_341 = arith.constant 480 : index
      %get3A_342 = arith.constant 0 : index
      %get3A_343 = vector.load %arg4[%get3A_341, %get3A_342] : memref<768x768xf32, #tpu.memory_space<vmem>>, vector<32x768xf32>
      %convert_element_type3A_344 = arith.truncf %get3A_343 : vector<32x768xf32> to vector<32x768xbf16>
      %neg3A_345 = arith.constant 0.000000e+00 : bf16
      %neg3A_346 = vector.broadcast %neg3A_345 : bf16 to vector<32x768xbf16>
      %neg3A_347 = arith.subf %neg3A_346, %convert_element_type3A_344 : vector<32x768xbf16>
      %swap3A_348 = arith.constant 448 : index
      %swap3A_349 = arith.constant 0 : index
      %swap3A_350 = vector.load %arg15[%swap3A_348, %swap3A_349] : memref<768x768xbf16, #tpu.memory_space<vmem>>, vector<32x768xbf16>
      tpu.vector_store %arg15[%swap3A_348, %swap3A_349], %neg3A_347 {strides = array<i32>} : memref<768x768xbf16, #tpu.memory_space<vmem>>, vector<32x768xbf16>,
      %get3A_351 = arith.constant 448 : index
      %get3A_352 = arith.constant 0 : index
      %get3A_353 = vector.load %arg4[%get3A_351, %get3A_352] : memref<768x768xf32, #tpu.memory_space<vmem>>, vector<32x768xf32>
      %convert_element_type3A_354 = arith.truncf %get3A_353 : vector<32x768xf32> to vector<32x768xbf16>
      %swap3A_355 = arith.constant 480 : index
      %swap3A_356 = arith.constant 0 : index
      %swap3A_357 = vector.load %arg15[%swap3A_355, %swap3A_356] : memref<768x768xbf16, #tpu.memory_space<vmem>>, vector<32x768xbf16>
      tpu.vector_store %arg15[%swap3A_355, %swap3A_356], %convert_element_type3A_354 {strides = array<i32>} : memref<768x768xbf16, #tpu.memory_space<vmem>>, vector<32x768xbf16>,
      %get3A_358 = arith.constant 544 : index
      %get3A_359 = arith.constant 0 : index
      %get3A_360 = vector.load %arg3[%get3A_358, %get3A_359] : memref<768x768xf32, #tpu.memory_space<vmem>>, vector<32x768xf32>
      %convert_element_type3A_361 = arith.truncf %get3A_360 : vector<32x768xf32> to vector<32x768xbf16>
      %neg3A_362 = arith.constant 0.000000e+00 : bf16
      %neg3A_363 = vector.broadcast %neg3A_362 : bf16 to vector<32x768xbf16>
      %neg3A_364 = arith.subf %neg3A_363, %convert_element_type3A_361 : vector<32x768xbf16>
      %swap3A_365 = arith.constant 512 : index
      %swap3A_366 = arith.constant 0 : index
      %swap3A_367 = vector.load %arg14[%swap3A_365, %swap3A_366] : memref<768x768xbf16, #tpu.memory_space<vmem>>, vector<32x768xbf16>
      tpu.vector_store %arg14[%swap3A_365, %swap3A_366], %neg3A_364 {strides = array<i32>} : memref<768x768xbf16, #tpu.memory_space<vmem>>, vector<32x768xbf16>,
      %get3A_368 = arith.constant 512 : index
      %get3A_369 = arith.constant 0 : index
      %get3A_370 = vector.load %arg3[%get3A_368, %get3A_369] : memref<768x768xf32, #tpu.memory_space<vmem>>, vector<32x768xf32>
      %convert_element_type3A_371 = arith.truncf %get3A_370 : vector<32x768xf32> to vector<32x768xbf16>
      %swap3A_372 = arith.constant 544 : index
      %swap3A_373 = arith.constant 0 : index
      %swap3A_374 = vector.load %arg14[%swap3A_372, %swap3A_373] : memref<768x768xbf16, #tpu.memory_space<vmem>>, vector<32x768xbf16>
      tpu.vector_store %arg14[%swap3A_372, %swap3A_373], %convert_element_type3A_371 {strides = array<i32>} : memref<768x768xbf16, #tpu.memory_space<vmem>>, vector<32x768xbf16>,
      %get3A_375 = arith.constant 544 : index
      %get3A_376 = arith.constant 0 : index
      %get3A_377 = vector.load %arg4[%get3A_375, %get3A_376] : memref<768x768xf32, #tpu.memory_space<vmem>>, vector<32x768xf32>
      %convert_element_type3A_378 = arith.truncf %get3A_377 : vector<32x768xf32> to vector<32x768xbf16>
      %neg3A_379 = arith.constant 0.000000e+00 : bf16
      %neg3A_380 = vector.broadcast %neg3A_379 : bf16 to vector<32x768xbf16>
      %neg3A_381 = arith.subf %neg3A_380, %convert_element_type3A_378 : vector<32x768xbf16>
      %swap3A_382 = arith.constant 512 : index
      %swap3A_383 = arith.constant 0 : index
      %swap3A_384 = vector.load %arg15[%swap3A_382, %swap3A_383] : memref<768x768xbf16, #tpu.memory_space<vmem>>, vector<32x768xbf16>
      tpu.vector_store %arg15[%swap3A_382, %swap3A_383], %neg3A_381 {strides = array<i32>} : memref<768x768xbf16, #tpu.memory_space<vmem>>, vector<32x768xbf16>,
      %get3A_385 = arith.constant 512 : index
      %get3A_386 = arith.constant 0 : index
      %get3A_387 = vector.load %arg4[%get3A_385, %get3A_386] : memref<768x768xf32, #tpu.memory_space<vmem>>, vector<32x768xf32>
      %convert_element_type3A_388 = arith.truncf %get3A_387 : vector<32x768xf32> to vector<32x768xbf16>
      %swap3A_389 = arith.constant 544 : index
      %swap3A_390 = arith.constant 0 : index
      %swap3A_391 = vector.load %arg15[%swap3A_389, %swap3A_390] : memref<768x768xbf16, #tpu.memory_space<vmem>>, vector<32x768xbf16>
      tpu.vector_store %arg15[%swap3A_389, %swap3A_390], %convert_element_type3A_388 {strides = array<i32>} : memref<768x768xbf16, #tpu.memory_space<vmem>>, vector<32x768xbf16>,
      %get3A_392 = arith.constant 608 : index
      %get3A_393 = arith.constant 0 : index
      %get3A_394 = vector.load %arg3[%get3A_392, %get3A_393] : memref<768x768xf32, #tpu.memory_space<vmem>>, vector<32x768xf32>
      %convert_element_type3A_395 = arith.truncf %get3A_394 : vector<32x768xf32> to vector<32x768xbf16>
      %neg3A_396 = arith.constant 0.000000e+00 : bf16
      %neg3A_397 = vector.broadcast %neg3A_396 : bf16 to vector<32x768xbf16>
      %neg3A_398 = arith.subf %neg3A_397, %convert_element_type3A_395 : vector<32x768xbf16>
      %swap3A_399 = arith.constant 576 : index
      %swap3A_400 = arith.constant 0 : index
      %swap3A_401 = vector.load %arg14[%swap3A_399, %swap3A_400] : memref<768x768xbf16, #tpu.memory_space<vmem>>, vector<32x768xbf16>
      tpu.vector_store %arg14[%swap3A_399, %swap3A_400], %neg3A_398 {strides = array<i32>} : memref<768x768xbf16, #tpu.memory_space<vmem>>, vector<32x768xbf16>,
      %get3A_402 = arith.constant 576 : index
      %get3A_403 = arith.constant 0 : index
      %get3A_404 = vector.load %arg3[%get3A_402, %get3A_403] : memref<768x768xf32, #tpu.memory_space<vmem>>, vector<32x768xf32>
      %convert_element_type3A_405 = arith.truncf %get3A_404 : vector<32x768xf32> to vector<32x768xbf16>
      %swap3A_406 = arith.constant 608 : index
      %swap3A_407 = arith.constant 0 : index
      %swap3A_408 = vector.load %arg14[%swap3A_406, %swap3A_407] : memref<768x768xbf16, #tpu.memory_space<vmem>>, vector<32x768xbf16>
      tpu.vector_store %arg14[%swap3A_406, %swap3A_407], %convert_element_type3A_405 {strides = array<i32>} : memref<768x768xbf16, #tpu.memory_space<vmem>>, vector<32x768xbf16>,
      %get3A_409 = arith.constant 608 : index
      %get3A_410 = arith.constant 0 : index
      %get3A_411 = vector.load %arg4[%get3A_409, %get3A_410] : memref<768x768xf32, #tpu.memory_space<vmem>>, vector<32x768xf32>
      %convert_element_type3A_412 = arith.truncf %get3A_411 : vector<32x768xf32> to vector<32x768xbf16>
      %neg3A_413 = arith.constant 0.000000e+00 : bf16
      %neg3A_414 = vector.broadcast %neg3A_413 : bf16 to vector<32x768xbf16>
      %neg3A_415 = arith.subf %neg3A_414, %convert_element_type3A_412 : vector<32x768xbf16>
      %swap3A_416 = arith.constant 576 : index
      %swap3A_417 = arith.constant 0 : index
      %swap3A_418 = vector.load %arg15[%swap3A_416, %swap3A_417] : memref<768x768xbf16, #tpu.memory_space<vmem>>, vector<32x768xbf16>
      tpu.vector_store %arg15[%swap3A_416, %swap3A_417], %neg3A_415 {strides = array<i32>} : memref<768x768xbf16, #tpu.memory_space<vmem>>, vector<32x768xbf16>,
      %get3A_419 = arith.constant 576 : index
      %get3A_420 = arith.constant 0 : index
      %get3A_421 = vector.load %arg4[%get3A_419, %get3A_420] : memref<768x768xf32, #tpu.memory_space<vmem>>, vector<32x768xf32>
      %convert_element_type3A_422 = arith.truncf %get3A_421 : vector<32x768xf32> to vector<32x768xbf16>
      %swap3A_423 = arith.constant 608 : index
      %swap3A_424 = arith.constant 0 : index
      %swap3A_425 = vector.load %arg15[%swap3A_423, %swap3A_424] : memref<768x768xbf16, #tpu.memory_space<vmem>>, vector<32x768xbf16>
      tpu.vector_store %arg15[%swap3A_423, %swap3A_424], %convert_element_type3A_422 {strides = array<i32>} : memref<768x768xbf16, #tpu.memory_space<vmem>>, vector<32x768xbf16>,
      %get3A_426 = arith.constant 672 : index
      %get3A_427 = arith.constant 0 : index
      %get3A_428 = vector.load %arg3[%get3A_426, %get3A_427] : memref<768x768xf32, #tpu.memory_space<vmem>>, vector<32x768xf32>
      %convert_element_type3A_429 = arith.truncf %get3A_428 : vector<32x768xf32> to vector<32x768xbf16>
      %neg3A_430 = arith.constant 0.000000e+00 : bf16
      %neg3A_431 = vector.broadcast %neg3A_430 : bf16 to vector<32x768xbf16>
      %neg3A_432 = arith.subf %neg3A_431, %convert_element_type3A_429 : vector<32x768xbf16>
      %swap3A_433 = arith.constant 640 : index
      %swap3A_434 = arith.constant 0 : index
      %swap3A_435 = vector.load %arg14[%swap3A_433, %swap3A_434] : memref<768x768xbf16, #tpu.memory_space<vmem>>, vector<32x768xbf16>
      tpu.vector_store %arg14[%swap3A_433, %swap3A_434], %neg3A_432 {strides = array<i32>} : memref<768x768xbf16, #tpu.memory_space<vmem>>, vector<32x768xbf16>,
      %get3A_436 = arith.constant 640 : index
      %get3A_437 = arith.constant 0 : index
      %get3A_438 = vector.load %arg3[%get3A_436, %get3A_437] : memref<768x768xf32, #tpu.memory_space<vmem>>, vector<32x768xf32>
      %convert_element_type3A_439 = arith.truncf %get3A_438 : vector<32x768xf32> to vector<32x768xbf16>
      %swap3A_440 = arith.constant 672 : index
      %swap3A_441 = arith.constant 0 : index
      %swap3A_442 = vector.load %arg14[%swap3A_440, %swap3A_441] : memref<768x768xbf16, #tpu.memory_space<vmem>>, vector<32x768xbf16>
      tpu.vector_store %arg14[%swap3A_440, %swap3A_441], %convert_element_type3A_439 {strides = array<i32>} : memref<768x768xbf16, #tpu.memory_space<vmem>>, vector<32x768xbf16>,
      %get3A_443 = arith.constant 672 : index
      %get3A_444 = arith.constant 0 : index
      %get3A_445 = vector.load %arg4[%get3A_443, %get3A_444] : memref<768x768xf32, #tpu.memory_space<vmem>>, vector<32x768xf32>
      %convert_element_type3A_446 = arith.truncf %get3A_445 : vector<32x768xf32> to vector<32x768xbf16>
      %neg3A_447 = arith.constant 0.000000e+00 : bf16
      %neg3A_448 = vector.broadcast %neg3A_447 : bf16 to vector<32x768xbf16>
      %neg3A_449 = arith.subf %neg3A_448, %convert_element_type3A_446 : vector<32x768xbf16>
      %swap3A_450 = arith.constant 640 : index
      %swap3A_451 = arith.constant 0 : index
      %swap3A_452 = vector.load %arg15[%swap3A_450, %swap3A_451] : memref<768x768xbf16, #tpu.memory_space<vmem>>, vector<32x768xbf16>
      tpu.vector_store %arg15[%swap3A_450, %swap3A_451], %neg3A_449 {strides = array<i32>} : memref<768x768xbf16, #tpu.memory_space<vmem>>, vector<32x768xbf16>,
      %get3A_453 = arith.constant 640 : index
      %get3A_454 = arith.constant 0 : index
      %get3A_455 = vector.load %arg4[%get3A_453, %get3A_454] : memref<768x768xf32, #tpu.memory_space<vmem>>, vector<32x768xf32>
      %convert_element_type3A_456 = arith.truncf %get3A_455 : vector<32x768xf32> to vector<32x768xbf16>
      %swap3A_457 = arith.constant 672 : index
      %swap3A_458 = arith.constant 0 : index
      %swap3A_459 = vector.load %arg15[%swap3A_457, %swap3A_458] : memref<768x768xbf16, #tpu.memory_space<vmem>>, vector<32x768xbf16>
      tpu.vector_store %arg15[%swap3A_457, %swap3A_458], %convert_element_type3A_456 {strides = array<i32>} : memref<768x768xbf16, #tpu.memory_space<vmem>>, vector<32x768xbf16>,
      %get3A_460 = arith.constant 736 : index
      %get3A_461 = arith.constant 0 : index
      %get3A_462 = vector.load %arg3[%get3A_460, %get3A_461] : memref<768x768xf32, #tpu.memory_space<vmem>>, vector<32x768xf32>
      %convert_element_type3A_463 = arith.truncf %get3A_462 : vector<32x768xf32> to vector<32x768xbf16>
      %neg3A_464 = arith.constant 0.000000e+00 : bf16
      %neg3A_465 = vector.broadcast %neg3A_464 : bf16 to vector<32x768xbf16>
      %neg3A_466 = arith.subf %neg3A_465, %convert_element_type3A_463 : vector<32x768xbf16>
      %swap3A_467 = arith.constant 704 : index
      %swap3A_468 = arith.constant 0 : index
      %swap3A_469 = vector.load %arg14[%swap3A_467, %swap3A_468] : memref<768x768xbf16, #tpu.memory_space<vmem>>, vector<32x768xbf16>
      tpu.vector_store %arg14[%swap3A_467, %swap3A_468], %neg3A_466 {strides = array<i32>} : memref<768x768xbf16, #tpu.memory_space<vmem>>, vector<32x768xbf16>,
      %get3A_470 = arith.constant 704 : index
      %get3A_471 = arith.constant 0 : index
      %get3A_472 = vector.load %arg3[%get3A_470, %get3A_471] : memref<768x768xf32, #tpu.memory_space<vmem>>, vector<32x768xf32>
      %convert_element_type3A_473 = arith.truncf %get3A_472 : vector<32x768xf32> to vector<32x768xbf16>
      %swap3A_474 = arith.constant 736 : index
      %swap3A_475 = arith.constant 0 : index
      %swap3A_476 = vector.load %arg14[%swap3A_474, %swap3A_475] : memref<768x768xbf16, #tpu.memory_space<vmem>>, vector<32x768xbf16>
      tpu.vector_store %arg14[%swap3A_474, %swap3A_475], %convert_element_type3A_473 {strides = array<i32>} : memref<768x768xbf16, #tpu.memory_space<vmem>>, vector<32x768xbf16>,
      %get3A_477 = arith.constant 736 : index
      %get3A_478 = arith.constant 0 : index
      %get3A_479 = vector.load %arg4[%get3A_477, %get3A_478] : memref<768x768xf32, #tpu.memory_space<vmem>>, vector<32x768xf32>
      %convert_element_type3A_480 = arith.truncf %get3A_479 : vector<32x768xf32> to vector<32x768xbf16>
      %neg3A_481 = arith.constant 0.000000e+00 : bf16
      %neg3A_482 = vector.broadcast %neg3A_481 : bf16 to vector<32x768xbf16>
      %neg3A_483 = arith.subf %neg3A_482, %convert_element_type3A_480 : vector<32x768xbf16>
      %swap3A_484 = arith.constant 704 : index
      %swap3A_485 = arith.constant 0 : index
      %swap3A_486 = vector.load %arg15[%swap3A_484, %swap3A_485] : memref<768x768xbf16, #tpu.memory_space<vmem>>, vector<32x768xbf16>
      tpu.vector_store %arg15[%swap3A_484, %swap3A_485], %neg3A_483 {strides = array<i32>} : memref<768x768xbf16, #tpu.memory_space<vmem>>, vector<32x768xbf16>,
      %get3A_487 = arith.constant 704 : index
      %get3A_488 = arith.constant 0 : index
      %get3A_489 = vector.load %arg4[%get3A_487, %get3A_488] : memref<768x768xf32, #tpu.memory_space<vmem>>, vector<32x768xf32>
      %convert_element_type3A_490 = arith.truncf %get3A_489 : vector<32x768xf32> to vector<32x768xbf16>
      %swap3A_491 = arith.constant 736 : index
      %swap3A_492 = arith.constant 0 : index
      %swap3A_493 = vector.load %arg15[%swap3A_491, %swap3A_492] : memref<768x768xbf16, #tpu.memory_space<vmem>>, vector<32x768xbf16>
      tpu.vector_store %arg15[%swap3A_491, %swap3A_492], %convert_element_type3A_490 {strides = array<i32>} : memref<768x768xbf16, #tpu.memory_space<vmem>>, vector<32x768xbf16>,
    } else {
    }
    %get3A = arith.constant 0 : index
    %get3A_2 = arith.constant 0 : index
    %get3A_3 = vector.load %arg1[%get3A, %get3A_2] : memref<256x768xf32, #tpu.memory_space<vmem>>, vector<256x768xf32>
    %get3A_4 = arith.constant 0 : index
    %get3A_5 = arith.constant 0 : index
    %get3A_6 = vector.load %arg2[%get3A_4, %get3A_5] : memref<1x768xf32, #tpu.memory_space<vmem>>, vector<1x768xf32>
    %mul3A = arith.mulf %get3A_3, %get3A_3 : vector<256x768xf32>
    %reduce_sum3A = arith.constant dense<0.000000e+00> : vector<256xf32>
    %reduce_sum3A_7 = vector.multi_reduction <add>, %mul3A, %reduce_sum3A [1] : vector<256x768xf32> to vector<256xf32>
    %broadcast_in_dim3A = vector.shape_cast %reduce_sum3A_7 : vector<256xf32> to vector<256x1xf32>
    %div3A = arith.constant 7.680000e+02 : f32
    %div3A_8 = vector.broadcast %div3A : f32 to vector<256x1xf32>
    %div3A_9 = arith.divf %broadcast_in_dim3A, %div3A_8 : vector<256x1xf32>
    %add3A = arith.constant 9.99999974E-6 : f32
    %add3A_10 = vector.broadcast %add3A : f32 to vector<256x1xf32>
    %add3A_11 = arith.addf %div3A_9, %add3A_10 : vector<256x1xf32>
    %rsqrt3A = math.rsqrt %add3A_11 : vector<256x1xf32>
    %mul3A_12 = vector.broadcast %rsqrt3A : vector<256x1xf32> to vector<256x768xf32>
    %mul3A_13 = arith.mulf %get3A_3, %mul3A_12 : vector<256x768xf32>
    %mul3A_14 = vector.broadcast %get3A_6 : vector<1x768xf32> to vector<256x768xf32>
    %mul3A_15 = arith.mulf %mul3A_13, %mul3A_14 : vector<256x768xf32>
    %convert_element_type3A_16 = arith.truncf %mul3A_15 : vector<256x768xf32> to vector<256x768xbf16>
    %get3A_17 = arith.constant 0 : index
    %get3A_18 = arith.constant 0 : index
    %get3A_19 = vector.load %arg6[%get3A_17, %get3A_18] : memref<256x768xbf16, #tpu.memory_space<vmem>>, vector<256x768xbf16>
    %get3A_20 = arith.constant 0 : index
    %get3A_21 = arith.constant 0 : index
    %get3A_22 = vector.load %arg7[%get3A_20, %get3A_21] : memref<256x768xbf16, #tpu.memory_space<vmem>>, vector<256x768xbf16>
    %get3A_23 = arith.constant 0 : index
    %get3A_24 = arith.constant 0 : index
    %get3A_25 = vector.load %arg11[%get3A_23, %get3A_24] : memref<768x768xbf16, #tpu.memory_space<vmem>>, vector<768x768xbf16>
    %dot_general3A = arith.constant dense<0.000000e+00> : vector<256x768xf32>
    %dot_general3A_26 = tpu.matmul %convert_element_type3A_16, %get3A_25, %dot_general3A {dimension_numbers = #tpu.dot_dimension_numbers<[1], [1], [0], [0], [0, 0, 1, 0], [], []>, transpose_lhs_hint = false} : vector<256x768xbf16>, vector<768x768xbf16>, vector<256x768xf32> -> vector<256x768xf32>
    %convert_element_type3A_27 = arith.truncf %dot_general3A_26 : vector<256x768xf32> to vector<256x768xbf16>
    %get3A_28 = arith.constant 0 : index
    %get3A_29 = arith.constant 0 : index
    %get3A_30 = vector.load %arg14[%get3A_28, %get3A_29] : memref<768x768xbf16, #tpu.memory_space<vmem>>, vector<768x768xbf16>
    %dot_general3A_31 = arith.constant dense<0.000000e+00> : vector<256x768xf32>
    %dot_general3A_32 = tpu.matmul %convert_element_type3A_16, %get3A_30, %dot_general3A_31 {dimension_numbers = #tpu.dot_dimension_numbers<[1], [1], [0], [0], [0, 0, 1, 0], [], []>, transpose_lhs_hint = false} : vector<256x768xbf16>, vector<768x768xbf16>, vector<256x768xf32> -> vector<256x768xf32>
    %convert_element_type3A_33 = arith.truncf %dot_general3A_32 : vector<256x768xf32> to vector<256x768xbf16>
    %mul3A_34 = arith.mulf %convert_element_type3A_27, %get3A_19 : vector<256x768xbf16>
    %mul3A_35 = arith.mulf %convert_element_type3A_33, %get3A_22 : vector<256x768xbf16>
    %add3A_36 = arith.addf %mul3A_34, %mul3A_35 : vector<256x768xbf16>
    %swap3A = arith.constant 0 : index
    %swap3A_37 = arith.constant 0 : index
    %swap3A_38 = vector.load %arg8[%swap3A, %swap3A_37] : memref<256x768xbf16, #tpu.memory_space<vmem>>, vector<256x768xbf16>
    tpu.vector_store %arg8[%swap3A, %swap3A_37], %add3A_36 {strides = array<i32>} : memref<256x768xbf16, #tpu.memory_space<vmem>>, vector<256x768xbf16>,
    %get3A_39 = arith.constant 0 : index
    %get3A_40 = arith.constant 0 : index
    %get3A_41 = vector.load %arg12[%get3A_39, %get3A_40] : memref<768x768xbf16, #tpu.memory_space<vmem>>, vector<768x768xbf16>
    %dot_general3A_42 = arith.constant dense<0.000000e+00> : vector<256x768xf32>
    %dot_general3A_43 = tpu.matmul %convert_element_type3A_16, %get3A_41, %dot_general3A_42 {dimension_numbers = #tpu.dot_dimension_numbers<[1], [1], [0], [0], [0, 0, 1, 0], [], []>, transpose_lhs_hint = false} : vector<256x768xbf16>, vector<768x768xbf16>, vector<256x768xf32> -> vector<256x768xf32>
    %convert_element_type3A_44 = arith.truncf %dot_general3A_43 : vector<256x768xf32> to vector<256x768xbf16>
    %get3A_45 = arith.constant 0 : index
    %get3A_46 = arith.constant 0 : index
    %get3A_47 = vector.load %arg15[%get3A_45, %get3A_46] : memref<768x768xbf16, #tpu.memory_space<vmem>>, vector<768x768xbf16>
    %dot_general3A_48 = arith.constant dense<0.000000e+00> : vector<256x768xf32>
    %dot_general3A_49 = tpu.matmul %convert_element_type3A_16, %get3A_47, %dot_general3A_48 {dimension_numbers = #tpu.dot_dimension_numbers<[1], [1], [0], [0], [0, 0, 1, 0], [], []>, transpose_lhs_hint = false} : vector<256x768xbf16>, vector<768x768xbf16>, vector<256x768xf32> -> vector<256x768xf32>
    %convert_element_type3A_50 = arith.truncf %dot_general3A_49 : vector<256x768xf32> to vector<256x768xbf16>
    %mul3A_51 = arith.mulf %convert_element_type3A_44, %get3A_19 : vector<256x768xbf16>
    %mul3A_52 = arith.mulf %convert_element_type3A_50, %get3A_22 : vector<256x768xbf16>
    %add3A_53 = arith.addf %mul3A_51, %mul3A_52 : vector<256x768xbf16>
    %swap3A_54 = arith.constant 0 : index
    %swap3A_55 = arith.constant 0 : index
    %swap3A_56 = vector.load %arg9[%swap3A_54, %swap3A_55] : memref<256x768xbf16, #tpu.memory_space<vmem>>, vector<256x768xbf16>
    tpu.vector_store %arg9[%swap3A_54, %swap3A_55], %add3A_53 {strides = array<i32>} : memref<256x768xbf16, #tpu.memory_space<vmem>>, vector<256x768xbf16>,
    %get3A_57 = arith.constant 0 : index
    %get3A_58 = arith.constant 0 : index
    %get3A_59 = vector.load %arg13[%get3A_57, %get3A_58] : memref<768x768xbf16, #tpu.memory_space<vmem>>, vector<768x768xbf16>
    %dot_general3A_60 = arith.constant dense<0.000000e+00> : vector<256x768xf32>
    %dot_general3A_61 = tpu.matmul %convert_element_type3A_16, %get3A_59, %dot_general3A_60 {dimension_numbers = #tpu.dot_dimension_numbers<[1], [1], [0], [0], [0, 0, 1, 0], [], []>, transpose_lhs_hint = false} : vector<256x768xbf16>, vector<768x768xbf16>, vector<256x768xf32> -> vector<256x768xf32>
    %convert_element_type3A_62 = arith.truncf %dot_general3A_61 : vector<256x768xf32> to vector<256x768xbf16>
    %swap3A_63 = arith.constant 0 : index
    %swap3A_64 = arith.constant 0 : index
    %swap3A_65 = vector.load %arg10[%swap3A_63, %swap3A_64] : memref<256x768xbf16, #tpu.memory_space<vmem>>, vector<256x768xbf16>
    tpu.vector_store %arg10[%swap3A_63, %swap3A_64], %convert_element_type3A_62 {strides = array<i32>} : memref<256x768xbf16, #tpu.memory_space<vmem>>, vector<256x768xbf16>,
    return
  }
  func.func @transform_0(%arg0: i32) -> (i32, i32) {
    %c0_i32 = arith.constant 0 : i32
    %c0_i32_0 = arith.constant 0 : i32
    return %arg0, %c0_i32 : i32, i32
  }
  func.func @transform_1(%arg0: i32) -> (i32, i32) {
    %c0_i32 = arith.constant 0 : i32
    %c0_i32_0 = arith.constant 0 : i32
    %c0_i32_1 = arith.constant 0 : i32
    return %c0_i32, %c0_i32_0 : i32, i32
  }
  func.func @transform_2(%arg0: i32) -> (i32, i32) {
    %c0_i32 = arith.constant 0 : i32
    %c0_i32_0 = arith.constant 0 : i32
    %c0_i32_1 = arith.constant 0 : i32
    return %c0_i32, %c0_i32_0 : i32, i32
  }
  func.func @transform_3(%arg0: i32) -> (i32, i32) {
    %c0_i32 = arith.constant 0 : i32
    %c0_i32_0 = arith.constant 0 : i32
    %c0_i32_1 = arith.constant 0 : i32
    return %c0_i32, %c0_i32_0 : i32, i32
  }
  func.func @transform_4(%arg0: i32) -> (i32, i32) {
    %c0_i32 = arith.constant 0 : i32
    %c0_i32_0 = arith.constant 0 : i32
    %c0_i32_1 = arith.constant 0 : i32
    return %c0_i32, %c0_i32_0 : i32, i32
  }
  func.func @transform_5(%arg0: i32) -> (i32, i32) {
    %c0_i32 = arith.constant 0 : i32
    %c0_i32_0 = arith.constant 0 : i32
    return %arg0, %c0_i32 : i32, i32
  }
  func.func @transform_6(%arg0: i32) -> (i32, i32) {
    %c0_i32 = arith.constant 0 : i32
    %c0_i32_0 = arith.constant 0 : i32
    return %arg0, %c0_i32 : i32, i32
  }
  func.func @transform_7(%arg0: i32) -> (i32, i32) {
    %c0_i32 = arith.constant 0 : i32
    %c0_i32_0 = arith.constant 0 : i32
    return %arg0, %c0_i32 : i32, i32
  }
  func.func @transform_8(%arg0: i32) -> (i32, i32) {
    %c0_i32 = arith.constant 0 : i32
    %c0_i32_0 = arith.constant 0 : i32
    return %arg0, %c0_i32 : i32, i32
  }
  func.func @transform_9(%arg0: i32) -> (i32, i32) {
    %c0_i32 = arith.constant 0 : i32
    %c0_i32_0 = arith.constant 0 : i32
    return %arg0, %c0_i32 : i32, i32
  }
}

module attributes {stable_mosaic.version = 14 : i64} {
  func.func @_attn_body(%arg0: i32, %arg1: i32, %arg2: memref<1024x128xbf16, #tpu.memory_space<vmem>>, %arg3: memref<2048x128xbf16, #tpu.memory_space<vmem>>, %arg4: memref<2048x128xbf16, #tpu.memory_space<vmem>>, %arg5: memref<1024x128xbf16, #tpu.memory_space<vmem>>) attributes {dimension_semantics = [#tpu.dimension_semantics<arbitrary>, #tpu.dimension_semantics<arbitrary>], iteration_bounds = array<i64: 6, 2>, scalar_prefetch = 0 : i64, scratch_operands = 0 : i64, tpu.core_type = #tpu.core_type<tc>, window_params = [{transform_indices = @transform_0, window_bounds = array<i64: 1024, 128>}, {transform_indices = @transform_1, window_bounds = array<i64: 2048, 128>}, {transform_indices = @transform_2, window_bounds = array<i64: 2048, 128>}, {transform_indices = @transform_3, window_bounds = array<i64: 1024, 128>}]} {
    %get3A = arith.constant 0 : index
    %get3A_0 = arith.constant 0 : index
    %get3A_1 = vector.load %arg2[%get3A, %get3A_0] : memref<1024x128xbf16, #tpu.memory_space<vmem>>, vector<1024x128xbf16>
    %mul3A = arith.constant 1.806640e-01 : bf16
    %mul3A_2 = vector.broadcast %mul3A : bf16 to vector<1024x128xbf16>
    %mul3A_3 = arith.mulf %get3A_1, %mul3A_2 : vector<1024x128xbf16>
    %get3A_4 = arith.constant 0 : index
    %get3A_5 = arith.constant 0 : index
    %get3A_6 = vector.load %arg3[%get3A_4, %get3A_5] : memref<2048x128xbf16, #tpu.memory_space<vmem>>, vector<2048x128xbf16>
    %get3A_7 = arith.constant 0 : index
    %get3A_8 = arith.constant 0 : index
    %get3A_9 = vector.load %arg4[%get3A_7, %get3A_8] : memref<2048x128xbf16, #tpu.memory_space<vmem>>, vector<2048x128xbf16>
    %slice3A = vector.extract_strided_slice %mul3A_3 {offsets = [0, 0], sizes = [1024, 64], strides = [1, 1]} : vector<1024x128xbf16> to vector<1024x64xbf16>
    %slice3A_10 = vector.extract_strided_slice %get3A_6 {offsets = [0, 0], sizes = [2048, 64], strides = [1, 1]} : vector<2048x128xbf16> to vector<2048x64xbf16>
    %dot_general3A = arith.constant dense<0.000000e+00> : vector<1024x2048xf32>
    %dot_general3A_11 = tpu.matmul %slice3A, %slice3A_10, %dot_general3A {dimension_numbers = #tpu.dot_dimension_numbers<[1], [1], [0], [0], [0, 0, 1, 0], [], []>, transpose_lhs_hint = false} : vector<1024x64xbf16>, vector<2048x64xbf16>, vector<1024x2048xf32> -> vector<1024x2048xf32>
    %convert_element_type3A = arith.truncf %dot_general3A_11 : vector<1024x2048xf32> to vector<1024x2048xbf16>
    %reduce_max3A = arith.constant dense<0xFF80> : vector<1024xbf16>
    %reduce_max3A_12 = vector.multi_reduction <maximumf>, %convert_element_type3A, %reduce_max3A [1] : vector<1024x2048xbf16> to vector<1024xbf16>
    %broadcast_in_dim3A = vector.shape_cast %reduce_max3A_12 : vector<1024xbf16> to vector<1024x1xbf16>
    %sub3A = vector.broadcast %broadcast_in_dim3A : vector<1024x1xbf16> to vector<1024x2048xbf16>
    %sub3A_13 = arith.subf %convert_element_type3A, %sub3A : vector<1024x2048xbf16>
    %exp23A = math.exp2 %sub3A_13 : vector<1024x2048xbf16>
    %convert_element_type3A_14 = arith.extf %exp23A : vector<1024x2048xbf16> to vector<1024x2048xf32>
    %reduce_sum3A = arith.constant dense<0.000000e+00> : vector<1024xf32>
    %reduce_sum3A_15 = vector.multi_reduction <add>, %convert_element_type3A_14, %reduce_sum3A [1] : vector<1024x2048xf32> to vector<1024xf32>
    %broadcast_in_dim3A_16 = vector.shape_cast %reduce_sum3A_15 : vector<1024xf32> to vector<1024x1xf32>
    %convert_element_type3A_17 = arith.truncf %broadcast_in_dim3A_16 : vector<1024x1xf32> to vector<1024x1xbf16>
    %convert_element_type3A_18 = arith.extf %convert_element_type3A_17 : vector<1024x1xbf16> to vector<1024x1xf32>
    %slice3A_19 = vector.extract_strided_slice %get3A_9 {offsets = [0, 0], sizes = [2048, 64], strides = [1, 1]} : vector<2048x128xbf16> to vector<2048x64xbf16>
    %dot_general3A_20 = arith.constant dense<0.000000e+00> : vector<1024x64xf32>
    %dot_general3A_21 = tpu.matmul %exp23A, %slice3A_19, %dot_general3A_20 {dimension_numbers = #tpu.dot_dimension_numbers<[1], [0], [0], [1], [0, 0, 1, 1], [], []>, transpose_lhs_hint = false} : vector<1024x2048xbf16>, vector<2048x64xbf16>, vector<1024x64xf32> -> vector<1024x64xf32>
    %div3A = arith.constant 1.000000e+00 : f32
    %div3A_22 = vector.broadcast %div3A : f32 to vector<1024x1xf32>
    %div3A_23 = arith.divf %div3A_22, %convert_element_type3A_18 : vector<1024x1xf32>
    %mul3A_24 = vector.broadcast %div3A_23 : vector<1024x1xf32> to vector<1024x64xf32>
    %mul3A_25 = arith.mulf %dot_general3A_21, %mul3A_24 : vector<1024x64xf32>
    %convert_element_type3A_26 = arith.truncf %mul3A_25 : vector<1024x64xf32> to vector<1024x64xbf16>
    %slice3A_27 = vector.extract_strided_slice %mul3A_3 {offsets = [0, 64], sizes = [1024, 64], strides = [1, 1]} : vector<1024x128xbf16> to vector<1024x64xbf16>
    %slice3A_28 = vector.extract_strided_slice %get3A_6 {offsets = [0, 64], sizes = [2048, 64], strides = [1, 1]} : vector<2048x128xbf16> to vector<2048x64xbf16>
    %dot_general3A_29 = arith.constant dense<0.000000e+00> : vector<1024x2048xf32>
    %dot_general3A_30 = tpu.matmul %slice3A_27, %slice3A_28, %dot_general3A_29 {dimension_numbers = #tpu.dot_dimension_numbers<[1], [1], [0], [0], [0, 0, 1, 0], [], []>, transpose_lhs_hint = false} : vector<1024x64xbf16>, vector<2048x64xbf16>, vector<1024x2048xf32> -> vector<1024x2048xf32>
    %convert_element_type3A_31 = arith.truncf %dot_general3A_30 : vector<1024x2048xf32> to vector<1024x2048xbf16>
    %reduce_max3A_32 = arith.constant dense<0xFF80> : vector<1024xbf16>
    %reduce_max3A_33 = vector.multi_reduction <maximumf>, %convert_element_type3A_31, %reduce_max3A_32 [1] : vector<1024x2048xbf16> to vector<1024xbf16>
    %broadcast_in_dim3A_34 = vector.shape_cast %reduce_max3A_33 : vector<1024xbf16> to vector<1024x1xbf16>
    %sub3A_35 = vector.broadcast %broadcast_in_dim3A_34 : vector<1024x1xbf16> to vector<1024x2048xbf16>
    %sub3A_36 = arith.subf %convert_element_type3A_31, %sub3A_35 : vector<1024x2048xbf16>
    %exp23A_37 = math.exp2 %sub3A_36 : vector<1024x2048xbf16>
    %convert_element_type3A_38 = arith.extf %exp23A_37 : vector<1024x2048xbf16> to vector<1024x2048xf32>
    %reduce_sum3A_39 = arith.constant dense<0.000000e+00> : vector<1024xf32>
    %reduce_sum3A_40 = vector.multi_reduction <add>, %convert_element_type3A_38, %reduce_sum3A_39 [1] : vector<1024x2048xf32> to vector<1024xf32>
    %broadcast_in_dim3A_41 = vector.shape_cast %reduce_sum3A_40 : vector<1024xf32> to vector<1024x1xf32>
    %convert_element_type3A_42 = arith.truncf %broadcast_in_dim3A_41 : vector<1024x1xf32> to vector<1024x1xbf16>
    %convert_element_type3A_43 = arith.extf %convert_element_type3A_42 : vector<1024x1xbf16> to vector<1024x1xf32>
    %slice3A_44 = vector.extract_strided_slice %get3A_9 {offsets = [0, 64], sizes = [2048, 64], strides = [1, 1]} : vector<2048x128xbf16> to vector<2048x64xbf16>
    %dot_general3A_45 = arith.constant dense<0.000000e+00> : vector<1024x64xf32>
    %dot_general3A_46 = tpu.matmul %exp23A_37, %slice3A_44, %dot_general3A_45 {dimension_numbers = #tpu.dot_dimension_numbers<[1], [0], [0], [1], [0, 0, 1, 1], [], []>, transpose_lhs_hint = false} : vector<1024x2048xbf16>, vector<2048x64xbf16>, vector<1024x64xf32> -> vector<1024x64xf32>
    %div3A_47 = arith.constant 1.000000e+00 : f32
    %div3A_48 = vector.broadcast %div3A_47 : f32 to vector<1024x1xf32>
    %div3A_49 = arith.divf %div3A_48, %convert_element_type3A_43 : vector<1024x1xf32>
    %mul3A_50 = vector.broadcast %div3A_49 : vector<1024x1xf32> to vector<1024x64xf32>
    %mul3A_51 = arith.mulf %dot_general3A_46, %mul3A_50 : vector<1024x64xf32>
    %convert_element_type3A_52 = arith.truncf %mul3A_51 : vector<1024x64xf32> to vector<1024x64xbf16>
    %concatenate3A = tpu.concatenate %convert_element_type3A_26, %convert_element_type3A_52 in 1 : vector<1024x64xbf16>, vector<1024x64xbf16> -> vector<1024x128xbf16>
    %swap3A = arith.constant 0 : index
    %swap3A_53 = arith.constant 0 : index
    %swap3A_54 = vector.load %arg5[%swap3A, %swap3A_53] : memref<1024x128xbf16, #tpu.memory_space<vmem>>, vector<1024x128xbf16>
    tpu.vector_store %arg5[%swap3A, %swap3A_53], %concatenate3A {strides = array<i32>} : memref<1024x128xbf16, #tpu.memory_space<vmem>>, vector<1024x128xbf16>,
    return
  }
  func.func @transform_0(%arg0: i32, %arg1: i32) -> (i32, i32) {
    %c0_i32 = arith.constant 0 : i32
    return %arg1, %arg0 : i32, i32
  }
  func.func @transform_1(%arg0: i32, %arg1: i32) -> (i32, i32) {
    %c0_i32 = arith.constant 0 : i32
    %c0_i32_0 = arith.constant 0 : i32
    return %c0_i32, %arg0 : i32, i32
  }
  func.func @transform_2(%arg0: i32, %arg1: i32) -> (i32, i32) {
    %c0_i32 = arith.constant 0 : i32
    %c0_i32_0 = arith.constant 0 : i32
    return %c0_i32, %arg0 : i32, i32
  }
  func.func @transform_3(%arg0: i32, %arg1: i32) -> (i32, i32) {
    %c0_i32 = arith.constant 0 : i32
    return %arg1, %arg0 : i32, i32
  }
}

module attributes {stable_mosaic.version = 14 : i64} {
  func.func @_post_body(%arg0: i32, %arg1: memref<256x768xbf16, #tpu.memory_space<vmem>>, %arg2: memref<256x768xf32, #tpu.memory_space<vmem>>, %arg3: memref<768x768xf32, #tpu.memory_space<vmem>>, %arg4: memref<1x768xf32, #tpu.memory_space<vmem>>, %arg5: memref<8x768xf32, #tpu.memory_space<vmem>>, %arg6: memref<256x768xf32, #tpu.memory_space<vmem>>, %arg7: memref<256x768xbf16, #tpu.memory_space<vmem>>, %arg8: memref<256x8xf32, #tpu.memory_space<vmem>>, %arg9: memref<768x768xbf16, #tpu.memory_space<vmem>>) attributes {dimension_semantics = [#tpu.dimension_semantics<arbitrary>], iteration_bounds = array<i64: 8>, scalar_prefetch = 0 : i64, scratch_operands = 1 : i64, tpu.core_type = #tpu.core_type<tc>, window_params = [{transform_indices = @transform_0, window_bounds = array<i64: 256, 768>}, {transform_indices = @transform_1, window_bounds = array<i64: 256, 768>}, {pipeline_mode = #tpu.pipeline_mode<synchronous>, transform_indices = @transform_2, window_bounds = array<i64: 768, 768>}, {pipeline_mode = #tpu.pipeline_mode<synchronous>, transform_indices = @transform_3, window_bounds = array<i64: 1, 768>}, {pipeline_mode = #tpu.pipeline_mode<synchronous>, transform_indices = @transform_4, window_bounds = array<i64: 8, 768>}, {transform_indices = @transform_5, window_bounds = array<i64: 256, 768>}, {transform_indices = @transform_6, window_bounds = array<i64: 256, 768>}, {transform_indices = @transform_7, window_bounds = array<i64: 256, 8>}]} {
    %eq3A = arith.constant 0 : i32
    %eq3A_0 = arith.cmpi eq, %arg0, %eq3A : i32
    %convert_element_type3A = arith.extui %eq3A_0 : i1 to i32
    %cond3A = arith.constant 0 : i32
    %cond3A_1 = arith.cmpi ne, %convert_element_type3A, %cond3A : i32
    scf.if %cond3A_1 {
      %get3A_39 = arith.constant 0 : index
      %get3A_40 = arith.constant 0 : index
      %get3A_41 = vector.load %arg3[%get3A_39, %get3A_40] : memref<768x768xf32, #tpu.memory_space<vmem>>, vector<768x768xf32>
      %convert_element_type3A_42 = arith.truncf %get3A_41 : vector<768x768xf32> to vector<768x768xbf16>
      %swap3A_43 = arith.constant 0 : index
      %swap3A_44 = arith.constant 0 : index
      %swap3A_45 = vector.load %arg9[%swap3A_43, %swap3A_44] : memref<768x768xbf16, #tpu.memory_space<vmem>>, vector<768x768xbf16>
      tpu.vector_store %arg9[%swap3A_43, %swap3A_44], %convert_element_type3A_42 {strides = array<i32>} : memref<768x768xbf16, #tpu.memory_space<vmem>>, vector<768x768xbf16>,
    } else {
    }
    %get3A = arith.constant 0 : index
    %get3A_2 = arith.constant 0 : index
    %get3A_3 = vector.load %arg2[%get3A, %get3A_2] : memref<256x768xf32, #tpu.memory_space<vmem>>, vector<256x768xf32>
    %get3A_4 = arith.constant 0 : index
    %get3A_5 = arith.constant 0 : index
    %get3A_6 = vector.load %arg1[%get3A_4, %get3A_5] : memref<256x768xbf16, #tpu.memory_space<vmem>>, vector<256x768xbf16>
    %get3A_7 = arith.constant 0 : index
    %get3A_8 = arith.constant 0 : index
    %get3A_9 = vector.load %arg9[%get3A_7, %get3A_8] : memref<768x768xbf16, #tpu.memory_space<vmem>>, vector<768x768xbf16>
    %dot_general3A = arith.constant dense<0.000000e+00> : vector<256x768xf32>
    %dot_general3A_10 = tpu.matmul %get3A_6, %get3A_9, %dot_general3A {dimension_numbers = #tpu.dot_dimension_numbers<[1], [1], [0], [0], [0, 0, 1, 0], [], []>, transpose_lhs_hint = false} : vector<256x768xbf16>, vector<768x768xbf16>, vector<256x768xf32> -> vector<256x768xf32>
    %add3A = arith.addf %get3A_3, %dot_general3A_10 : vector<256x768xf32>
    %swap3A = arith.constant 0 : index
    %swap3A_11 = arith.constant 0 : index
    %swap3A_12 = vector.load %arg6[%swap3A, %swap3A_11] : memref<256x768xf32, #tpu.memory_space<vmem>>, vector<256x768xf32>
    tpu.vector_store %arg6[%swap3A, %swap3A_11], %add3A {strides = array<i32>} : memref<256x768xf32, #tpu.memory_space<vmem>>, vector<256x768xf32>,
    %get3A_13 = arith.constant 0 : index
    %get3A_14 = arith.constant 0 : index
    %get3A_15 = vector.load %arg4[%get3A_13, %get3A_14] : memref<1x768xf32, #tpu.memory_space<vmem>>, vector<1x768xf32>
    %mul3A = arith.mulf %add3A, %add3A : vector<256x768xf32>
    %reduce_sum3A = arith.constant dense<0.000000e+00> : vector<256xf32>
    %reduce_sum3A_16 = vector.multi_reduction <add>, %mul3A, %reduce_sum3A [1] : vector<256x768xf32> to vector<256xf32>
    %broadcast_in_dim3A = vector.shape_cast %reduce_sum3A_16 : vector<256xf32> to vector<256x1xf32>
    %div3A = arith.constant 7.680000e+02 : f32
    %div3A_17 = vector.broadcast %div3A : f32 to vector<256x1xf32>
    %div3A_18 = arith.divf %broadcast_in_dim3A, %div3A_17 : vector<256x1xf32>
    %add3A_19 = arith.constant 9.99999974E-6 : f32
    %add3A_20 = vector.broadcast %add3A_19 : f32 to vector<256x1xf32>
    %add3A_21 = arith.addf %div3A_18, %add3A_20 : vector<256x1xf32>
    %rsqrt3A = math.rsqrt %add3A_21 : vector<256x1xf32>
    %mul3A_22 = vector.broadcast %rsqrt3A : vector<256x1xf32> to vector<256x768xf32>
    %mul3A_23 = arith.mulf %add3A, %mul3A_22 : vector<256x768xf32>
    %mul3A_24 = vector.broadcast %get3A_15 : vector<1x768xf32> to vector<256x768xf32>
    %mul3A_25 = arith.mulf %mul3A_23, %mul3A_24 : vector<256x768xf32>
    %convert_element_type3A_26 = arith.truncf %mul3A_25 : vector<256x768xf32> to vector<256x768xbf16>
    %swap3A_27 = arith.constant 0 : index
    %swap3A_28 = arith.constant 0 : index
    %swap3A_29 = vector.load %arg7[%swap3A_27, %swap3A_28] : memref<256x768xbf16, #tpu.memory_space<vmem>>, vector<256x768xbf16>
    tpu.vector_store %arg7[%swap3A_27, %swap3A_28], %convert_element_type3A_26 {strides = array<i32>} : memref<256x768xbf16, #tpu.memory_space<vmem>>, vector<256x768xbf16>,
    %get3A_30 = arith.constant 0 : index
    %get3A_31 = arith.constant 0 : index
    %get3A_32 = vector.load %arg5[%get3A_30, %get3A_31] : memref<8x768xf32, #tpu.memory_space<vmem>>, vector<8x768xf32>
    %convert_element_type3A_33 = arith.truncf %get3A_32 : vector<8x768xf32> to vector<8x768xbf16>
    %dot_general3A_34 = arith.constant dense<0.000000e+00> : vector<256x8xf32>
    %dot_general3A_35 = tpu.matmul %convert_element_type3A_26, %convert_element_type3A_33, %dot_general3A_34 {dimension_numbers = #tpu.dot_dimension_numbers<[1], [1], [0], [0], [0, 0, 1, 0], [], []>, transpose_lhs_hint = false} : vector<256x768xbf16>, vector<8x768xbf16>, vector<256x8xf32> -> vector<256x8xf32>
    %swap3A_36 = arith.constant 0 : index
    %swap3A_37 = arith.constant 0 : index
    %swap3A_38 = vector.load %arg8[%swap3A_36, %swap3A_37] : memref<256x8xf32, #tpu.memory_space<vmem>>, vector<256x8xf32>
    tpu.vector_store %arg8[%swap3A_36, %swap3A_37], %dot_general3A_35 {strides = array<i32>} : memref<256x8xf32, #tpu.memory_space<vmem>>, vector<256x8xf32>,
    return
  }
  func.func @transform_0(%arg0: i32) -> (i32, i32) {
    %c0_i32 = arith.constant 0 : i32
    %c0_i32_0 = arith.constant 0 : i32
    return %arg0, %c0_i32 : i32, i32
  }
  func.func @transform_1(%arg0: i32) -> (i32, i32) {
    %c0_i32 = arith.constant 0 : i32
    %c0_i32_0 = arith.constant 0 : i32
    return %arg0, %c0_i32 : i32, i32
  }
  func.func @transform_2(%arg0: i32) -> (i32, i32) {
    %c0_i32 = arith.constant 0 : i32
    %c0_i32_0 = arith.constant 0 : i32
    %c0_i32_1 = arith.constant 0 : i32
    return %c0_i32, %c0_i32_0 : i32, i32
  }
  func.func @transform_3(%arg0: i32) -> (i32, i32) {
    %c0_i32 = arith.constant 0 : i32
    %c0_i32_0 = arith.constant 0 : i32
    %c0_i32_1 = arith.constant 0 : i32
    return %c0_i32, %c0_i32_0 : i32, i32
  }
  func.func @transform_4(%arg0: i32) -> (i32, i32) {
    %c0_i32 = arith.constant 0 : i32
    %c0_i32_0 = arith.constant 0 : i32
    %c0_i32_1 = arith.constant 0 : i32
    return %c0_i32, %c0_i32_0 : i32, i32
  }
  func.func @transform_5(%arg0: i32) -> (i32, i32) {
    %c0_i32 = arith.constant 0 : i32
    %c0_i32_0 = arith.constant 0 : i32
    return %arg0, %c0_i32 : i32, i32
  }
  func.func @transform_6(%arg0: i32) -> (i32, i32) {
    %c0_i32 = arith.constant 0 : i32
    %c0_i32_0 = arith.constant 0 : i32
    return %arg0, %c0_i32 : i32, i32
  }
  func.func @transform_7(%arg0: i32) -> (i32, i32) {
    %c0_i32 = arith.constant 0 : i32
    %c0_i32_0 = arith.constant 0 : i32
    return %arg0, %c0_i32 : i32, i32
  }
}

module attributes {stable_mosaic.version = 14 : i64} {
  func.func @_moe_body(%arg0: i32, %arg1: memref<256x768xf32, #tpu.memory_space<vmem>>, %arg2: memref<256x768xbf16, #tpu.memory_space<vmem>>, %arg3: memref<8x256xf32, #tpu.memory_space<vmem>>, %arg4: memref<768x768xf32, #tpu.memory_space<vmem>>, %arg5: memref<768x768xf32, #tpu.memory_space<vmem>>, %arg6: memref<2048x768xf32, #tpu.memory_space<vmem>>, %arg7: memref<768x768xf32, #tpu.memory_space<vmem>>, %arg8: memref<8x768x256xf32, #tpu.memory_space<vmem>>, %arg9: memref<256x768xf32, #tpu.memory_space<vmem>>, %arg10: memref<768x768xbf16, #tpu.memory_space<vmem>>, %arg11: memref<768x768xbf16, #tpu.memory_space<vmem>>, %arg12: memref<2048x768xbf16, #tpu.memory_space<vmem>>, %arg13: memref<768x768xbf16, #tpu.memory_space<vmem>>, %arg14: memref<8x768x256xbf16, #tpu.memory_space<vmem>>) attributes {dimension_semantics = [#tpu.dimension_semantics<arbitrary>], iteration_bounds = array<i64: 8>, scalar_prefetch = 0 : i64, scratch_operands = 5 : i64, tpu.core_type = #tpu.core_type<tc>, window_params = [{transform_indices = @transform_0, window_bounds = array<i64: 256, 768>}, {transform_indices = @transform_1, window_bounds = array<i64: 256, 768>}, {transform_indices = @transform_2, window_bounds = array<i64: 8, 256>}, {pipeline_mode = #tpu.pipeline_mode<synchronous>, transform_indices = @transform_3, window_bounds = array<i64: 768, 768>}, {pipeline_mode = #tpu.pipeline_mode<synchronous>, transform_indices = @transform_4, window_bounds = array<i64: 768, 768>}, {pipeline_mode = #tpu.pipeline_mode<synchronous>, transform_indices = @transform_5, window_bounds = array<i64: 2048, 768>}, {pipeline_mode = #tpu.pipeline_mode<synchronous>, transform_indices = @transform_6, window_bounds = array<i64: 768, 768>}, {pipeline_mode = #tpu.pipeline_mode<synchronous>, transform_indices = @transform_7, window_bounds = array<i64: 8, 768, 256>}, {transform_indices = @transform_8, window_bounds = array<i64: 256, 768>}]} {
    %eq3A = arith.constant 0 : i32
    %eq3A_0 = arith.cmpi eq, %arg0, %eq3A : i32
    %convert_element_type3A = arith.extui %eq3A_0 : i1 to i32
    %cond3A = arith.constant 0 : i32
    %cond3A_1 = arith.cmpi ne, %convert_element_type3A, %cond3A : i32
    scf.if %cond3A_1 {
      %get3A_151 = arith.constant 0 : index
      %get3A_152 = arith.constant 0 : index
      %get3A_153 = vector.load %arg4[%get3A_151, %get3A_152] : memref<768x768xf32, #tpu.memory_space<vmem>>, vector<768x768xf32>
      %convert_element_type3A_154 = arith.truncf %get3A_153 : vector<768x768xf32> to vector<768x768xbf16>
      %swap3A_155 = arith.constant 0 : index
      %swap3A_156 = arith.constant 0 : index
      %swap3A_157 = vector.load %arg10[%swap3A_155, %swap3A_156] : memref<768x768xbf16, #tpu.memory_space<vmem>>, vector<768x768xbf16>
      tpu.vector_store %arg10[%swap3A_155, %swap3A_156], %convert_element_type3A_154 {strides = array<i32>} : memref<768x768xbf16, #tpu.memory_space<vmem>>, vector<768x768xbf16>,
      %get3A_158 = arith.constant 0 : index
      %get3A_159 = arith.constant 0 : index
      %get3A_160 = vector.load %arg5[%get3A_158, %get3A_159] : memref<768x768xf32, #tpu.memory_space<vmem>>, vector<768x768xf32>
      %convert_element_type3A_161 = arith.truncf %get3A_160 : vector<768x768xf32> to vector<768x768xbf16>
      %swap3A_162 = arith.constant 0 : index
      %swap3A_163 = arith.constant 0 : index
      %swap3A_164 = vector.load %arg11[%swap3A_162, %swap3A_163] : memref<768x768xbf16, #tpu.memory_space<vmem>>, vector<768x768xbf16>
      tpu.vector_store %arg11[%swap3A_162, %swap3A_163], %convert_element_type3A_161 {strides = array<i32>} : memref<768x768xbf16, #tpu.memory_space<vmem>>, vector<768x768xbf16>,
      %get3A_165 = arith.constant 0 : index
      %get3A_166 = arith.constant 0 : index
      %get3A_167 = vector.load %arg6[%get3A_165, %get3A_166] : memref<2048x768xf32, #tpu.memory_space<vmem>>, vector<2048x768xf32>
      %convert_element_type3A_168 = arith.truncf %get3A_167 : vector<2048x768xf32> to vector<2048x768xbf16>
      %swap3A_169 = arith.constant 0 : index
      %swap3A_170 = arith.constant 0 : index
      %swap3A_171 = vector.load %arg12[%swap3A_169, %swap3A_170] : memref<2048x768xbf16, #tpu.memory_space<vmem>>, vector<2048x768xbf16>
      tpu.vector_store %arg12[%swap3A_169, %swap3A_170], %convert_element_type3A_168 {strides = array<i32>} : memref<2048x768xbf16, #tpu.memory_space<vmem>>, vector<2048x768xbf16>,
      %get3A_172 = arith.constant 0 : index
      %get3A_173 = arith.constant 0 : index
      %get3A_174 = vector.load %arg7[%get3A_172, %get3A_173] : memref<768x768xf32, #tpu.memory_space<vmem>>, vector<768x768xf32>
      %convert_element_type3A_175 = arith.truncf %get3A_174 : vector<768x768xf32> to vector<768x768xbf16>
      %swap3A_176 = arith.constant 0 : index
      %swap3A_177 = arith.constant 0 : index
      %swap3A_178 = vector.load %arg13[%swap3A_176, %swap3A_177] : memref<768x768xbf16, #tpu.memory_space<vmem>>, vector<768x768xbf16>
      tpu.vector_store %arg13[%swap3A_176, %swap3A_177], %convert_element_type3A_175 {strides = array<i32>} : memref<768x768xbf16, #tpu.memory_space<vmem>>, vector<768x768xbf16>,
      %get3A_179 = arith.constant 0 : index
      %get3A_180 = arith.constant 0 : index
      %get3A_181 = arith.constant 0 : index
      %get3A_182 = vector.load %arg8[%get3A_179, %get3A_180, %get3A_181] : memref<8x768x256xf32, #tpu.memory_space<vmem>>, vector<8x768x256xf32>
      %convert_element_type3A_183 = arith.truncf %get3A_182 : vector<8x768x256xf32> to vector<8x768x256xbf16>
      %swap3A_184 = arith.constant 0 : index
      %swap3A_185 = arith.constant 0 : index
      %swap3A_186 = arith.constant 0 : index
      %swap3A_187 = vector.load %arg14[%swap3A_184, %swap3A_185, %swap3A_186] : memref<8x768x256xbf16, #tpu.memory_space<vmem>>, vector<8x768x256xbf16>
      tpu.vector_store %arg14[%swap3A_184, %swap3A_185, %swap3A_186], %convert_element_type3A_183 {strides = array<i32>} : memref<8x768x256xbf16, #tpu.memory_space<vmem>>, vector<8x768x256xbf16>,
    } else {
    }
    %get3A = arith.constant 0 : index
    %get3A_2 = arith.constant 0 : index
    %get3A_3 = vector.load %arg1[%get3A, %get3A_2] : memref<256x768xf32, #tpu.memory_space<vmem>>, vector<256x768xf32>
    %get3A_4 = arith.constant 0 : index
    %get3A_5 = arith.constant 0 : index
    %get3A_6 = vector.load %arg2[%get3A_4, %get3A_5] : memref<256x768xbf16, #tpu.memory_space<vmem>>, vector<256x768xbf16>
    %get3A_7 = arith.constant 0 : index
    %get3A_8 = arith.constant 0 : index
    %get3A_9 = vector.load %arg3[%get3A_7, %get3A_8] : memref<8x256xf32, #tpu.memory_space<vmem>>, vector<8x256xf32>
    %convert_element_type3A_10 = arith.truncf %get3A_9 : vector<8x256xf32> to vector<8x256xbf16>
    %iota3A = tpu.iota {dimensions = array<i32: 1>} : vector<8x2048xi32>
    %jit3A = arith.constant 256 : i32
    %div3A = vector.broadcast %jit3A : i32 to vector<8x2048xi32>
    %div3A_11 = arith.divsi %iota3A, %div3A : vector<8x2048xi32>
    %sign3A = arith.constant 0 : i32
    %sign3A_12 = vector.broadcast %sign3A : i32 to vector<8x2048xi32>
    %sign3A_13 = arith.cmpi sgt, %iota3A, %sign3A_12 : vector<8x2048xi32>
    %sign3A_14 = arith.extui %sign3A_13 : vector<8x2048xi1> to vector<8x2048xi32>
    %sign3A_15 = arith.constant 0 : i32
    %sign3A_16 = vector.broadcast %sign3A_15 : i32 to vector<8x2048xi32>
    %sign3A_17 = arith.cmpi slt, %iota3A, %sign3A_16 : vector<8x2048xi32>
    %sign3A_18 = arith.extui %sign3A_17 : vector<8x2048xi1> to vector<8x2048xi32>
    %sign3A_19 = arith.subi %sign3A_14, %sign3A_18 : vector<8x2048xi32>
    %sign3A_20 = arith.constant 0 : i32
    %sign3A_21 = arith.cmpi sgt, %jit3A, %sign3A_20 : i32
    %sign3A_22 = arith.extui %sign3A_21 : i1 to i32
    %sign3A_23 = arith.constant 0 : i32
    %sign3A_24 = arith.cmpi slt, %jit3A, %sign3A_23 : i32
    %sign3A_25 = arith.extui %sign3A_24 : i1 to i32
    %sign3A_26 = arith.subi %sign3A_22, %sign3A_25 : i32
    %ne3A = vector.broadcast %sign3A_26 : i32 to vector<8x2048xi32>
    %ne3A_27 = arith.cmpi ne, %sign3A_19, %ne3A : vector<8x2048xi32>
    %rem3A = vector.broadcast %jit3A : i32 to vector<8x2048xi32>
    %rem3A_28 = arith.remsi %iota3A, %rem3A : vector<8x2048xi32>
    %ne3A_29 = arith.constant 0 : i32
    %ne3A_30 = vector.broadcast %ne3A_29 : i32 to vector<8x2048xi32>
    %ne3A_31 = arith.cmpi ne, %rem3A_28, %ne3A_30 : vector<8x2048xi32>
    %and3A = arith.andi %ne3A_27, %ne3A_31 : vector<8x2048xi1>
    %sub3A = arith.constant 1 : i32
    %sub3A_32 = vector.broadcast %sub3A : i32 to vector<8x2048xi32>
    %sub3A_33 = arith.subi %div3A_11, %sub3A_32 : vector<8x2048xi32>
    %select_n3A = arith.select %and3A, %sub3A_33, %div3A_11 : vector<8x2048xi1>, vector<8x2048xi32>
    %iota3A_34 = tpu.iota {dimensions = array<i32: 0>} : vector<8x2048xi32>
    %eq3A_35 = arith.cmpi eq, %select_n3A, %iota3A_34 : vector<8x2048xi32>
    %convert_element_type3A_36 = arith.extui %eq3A_35 : vector<8x2048xi1> to vector<8x2048xi32>
    %convert_element_type3A_37 = arith.sitofp %convert_element_type3A_36 : vector<8x2048xi32> to vector<8x2048xf32>
    %convert_element_type3A_38 = arith.truncf %convert_element_type3A_37 : vector<8x2048xf32> to vector<8x2048xbf16>
    %dot_general3A = arith.constant dense<0.000000e+00> : vector<256x2048xf32>
    %dot_general3A_39 = tpu.matmul %convert_element_type3A_10, %convert_element_type3A_38, %dot_general3A {dimension_numbers = #tpu.dot_dimension_numbers<[0], [0], [1], [1], [0, 1, 1, 1], [], []>, transpose_lhs_hint = false} : vector<8x256xbf16>, vector<8x2048xbf16>, vector<256x2048xf32> -> vector<256x2048xf32>
    %convert_element_type3A_40 = arith.truncf %dot_general3A_39 : vector<256x2048xf32> to vector<256x2048xbf16>
    %get3A_41 = arith.constant 0 : index
    %get3A_42 = arith.constant 0 : index
    %get3A_43 = vector.load %arg10[%get3A_41, %get3A_42] : memref<768x768xbf16, #tpu.memory_space<vmem>>, vector<768x768xbf16>
    %dot_general3A_44 = arith.constant dense<0.000000e+00> : vector<256x768xf32>
    %dot_general3A_45 = tpu.matmul %get3A_6, %get3A_43, %dot_general3A_44 {dimension_numbers = #tpu.dot_dimension_numbers<[1], [1], [0], [0], [0, 0, 1, 0], [], []>, transpose_lhs_hint = false} : vector<256x768xbf16>, vector<768x768xbf16>, vector<256x768xf32> -> vector<256x768xf32>
    %logistic3A = arith.negf %dot_general3A_45 : vector<256x768xf32>
    %logistic3A_46 = math.exp %logistic3A : vector<256x768xf32>
    %logistic3A_47 = arith.constant 1.000000e+00 : f32
    %logistic3A_48 = vector.broadcast %logistic3A_47 : f32 to vector<256x768xf32>
    %logistic3A_49 = arith.addf %logistic3A_48, %logistic3A_46 : vector<256x768xf32>
    %logistic3A_50 = arith.divf %logistic3A_48, %logistic3A_49 : vector<256x768xf32>
    %mul3A = arith.mulf %dot_general3A_45, %logistic3A_50 : vector<256x768xf32>
    %get3A_51 = arith.constant 0 : index
    %get3A_52 = arith.constant 0 : index
    %get3A_53 = vector.load %arg11[%get3A_51, %get3A_52] : memref<768x768xbf16, #tpu.memory_space<vmem>>, vector<768x768xbf16>
    %dot_general3A_54 = arith.constant dense<0.000000e+00> : vector<256x768xf32>
    %dot_general3A_55 = tpu.matmul %get3A_6, %get3A_53, %dot_general3A_54 {dimension_numbers = #tpu.dot_dimension_numbers<[1], [1], [0], [0], [0, 0, 1, 0], [], []>, transpose_lhs_hint = false} : vector<256x768xbf16>, vector<768x768xbf16>, vector<256x768xf32> -> vector<256x768xf32>
    %mul3A_56 = arith.mulf %mul3A, %dot_general3A_55 : vector<256x768xf32>
    %convert_element_type3A_57 = arith.truncf %mul3A_56 : vector<256x768xf32> to vector<256x768xbf16>
    %get3A_58 = arith.constant 0 : index
    %get3A_59 = arith.constant 0 : index
    %get3A_60 = vector.load %arg13[%get3A_58, %get3A_59] : memref<768x768xbf16, #tpu.memory_space<vmem>>, vector<768x768xbf16>
    %dot_general3A_61 = arith.constant dense<0.000000e+00> : vector<256x768xf32>
    %dot_general3A_62 = tpu.matmul %convert_element_type3A_57, %get3A_60, %dot_general3A_61 {dimension_numbers = #tpu.dot_dimension_numbers<[1], [1], [0], [0], [0, 0, 1, 0], [], []>, transpose_lhs_hint = false} : vector<256x768xbf16>, vector<768x768xbf16>, vector<256x768xf32> -> vector<256x768xf32>
    %add3A = arith.addf %get3A_3, %dot_general3A_62 : vector<256x768xf32>
    %get3A_63 = arith.constant 0 : index
    %get3A_64 = arith.constant 0 : index
    %get3A_65 = vector.load %arg12[%get3A_63, %get3A_64] : memref<2048x768xbf16, #tpu.memory_space<vmem>>, vector<2048x768xbf16>
    %dot_general3A_66 = arith.constant dense<0.000000e+00> : vector<256x2048xf32>
    %dot_general3A_67 = tpu.matmul %get3A_6, %get3A_65, %dot_general3A_66 {dimension_numbers = #tpu.dot_dimension_numbers<[1], [1], [0], [0], [0, 0, 1, 0], [], []>, transpose_lhs_hint = false} : vector<256x768xbf16>, vector<2048x768xbf16>, vector<256x2048xf32> -> vector<256x2048xf32>
    %logistic3A_68 = arith.negf %dot_general3A_67 : vector<256x2048xf32>
    %logistic3A_69 = math.exp %logistic3A_68 : vector<256x2048xf32>
    %logistic3A_70 = arith.constant 1.000000e+00 : f32
    %logistic3A_71 = vector.broadcast %logistic3A_70 : f32 to vector<256x2048xf32>
    %logistic3A_72 = arith.addf %logistic3A_71, %logistic3A_69 : vector<256x2048xf32>
    %logistic3A_73 = arith.divf %logistic3A_71, %logistic3A_72 : vector<256x2048xf32>
    %mul3A_74 = arith.mulf %dot_general3A_67, %logistic3A_73 : vector<256x2048xf32>
    %convert_element_type3A_75 = arith.extf %convert_element_type3A_40 : vector<256x2048xbf16> to vector<256x2048xf32>
    %mul3A_76 = arith.mulf %mul3A_74, %convert_element_type3A_75 : vector<256x2048xf32>
    %convert_element_type3A_77 = arith.truncf %mul3A_76 : vector<256x2048xf32> to vector<256x2048xbf16>
    %slice3A = vector.extract_strided_slice %convert_element_type3A_77 {offsets = [0, 0], sizes = [256, 256], strides = [1, 1]} : vector<256x2048xbf16> to vector<256x256xbf16>
    %get3A_78 = arith.constant 0 : index
    %get3A_79 = arith.constant 0 : index
    %get3A_80 = arith.constant 0 : index
    %get3A_81 = vector.load %arg14[%get3A_78, %get3A_79, %get3A_80] : memref<8x768x256xbf16, #tpu.memory_space<vmem>>, vector<1x768x256xbf16>
    %get3A_82 = vector.shape_cast %get3A_81 : vector<1x768x256xbf16> to vector<768x256xbf16>
    %dot_general3A_83 = arith.constant dense<0.000000e+00> : vector<256x768xf32>
    %dot_general3A_84 = tpu.matmul %slice3A, %get3A_82, %dot_general3A_83 {dimension_numbers = #tpu.dot_dimension_numbers<[1], [1], [0], [0], [0, 0, 1, 0], [], []>, transpose_lhs_hint = false} : vector<256x256xbf16>, vector<768x256xbf16>, vector<256x768xf32> -> vector<256x768xf32>
    %add3A_85 = arith.addf %add3A, %dot_general3A_84 : vector<256x768xf32>
    %slice3A_86 = vector.extract_strided_slice %convert_element_type3A_77 {offsets = [0, 256], sizes = [256, 256], strides = [1, 1]} : vector<256x2048xbf16> to vector<256x256xbf16>
    %get3A_87 = arith.constant 1 : index
    %get3A_88 = arith.constant 0 : index
    %get3A_89 = arith.constant 0 : index
    %get3A_90 = vector.load %arg14[%get3A_87, %get3A_88, %get3A_89] : memref<8x768x256xbf16, #tpu.memory_space<vmem>>, vector<1x768x256xbf16>
    %get3A_91 = vector.shape_cast %get3A_90 : vector<1x768x256xbf16> to vector<768x256xbf16>
    %dot_general3A_92 = arith.constant dense<0.000000e+00> : vector<256x768xf32>
    %dot_general3A_93 = tpu.matmul %slice3A_86, %get3A_91, %dot_general3A_92 {dimension_numbers = #tpu.dot_dimension_numbers<[1], [1], [0], [0], [0, 0, 1, 0], [], []>, transpose_lhs_hint = false} : vector<256x256xbf16>, vector<768x256xbf16>, vector<256x768xf32> -> vector<256x768xf32>
    %add3A_94 = arith.addf %add3A_85, %dot_general3A_93 : vector<256x768xf32>
    %slice3A_95 = vector.extract_strided_slice %convert_element_type3A_77 {offsets = [0, 512], sizes = [256, 256], strides = [1, 1]} : vector<256x2048xbf16> to vector<256x256xbf16>
    %get3A_96 = arith.constant 2 : index
    %get3A_97 = arith.constant 0 : index
    %get3A_98 = arith.constant 0 : index
    %get3A_99 = vector.load %arg14[%get3A_96, %get3A_97, %get3A_98] : memref<8x768x256xbf16, #tpu.memory_space<vmem>>, vector<1x768x256xbf16>
    %get3A_100 = vector.shape_cast %get3A_99 : vector<1x768x256xbf16> to vector<768x256xbf16>
    %dot_general3A_101 = arith.constant dense<0.000000e+00> : vector<256x768xf32>
    %dot_general3A_102 = tpu.matmul %slice3A_95, %get3A_100, %dot_general3A_101 {dimension_numbers = #tpu.dot_dimension_numbers<[1], [1], [0], [0], [0, 0, 1, 0], [], []>, transpose_lhs_hint = false} : vector<256x256xbf16>, vector<768x256xbf16>, vector<256x768xf32> -> vector<256x768xf32>
    %add3A_103 = arith.addf %add3A_94, %dot_general3A_102 : vector<256x768xf32>
    %slice3A_104 = vector.extract_strided_slice %convert_element_type3A_77 {offsets = [0, 768], sizes = [256, 256], strides = [1, 1]} : vector<256x2048xbf16> to vector<256x256xbf16>
    %get3A_105 = arith.constant 3 : index
    %get3A_106 = arith.constant 0 : index
    %get3A_107 = arith.constant 0 : index
    %get3A_108 = vector.load %arg14[%get3A_105, %get3A_106, %get3A_107] : memref<8x768x256xbf16, #tpu.memory_space<vmem>>, vector<1x768x256xbf16>
    %get3A_109 = vector.shape_cast %get3A_108 : vector<1x768x256xbf16> to vector<768x256xbf16>
    %dot_general3A_110 = arith.constant dense<0.000000e+00> : vector<256x768xf32>
    %dot_general3A_111 = tpu.matmul %slice3A_104, %get3A_109, %dot_general3A_110 {dimension_numbers = #tpu.dot_dimension_numbers<[1], [1], [0], [0], [0, 0, 1, 0], [], []>, transpose_lhs_hint = false} : vector<256x256xbf16>, vector<768x256xbf16>, vector<256x768xf32> -> vector<256x768xf32>
    %add3A_112 = arith.addf %add3A_103, %dot_general3A_111 : vector<256x768xf32>
    %slice3A_113 = vector.extract_strided_slice %convert_element_type3A_77 {offsets = [0, 1024], sizes = [256, 256], strides = [1, 1]} : vector<256x2048xbf16> to vector<256x256xbf16>
    %get3A_114 = arith.constant 4 : index
    %get3A_115 = arith.constant 0 : index
    %get3A_116 = arith.constant 0 : index
    %get3A_117 = vector.load %arg14[%get3A_114, %get3A_115, %get3A_116] : memref<8x768x256xbf16, #tpu.memory_space<vmem>>, vector<1x768x256xbf16>
    %get3A_118 = vector.shape_cast %get3A_117 : vector<1x768x256xbf16> to vector<768x256xbf16>
    %dot_general3A_119 = arith.constant dense<0.000000e+00> : vector<256x768xf32>
    %dot_general3A_120 = tpu.matmul %slice3A_113, %get3A_118, %dot_general3A_119 {dimension_numbers = #tpu.dot_dimension_numbers<[1], [1], [0], [0], [0, 0, 1, 0], [], []>, transpose_lhs_hint = false} : vector<256x256xbf16>, vector<768x256xbf16>, vector<256x768xf32> -> vector<256x768xf32>
    %add3A_121 = arith.addf %add3A_112, %dot_general3A_120 : vector<256x768xf32>
    %slice3A_122 = vector.extract_strided_slice %convert_element_type3A_77 {offsets = [0, 1280], sizes = [256, 256], strides = [1, 1]} : vector<256x2048xbf16> to vector<256x256xbf16>
    %get3A_123 = arith.constant 5 : index
    %get3A_124 = arith.constant 0 : index
    %get3A_125 = arith.constant 0 : index
    %get3A_126 = vector.load %arg14[%get3A_123, %get3A_124, %get3A_125] : memref<8x768x256xbf16, #tpu.memory_space<vmem>>, vector<1x768x256xbf16>
    %get3A_127 = vector.shape_cast %get3A_126 : vector<1x768x256xbf16> to vector<768x256xbf16>
    %dot_general3A_128 = arith.constant dense<0.000000e+00> : vector<256x768xf32>
    %dot_general3A_129 = tpu.matmul %slice3A_122, %get3A_127, %dot_general3A_128 {dimension_numbers = #tpu.dot_dimension_numbers<[1], [1], [0], [0], [0, 0, 1, 0], [], []>, transpose_lhs_hint = false} : vector<256x256xbf16>, vector<768x256xbf16>, vector<256x768xf32> -> vector<256x768xf32>
    %add3A_130 = arith.addf %add3A_121, %dot_general3A_129 : vector<256x768xf32>
    %slice3A_131 = vector.extract_strided_slice %convert_element_type3A_77 {offsets = [0, 1536], sizes = [256, 256], strides = [1, 1]} : vector<256x2048xbf16> to vector<256x256xbf16>
    %get3A_132 = arith.constant 6 : index
    %get3A_133 = arith.constant 0 : index
    %get3A_134 = arith.constant 0 : index
    %get3A_135 = vector.load %arg14[%get3A_132, %get3A_133, %get3A_134] : memref<8x768x256xbf16, #tpu.memory_space<vmem>>, vector<1x768x256xbf16>
    %get3A_136 = vector.shape_cast %get3A_135 : vector<1x768x256xbf16> to vector<768x256xbf16>
    %dot_general3A_137 = arith.constant dense<0.000000e+00> : vector<256x768xf32>
    %dot_general3A_138 = tpu.matmul %slice3A_131, %get3A_136, %dot_general3A_137 {dimension_numbers = #tpu.dot_dimension_numbers<[1], [1], [0], [0], [0, 0, 1, 0], [], []>, transpose_lhs_hint = false} : vector<256x256xbf16>, vector<768x256xbf16>, vector<256x768xf32> -> vector<256x768xf32>
    %add3A_139 = arith.addf %add3A_130, %dot_general3A_138 : vector<256x768xf32>
    %slice3A_140 = vector.extract_strided_slice %convert_element_type3A_77 {offsets = [0, 1792], sizes = [256, 256], strides = [1, 1]} : vector<256x2048xbf16> to vector<256x256xbf16>
    %get3A_141 = arith.constant 7 : index
    %get3A_142 = arith.constant 0 : index
    %get3A_143 = arith.constant 0 : index
    %get3A_144 = vector.load %arg14[%get3A_141, %get3A_142, %get3A_143] : memref<8x768x256xbf16, #tpu.memory_space<vmem>>, vector<1x768x256xbf16>
    %get3A_145 = vector.shape_cast %get3A_144 : vector<1x768x256xbf16> to vector<768x256xbf16>
    %dot_general3A_146 = arith.constant dense<0.000000e+00> : vector<256x768xf32>
    %dot_general3A_147 = tpu.matmul %slice3A_140, %get3A_145, %dot_general3A_146 {dimension_numbers = #tpu.dot_dimension_numbers<[1], [1], [0], [0], [0, 0, 1, 0], [], []>, transpose_lhs_hint = false} : vector<256x256xbf16>, vector<768x256xbf16>, vector<256x768xf32> -> vector<256x768xf32>
    %add3A_148 = arith.addf %add3A_139, %dot_general3A_147 : vector<256x768xf32>
    %swap3A = arith.constant 0 : index
    %swap3A_149 = arith.constant 0 : index
    %swap3A_150 = vector.load %arg9[%swap3A, %swap3A_149] : memref<256x768xf32, #tpu.memory_space<vmem>>, vector<256x768xf32>
    tpu.vector_store %arg9[%swap3A, %swap3A_149], %add3A_148 {strides = array<i32>} : memref<256x768xf32, #tpu.memory_space<vmem>>, vector<256x768xf32>,
    return
  }
  func.func @transform_0(%arg0: i32) -> (i32, i32) {
    %c0_i32 = arith.constant 0 : i32
    %c0_i32_0 = arith.constant 0 : i32
    return %arg0, %c0_i32 : i32, i32
  }
  func.func @transform_1(%arg0: i32) -> (i32, i32) {
    %c0_i32 = arith.constant 0 : i32
    %c0_i32_0 = arith.constant 0 : i32
    return %arg0, %c0_i32 : i32, i32
  }
  func.func @transform_2(%arg0: i32) -> (i32, i32) {
    %c0_i32 = arith.constant 0 : i32
    %c0_i32_0 = arith.constant 0 : i32
    return %c0_i32, %arg0 : i32, i32
  }
  func.func @transform_3(%arg0: i32) -> (i32, i32) {
    %c0_i32 = arith.constant 0 : i32
    %c0_i32_0 = arith.constant 0 : i32
    %c0_i32_1 = arith.constant 0 : i32
    return %c0_i32, %c0_i32_0 : i32, i32
  }
  func.func @transform_4(%arg0: i32) -> (i32, i32) {
    %c0_i32 = arith.constant 0 : i32
    %c0_i32_0 = arith.constant 0 : i32
    %c0_i32_1 = arith.constant 0 : i32
    return %c0_i32, %c0_i32_0 : i32, i32
  }
  func.func @transform_5(%arg0: i32) -> (i32, i32) {
    %c0_i32 = arith.constant 0 : i32
    %c0_i32_0 = arith.constant 0 : i32
    %c0_i32_1 = arith.constant 0 : i32
    return %c0_i32, %c0_i32_0 : i32, i32
  }
  func.func @transform_6(%arg0: i32) -> (i32, i32) {
    %c0_i32 = arith.constant 0 : i32
    %c0_i32_0 = arith.constant 0 : i32
    %c0_i32_1 = arith.constant 0 : i32
    return %c0_i32, %c0_i32_0 : i32, i32
  }
  func.func @transform_7(%arg0: i32) -> (i32, i32, i32) {
    %c0_i32 = arith.constant 0 : i32
    %c0_i32_0 = arith.constant 0 : i32
    %c0_i32_1 = arith.constant 0 : i32
    %c0_i32_2 = arith.constant 0 : i32
    return %c0_i32, %c0_i32_0, %c0_i32_1 : i32, i32, i32
  }
  func.func @transform_8(%arg0: i32) -> (i32, i32) {
    %c0_i32 = arith.constant 0 : i32
    %c0_i32_0 = arith.constant 0 : i32
    return %arg0, %c0_i32 : i32, i32
  }
}

</mosaic_0001>

<sc_bundles>
// kernel: kernel.7.cloned.1.call-start
scs
__scs_entry_jumppad:
0x0: {  	(pc) =	sbr.rel $0x88, $3  }
0x1: {  	(tag) =	ssettag $0x0;
	lr =	simm.s32 $0x1  }
0x2: {  	[smem:$0x3F94] =	sst lr;
	_ =	strace $0xD0000000  }
0x3: {  	_ = 	snop  }
0x4: {  	_ = 	snop  }
0x5: {  	_ = 	snop  }
0x6: {  	_ = 	snop  }
0x7: {  	_ = 	snop  }
__scs_overlays_trampoline_lowered:
0x8: {  	[smem:$0x3FA3] =	sst s0  }
0x9: {  	[smem:$0x3FA4] =	sst s1  }
0xa: {  	[smem:$0x3FA5] =	sst s2  }
0xb: {  	[smem:$0x3FA6] =	sst s3  }
0xc: {  	[smem:$0x3FA7] =	sst s4  }
0xd: {  	[smem:$0x3FA8] =	sst s5  }
0xe: {  	[smem:$0x3FA9] =	sst s6  }
0xf: {  	[smem:$0x3FAA] =	sst s7  }
0x10: {  	[smem:$0x3FAB] =	sst s8  }
0x11: {  	[smem:$0x3FAC] =	sst s9;
	s0 =	simm.s32 @!p0 $0x0  }
0x12: {  	s1 =	sld [smem:$0x3F92];
	s0 =	simm.s32 @p0 $0x1  }
0x13: {  	[smem:$0x3FAD] =	sst s0;
	s0 =	simm.s32 @!p1 $0x0  }
0x14: {  	s2 =	sld [smem:$0x3F91];
	s0 =	simm.s32 @p1 $0x1  }
0x15: {  	[smem:$0x3FAE] =	sst s0;
	s0 =	simm.s32 @!p2 $0x0  }
0x16: {  	s3 =	sld [smem:$0x3FDB];
	s0 =	simm.s32 @p2 $0x1  }
0x17: {  	s4 =	simm.s32 $0x1BF5;
	[smem:$0x3FB0] =	sst s0  }
0x18: {  	s0 =	sld [smem:$0x3F93];
	_ =	swait.ge [sflag:s4], $0x0  }
0x19: {  	s7 =	sld [smem:$0x3F94]  }
0x1a: {  	s8 =	sadd.s32 $0xFFFFE003, lr  }
0x1b: {  	s9 =	sadd.s32 $0xFFFFFEF7, lr;
	s5 =	simm.s32 $0xFFFFFFFF;
	p2 =	slt.u32 s8, $0xFFFFF086  }
0x1c: {  	p1 =	slt.u32 s9, $0xF7A;
	s5 =	simm.s32 @!p2 $0x0  }
0x1d: {  	s5 =	simm.s32 @p1 $0x1;
	p0 =	seq.s32 s7, s2  }
0x1e: {  	s7 =	smul.u32 @!p0 $0xF7A, s2;
	p2 =	seq.s32 @!p0 s5, $0x0  }
0x1f: {  	s9 =	smul.u32 $0xF7A, s1;
	s8 =	simm.s32 @!p0 $0x1BF5;
	p2 =	por !p2, p0  }
0x20: {  	[sflag:s8] =	ssyncset.s32 @!p0 $0xFFFFF086;
	s6 =	sadd.s32 @!p0 s3, s7;
	s7 =	simm.s32 @!p0 $0x108  }
0x21: {  	s3 =	sadd.s32 s3, s9;
	s6 =	sadd.s32 @!p0 $0x88, s6;
	s7 =	simm.s32 @p2 $0x1082  }
0x22: {  	[simem:s7], [sflag:s8] =	dma.local @!p0 [hbm:s6], $0xF7A  }
0x23: {  	s9 =	sor.u32 $0xD0000000, s2;
	s6 =	simm.s32 $0x108;
	_ =	swait.ge @!p0 [sflag:s8], $0x0  }
0x24: {  	s3 =	sadd.s32 $0x88, s3;
	s6 =	simm.s32 @!p1 $0x1082;
	[sflag:s4] =	ssyncset.s32 $0xFFFFF086  }
0x25: {  	[simem:s6], [sflag:s4] =	dma.local [hbm:s3], $0xF7A  }
0x26: {  	[smem:$0x3F94] =	sst s1;
	(tag) =	ssettag s2;
	_ =	strace s9  }
0x27: {  	s1 =	sld [smem:$0x3FA4]  }
0x28: {  	s2 =	sld [smem:$0x3FA5]  }
0x29: {  	s4 =	sld [smem:$0x3FA7]  }
0x2a: {  	p0 =	seq.s32 s5, $0x0;
	s5 =	sld [smem:$0x3FA8]  }
0x2b: {  	s6 =	sld [smem:$0x3FA9]  }
0x2c: {  	s7 =	sld [smem:$0x3FAA]  }
0x2d: {  	s3 =	simm.s32 $0x108;
	s8 =	sld [smem:$0x3FAB]  }
0x2e: {  	s3 =	simm.s32 @!p0 $0x1082;
	s9 =	sld [smem:$0x3FAC]  }
0x2f: {  	lr =	sadd.s32 s0, s3;
	s0 =	sld [smem:$0x3FA3]  }
0x30: {  	s3 =	sld [smem:$0x3FA6]  }
0x31: {  	[smem:$0x3FAF] =	sst s10  }
0x32: {  	s10 =	sld [smem:$0x3FAD];
	_ =	sdelay $0x3  }
0x33: {  	p0 =	seq.s32 s10, $0x1;
	s10 =	sld [smem:$0x3FAF];
	_ =	sdelay $0x3  }
0x34: {  	[smem:$0x3FAF] =	sst s10  }
0x35: {  	s10 =	sld [smem:$0x3FAE];
	_ =	sdelay $0x3  }
0x36: {  	p1 =	seq.s32 s10, $0x1;
	s10 =	sld [smem:$0x3FAF];
	_ =	sdelay $0x3  }
0x37: {  	[smem:$0x3FAF] =	sst s10  }
0x38: {  	s10 =	sld [smem:$0x3FB0]  }
0x39: {  	_ = 	snop;
	(pc) =	sbr.ind lr, $3  }
0x3a: {  	_ = 	snop  }
0x3b: {  	_ = 	snop  }
0x3c: {  	p2 =	seq.s32 s10, $0x1;
	s10 =	sld [smem:$0x3FAF]  }
0x3d: {  	_ =	shalt  }
0x3e: {  	_ =	shalt  }
0x3f: {  	_ =	shalt  }
0x40: {  	_ =	shalt  }
0x41: {  	_ =	shalt  }
0x42: {  	_ =	shalt  }
0x43: {  	_ =	shalt  }
0x44: {  	_ =	shalt  }
0x45: {  	_ =	shalt  }
0x46: {  	_ =	shalt  }
0x47: {  	_ =	shalt  }
0x48: {  	_ =	shalt  }
0x49: {  	_ =	shalt  }
0x4a: {  	_ =	shalt  }
0x4b: {  	_ =	shalt  }
0x4c: {  	_ =	shalt  }
0x4d: {  	_ =	shalt  }
0x4e: {  	_ =	shalt  }
0x4f: {  	_ =	shalt  }
0x50: {  	_ =	shalt  }
0x51: {  	_ =	shalt  }
0x52: {  	_ =	shalt  }
0x53: {  	_ =	shalt  }
0x54: {  	_ =	shalt  }
0x55: {  	_ =	shalt  }
0x56: {  	_ =	shalt  }
0x57: {  	_ =	shalt  }
0x58: {  	_ =	shalt  }
0x59: {  	_ =	shalt  }
0x5a: {  	_ =	shalt  }
0x5b: {  	_ =	shalt  }
0x5c: {  	_ =	shalt  }
0x5d: {  	_ =	shalt  }
0x5e: {  	_ =	shalt  }
0x5f: {  	_ =	shalt  }
0x60: {  	_ =	shalt  }
0x61: {  	_ =	shalt  }
0x62: {  	_ =	shalt  }
0x63: {  	_ =	shalt  }
0x64: {  	_ =	shalt  }
0x65: {  	_ =	shalt  }
0x66: {  	_ =	shalt  }
0x67: {  	_ =	shalt  }
0x68: {  	_ =	shalt  }
0x69: {  	_ =	shalt  }
0x6a: {  	_ =	shalt  }
0x6b: {  	_ =	shalt  }
0x6c: {  	_ =	shalt  }
0x6d: {  	_ =	shalt  }
0x6e: {  	_ =	shalt  }
0x6f: {  	_ =	shalt  }
0x70: {  	_ =	shalt  }
0x71: {  	_ =	shalt  }
0x72: {  	_ =	shalt  }
0x73: {  	_ =	shalt  }
0x74: {  	_ =	shalt  }
0x75: {  	_ =	shalt  }
0x76: {  	_ =	shalt  }
0x77: {  	_ =	shalt  }
0x78: {  	_ =	shalt  }
0x79: {  	_ =	shalt  }
0x7a: {  	_ =	shalt  }
0x7b: {  	_ =	shalt  }
0x7c: {  	_ =	shalt  }
0x7d: {  	_ =	shalt  }
0x7e: {  	_ =	shalt  }
0x7f: {  	_ =	shalt  }
0x80: {  	_ =	shalt  }
0x81: {  	_ =	shalt  }
0x82: {  	_ =	shalt  }
0x83: {  	_ =	shalt  }
0x84: {  	_ =	shalt  }
0x85: {  	_ =	shalt  }
0x86: {  	_ =	shalt  }
0x87: {  	_ =	shalt  }
.Lfunc_end0:
.L_simem_size_0:
called_computation_lowered:
.L_overlay_start_0:
0x88: {  	s2 =	sld [smem:$0x3FD9]  }
0x89: {  	s3 =	sld [smem:$0x3FFE];
	_ =	sdelay $0x1  }
0x8a: {  	s1 =	srdreg.scid  }
0x8b: {  	s0 =	sand.u32 $0x1, s1  }
0x8c: {  	s16 =	sshll.u32 s0, $0xA;
	s2 =	sadd.s32 s3, s2  }
0x8d: {  	s2 =	sadd.s32 s2, s16  }
0x8e: {  	[smem:$0x3FBB] =	sst s2  }
0x8f: {  	_ = 	snop  }
0x90: {  	(tm) =	ssettm $0x1  }
0x91: {  	s17 =	sld [smem:$0x3FFB];
	_ =	sdelay $0x3  }
0x92: {  	_ =	strace s17  }
0x93: {  	s2 =	sld [smem:$0x3FFC];
	_ =	sdelay $0x3  }
0x94: {  	_ =	strace s2  }
0x95: {  	s2 =	sld [smem:$0x3FFD];
	_ =	sdelay $0x3  }
0x96: {  	_ =	strace s2  }
0x97: {  	_ =	strace $0x8FFFFFFF  }
0x98: {  	s18 =	sld [smem:$0x3FDB];
	_ =	sdelay $0x1  }
0x99: {  	s19 =	simm.s32 $_scs_section_size  }
0x9a: {  	s4 =	simm.s32 $_size__tile_overlayer_lowered;
	s5 =	simm.s32 $_tile_overlayer_lowered  }
0x9b: {  	s22 =	simm.s32 $0x1BFF;
	s21 =	sshll.u32 s5, $0x1;
	s2 =	sadd.s32 s19, s18  }
0x9c: {  	s6 =	simm.s32 $0x0;
	s20 =	sshll.u32 s4, $0x1;
	s4 =	sadd.s32 s21, s2  }
0x9d: {  	[timem:s6], [sflag:s22] =	dma.local [hbm:s4], s20  }
0x9e: {  	_ =	swait.ge [sflag:s22], s20  }
0x9f: {  	s3 =	ssub.s32 $0x0, s20;
	[sflag:s22] =	ssyncset.done $0x0  }
0xa0: {  	[sflag:s22] =	ssyncadd.s32 s3;
	_ =	sdelay $0x1  }
0xa1: {  	s23 =	simm.s32 $0x1B8B  }
0xa2: {  	_ =	swait.ge [sflag:s23], $0x1  }
0xa3: {  	[sflag:s23] =	ssyncset.done $0x0  }
0xa4: {  	s25 =	simm.s32 $0x1B8E;
	s24 =	sld [smem:$0x3FFE];
	[sflag:s23] =	ssyncadd.s32 $0xFFFFFFFF  }
0xa5: {  	s26 =	simm.s32 $execute0_lowered;
	[smem:$0x3FD2] =	sst s25  }
0xa6: {  	s4 =	sshll.u32 s26, $0x1;
	_ =	strace $0x80000046;
	[dreg:$0x1] =	wrdreg $0xFFFFFFFF  }
0xa7: {  	s28 =	simm.s32 $_size_execute0_lowered;
	s2 =	sadd.s32 s2, s4;
	[dreg:$0x0] =	wrdreg $0x0  }
0xa8: {  	s4 =	sshll.u32 s28, $0x1;
	[dreg:$0x2] =	wrdreg s2  }
0xa9: {  	[dreg:$0x3] =	wrdreg s4  }
0xaa: {  	[dreg:$0x4] =	wrdreg $0xC0  }
0xab: {  	_ =	task [dreg:s6], $0x5FFFF  }
0xac: {  	[dreg:$0x1] =	wrdreg $0xFFFFFFFF  }
0xad: {  	[dreg:$0x0] =	wrdreg $0x60  }
0xae: {  	[dreg:$0x2] =	wrdreg s24  }
0xaf: {  	[dreg:$0x3] =	wrdreg $0x9  }
0xb0: {  	_ =	task.clear_ibuf [dreg:s6], $0x4FFFF;
	_ =	strace $0x90000046  }
0xb1: {  	s29 =	simm.s32 $0x9;
	_ =	strace $0x80000048  }
0xb2: {  	_ =	swait.ge [sflag:s29], $0x1  }
0xb3: {  	[sflag:s29] =	ssyncadd.s32 $0xFFFFFFFF  }
0xb4: {  	_ =	strace $0x90000048  }
0xb5: {  	_ =	sfence  }
0xb6: {  	s30 =	sld [smem:$0x0];
	_ =	sdelay $0x2  }
0xb7: {  	s31 =	sshll.u32 s1, $0xD;
	s1 =	sshrl.u32 s1, $0x2  }
0xb8: {  	s3 =	sand.u32 $0x4000, s31;
	s1 =	sadd.s32 s1, s30  }
0xb9: {  	s0 =	sor.u32 s3, s0;
	s1 =	sshll.u32 s1, $0x11  }
0xba: {  	s0 =	sor.u32 s1, s0  }
0xbb: {  	s0 =	sadd.s32 $0x8F2B, s0  }
0xbc: {  	[sflag:s0] =	ssyncadd.remote.s32 $0x1  }
0xbd: {  	_ =	sfence.sel $0xFFFF  }
0xbe: {  	[dreg:$0x0] =	wrdreg $0xFFFFFFFF;
	(pc) =	sbr.abs _section_cstart, $3  }
0xbf: {  	[dreg:$0x1] =	wrdreg $0xFFFFFFFF  }
0xc0: {  	_ =	task.clear_ibuf [dreg:s6], $0x2FFFF;
	_ =	strace $0x9FFFFFFF  }
0xc1: {  	(tm) =	ssettm $0x7FFFFFFF  }
tec
execute0_lowered:
.L_overlay_start_1:
0x0: {  	(tag) =	ssettag $0x1  }
0x1: {  	s0 =	rddreg [dreg:$0x0];
	s1 =	simm.s32 $0x0  }
0x2: {  	s3 =	srdreg.scid;
	s2 =	stileid.u32;
	s17 =	simm.s32 $0x80  }
0x3: {  	s18 =	simm.s32 $0x100;
	s19 =	simm.s32 $0x180;
	s20 =	simm.s32 $0x200  }
0x4: {  	s21 =	simm.s32 $0x280;
	s22 =	simm.s32 $0x300;
	s23 =	simm.s32 $0x380  }
0x5: {  	s28 =	simm.s32 $0x580;
	s29 =	simm.s32 $0x600;
	s30 =	simm.s32 $0x680  }
0x6: {  	s31 =	simm.s32 $0x700;
	[smem:$0x7FF] =	sst s1;
	s3 =	sand.u32 $0x1, s3  }
0x7: {  	s6 =	sadd.s32 $0x2E00, s0;
	s5 =	sshll.u32 s2, $0x7;
	s4 =	ssub.s32 $0x2, s3  }
0x8: {  	s0 =	sadd.s32 $0x3600, s0;
	s3 =	sshll.u32 s3, $0x3;
	s7 =	sshrl.u32 s4, $0x1  }
0x9: {  	_ =	strace $0x80000047;
	s8 =	sor.u32 s3, s5;
	s15 =	ssub.s32 s4, s7  }
0xa: {  	s3 =	sadd.s32 s6, s8;
	s9 =	sor.u32 $0x10, s8;
	s10 =	sor.u32 $0x20, s8  }
0xb: {  	s11 =	sor.u32 $0x30, s8;
	s12 =	sor.u32 $0x40, s8;
	s13 =	sor.u32 $0x50, s8  }
0xc: {  	s14 =	sor.u32 $0x60, s8;
	s16 =	sor.u32 $0x70, s8;
	s7 =	sadd.s32 s0, s8  }
0xd: {  	[dreg:$0x2] =	wrdreg s3;
	s24 =	sadd.s32 s6, s9;
	s25 =	sadd.s32 s6, s10  }
0xe: {  	s26 =	sadd.s32 s6, s11;
	s3 =	sadd.s32 s6, s12;
	s4 =	sadd.s32 s6, s13  }
0xf: {  	s5 =	sadd.s32 s6, s14;
	s6 =	sadd.s32 s6, s16;
	s8 =	sadd.s32 s0, s9  }
0x10: {  	s9 =	sadd.s32 s0, s10;
	s10 =	sadd.s32 s0, s11;
	s11 =	sadd.s32 s0, s12  }
0x11: {  	s12 =	sadd.s32 s0, s13;
	s13 =	sadd.s32 s0, s14;
	[dreg:$0x3] =	wrdreg s24  }
0x12: {  	s14 =	sadd.s32 s0, s16;
	s15 =	smax.u32 s15, $0x1;
	[dreg:$0x4] =	wrdreg s25  }
0x13: {  	s16 =	simm.s32 $0x1;
	s0 =	simm.s32 $0x780;
	[dreg:$0x5] =	wrdreg s26  }
0x14: {  	v0 =	vimm.f32 $0.0e+00;
	s24 =	simm.s32 $0x400;
	s25 =	simm.s32 $0x480;
	s26 =	simm.s32 $0x500  }
.LBB2_1:
0x15: {  	s2 =	rddreg [dreg:$0x2]  }
0x16: {  	[tilespmem:s1], [sflag:$0x1] =	stream.linear.gather [hbm4b:s2+s1], $0x40, $0x38;
	[tilespmem:$0x800] =	vst v63  }
0x17: {  	_ =	swait.ge [sflag:s16], $0x40  }
0x18: {  	[sflag:s16] =	ssyncset.done $0x0  }
0x19: {  	s2 =	rddreg [dreg:$0x3];
	[sflag:s16] =	ssyncadd.s32 $0xFFFFFFC0  }
0x1a: {  	[tilespmem:s17], [sflag:$0x1] =	stream.linear.gather [hbm4b:s2+s1], $0x40, $0x38;
	[tilespmem:$0x800] =	vst v63  }
0x1b: {  	_ =	swait.ge [sflag:s16], $0x40  }
0x1c: {  	[sflag:s16] =	ssyncset.done $0x0  }
0x1d: {  	s2 =	rddreg [dreg:$0x4];
	[sflag:s16] =	ssyncadd.s32 $0xFFFFFFC0  }
0x1e: {  	[tilespmem:s18], [sflag:$0x1] =	stream.linear.gather [hbm4b:s2+s1], $0x40, $0x38;
	[tilespmem:$0x800] =	vst v63  }
0x1f: {  	_ =	swait.ge [sflag:s16], $0x40  }
0x20: {  	[sflag:s16] =	ssyncset.done $0x0  }
0x21: {  	s2 =	rddreg [dreg:$0x5];
	[sflag:s16] =	ssyncadd.s32 $0xFFFFFFC0  }
0x22: {  	[tilespmem:s19], [sflag:$0x1] =	stream.linear.gather [hbm4b:s2+s1], $0x40, $0x38;
	[tilespmem:$0x800] =	vst v63  }
0x23: {  	_ =	swait.ge [sflag:s16], $0x40  }
0x24: {  	[sflag:s16] =	ssyncset.done $0x0  }
0x25: {  	[sflag:s16] =	ssyncadd.s32 $0xFFFFFFC0  }
0x26: {  	[tilespmem:s20], [sflag:$0x1] =	stream.linear.gather [hbm4b:s3+s1], $0x40, $0x38;
	[tilespmem:$0x800] =	vst v63  }
0x27: {  	_ =	swait.ge [sflag:s16], $0x40  }
0x28: {  	[sflag:s16] =	ssyncset.done $0x0  }
0x29: {  	[sflag:s16] =	ssyncadd.s32 $0xFFFFFFC0  }
0x2a: {  	[tilespmem:s21], [sflag:$0x1] =	stream.linear.gather [hbm4b:s4+s1], $0x40, $0x38;
	[tilespmem:$0x800] =	vst v63  }
0x2b: {  	_ =	swait.ge [sflag:s16], $0x40  }
0x2c: {  	[sflag:s16] =	ssyncset.done $0x0  }
0x2d: {  	[sflag:s16] =	ssyncadd.s32 $0xFFFFFFC0  }
0x2e: {  	[tilespmem:s22], [sflag:$0x1] =	stream.linear.gather [hbm4b:s5+s1], $0x40, $0x38;
	[tilespmem:$0x800] =	vst v63  }
0x2f: {  	_ =	swait.ge [sflag:s16], $0x40  }
0x30: {  	[sflag:s16] =	ssyncset.done $0x0  }
0x31: {  	[sflag:s16] =	ssyncadd.s32 $0xFFFFFFC0  }
0x32: {  	[tilespmem:s23], [sflag:$0x1] =	stream.linear.gather [hbm4b:s6+s1], $0x40, $0x38;
	[tilespmem:$0x800] =	vst v63  }
0x33: {  	_ =	swait.ge [sflag:s16], $0x40  }
0x34: {  	[sflag:s16] =	ssyncset.done $0x0  }
0x35: {  	[sflag:s16] =	ssyncadd.s32 $0xFFFFFFC0  }
0x36: {  	v1 =	vld [tilespmem:$0x0]  }
0x37: {  	v2 =	vld [tilespmem:$0x80];
	_ =	sdelay $0x1  }
0x38: {  	v3 =	vld [tilespmem:$0x100];
	_ =	sdelay $0x1  }
0x39: {  	v4 =	vld [tilespmem:$0x180]  }
0x3a: {  	vm0 =	vgt.f32 v2, v1  }
0x3b: {  	v5 =	vld [tilespmem:$0x200];
	v6 =	vsel vm0, v2, v1  }
0x3c: {  	vm1 =	vgt.f32 v3, v6  }
0x3d: {  	v7 =	vld [tilespmem:$0x280];
	v6 =	vsel vm1, v3, v6  }
0x3e: {  	vm2 =	vgt.f32 v4, v6  }
0x3f: {  	v8 =	vld [tilespmem:$0x300];
	v6 =	vsel vm2, v4, v6  }
0x40: {  	vm3 =	vgt.f32 v5, v6  }
0x41: {  	v9 =	vld [tilespmem:$0x380];
	v10 =	vsel vm0, $0x3F800000, v0;
	v6 =	vsel vm3, v5, v6  }
0x42: {  	v10 =	vsel vm1, $0x40000000, v10;
	vm12 =	vgt.f32 v7, v6  }
0x43: {  	v10 =	vsel vm2, $0x40400000, v10;
	v6 =	vsel vm12, v7, v6  }
0x44: {  	v10 =	vsel vm3, $0x40800000, v10;
	vm13 =	vgt.f32 v8, v6  }
0x45: {  	v10 =	vsel vm12, $0x40A00000, v10;
	v6 =	vsel vm13, v8, v6  }
0x46: {  	v10 =	vsel vm13, $0x40C00000, v10;
	vm15 =	vgt.f32 v9, v6  }
0x47: {  	v10 =	vsel vm15, $0x40E00000, v10  }
0x48: {  	vm7 =	veq.f32 v10, $0.0e+00;
	vm6 =	veq.f32 v10, $1.000000000e+00  }
0x49: {  	v1 =	vsel vm7, $0xF149F2CA, v1;
	v2 =	vsel vm6, $0xF149F2CA, v2  }
0x4a: {  	vm5 =	veq.f32 v10, $2.000000000e+00;
	vm8 =	vgt.f32 v2, v1  }
0x4b: {  	v1 =	vsel vm8, v2, v1;
	v2 =	vsel vm5, $0xF149F2CA, v3  }
0x4c: {  	vm3 =	veq.f32 v10, $3.000000000e+00;
	vm9 =	vgt.f32 v2, v1  }
0x4d: {  	v1 =	vsel vm9, v2, v1;
	v2 =	vsel vm3, $0xF149F2CA, v4  }
0x4e: {  	vm2 =	veq.f32 v10, $4.000000000e+00;
	vm10 =	vgt.f32 v2, v1  }
0x4f: {  	v1 =	vsel vm10, v2, v1;
	v2 =	vsel vm2, $0xF149F2CA, v5  }
0x50: {  	vm4 =	veq.f32 v10, $5.000000000e+00;
	vm11 =	vgt.f32 v2, v1  }
0x51: {  	v1 =	vsel vm11, v2, v1;
	v2 =	vsel vm4, $0xF149F2CA, v7  }
0x52: {  	vm1 =	veq.f32 v10, $6.000000000e+00;
	vm12 =	vgt.f32 v2, v1  }
0x53: {  	v1 =	vsel vm12, v2, v1;
	v2 =	vsel vm1, $0xF149F2CA, v8  }
0x54: {  	vm14 =	veq.f32 v10, $7.000000000e+00;
	vm13 =	vgt.f32 v2, v1  }
0x55: {  	v3 =	vimm.s32 $0x0;
	v1 =	vsel vm13, v2, v1;
	v2 =	vsel vm14, $0xF149F2CA, v9  }
0x56: {  	v3 =	vsel vm14, $0xFFFFFFFF, v3;
	vm14 =	vgt.f32 v2, v1  }
0x57: {  	[tilespmem:$0x1FE80] =	vst v3;
	v3 =	vsel vm15, v9, v6;
	v1 =	vsel vm14, v2, v1  }
0x58: {  	v1 =	vsub.f32 v1, v3;
	_ =	sdelay $0x1  }
0x59: {  	v1 =	vmul.f32 $1.442695020e+00, v1;
	_ =	sdelay $0x1  }
0x5a: {  	(erf) = vpow2.f32 v1;
	_ =	sdelay $0x5  }
0x5b: {  	v30 =	vld [tilespmem:$0x10]  }
0x5c: {  	v31 =	vld [tilespmem:$0x90];
	_ =	sdelay $0x1  }
0x5d: {  	v37 =	vimm.s32 $0x0;
	v19 =	vimm.s32 $0x0;
	v39 =	vimm.s32 $0x0;
	v32 =	vld [tilespmem:$0x110];
	v1 =	vpop (erf)  }
0x5e: {  	v41 =	vimm.s32 $0x0;
	v33 =	vld [tilespmem:$0x190];
	v2 =	vsel vm8, $0x3F800000, v0;
	v1 =	vadd.f32 $1.000000000e+00, v1  }
0x5f: {  	v22 =	vimm.s32 $0x0;
	v23 =	vimm.s32 $0x0;
	v34 =	vld [tilespmem:$0x210];
	v2 =	vsel vm9, $0x40000000, v2  }
0x60: {  	v20 =	vld [tilespmem:$0x20];
	vm15 =	vgt.f32 v31, v30;
	v2 =	vsel vm10, $0x40400000, v2;
	(erf) = vrcp.f32 v1  }
0x61: {  	v47 =	vimm.s32 $0x0;
	v21 =	vld [tilespmem:$0xA0];
	v2 =	vsel vm11, $0x40800000, v2;
	v1 =	vsel vm15, v31, v30  }
0x62: {  	v55 =	vimm.s32 $0x0;
	v2 =	vsel vm12, $0x40A00000, v2;
	vm0 =	vgt.f32 v32, v1  }
0x63: {  	v56 =	vimm.s32 $0x0;
	v35 =	vld [tilespmem:$0x290];
	v2 =	vsel vm13, $0x40C00000, v2;
	v1 =	vsel vm0, v32, v1  }
0x64: {  	v63 =	vimm.s32 $0x0;
	v16 =	vsel vm14, $0x40E00000, v2;
	vm8 =	vgt.f32 v33, v1  }
0x65: {  	v11 =	vld [tilespmem:$0x310];
	v3 =	vsel vm15, $0x3F800000, v0;
	vm11 =	veq.f32 v16, $1.000000000e+00;
	v1 =	vsel vm8, v33, v1  }
0x66: {  	v3 =	vsel vm0, $0x40000000, v3;
	vm0 =	vgt.f32 v21, v20;
	vm9 =	vgt.f32 v34, v1  }
0x67: {  	v12 =	vld [tilespmem:$0x390];
	vm12 =	veq.f32 v16, $3.000000000e+00;
	v24 =	vsel vm0, v21, v20;
	v1 =	vsel vm9, v34, v1  }
0x68: {  	v43 =	vld [tilespmem:$0x120];
	v53 =	vsel vm0, $0x3F800000, v0;
	v2 =	vsel vm8, $0x40400000, v3;
	vm13 =	vgt.f32 v35, v1  }
0x69: {  	v2 =	vsel vm9, $0x40800000, v2;
	vm9 =	veq.f32 v16, $2.000000000e+00;
	v3 =	vsel vm13, v35, v1;
	v15 =	vpop (erf)  }
0x6a: {  	v2 =	vsel vm13, $0x40A00000, v2;
	vm15 =	vgt.f32 v11, v3;
	v17 =	vsub.f32 $1.000000000e+00, v15  }
0x6b: {  	v1 =	vnsel vm7, $0x0, v15;
	v13 =	vsel vm15, v11, v3;
	vm7 =	veq.f32 v16, $0.0e+00  }
0x6c: {  	v36 =	vsel vm15, $0x40C00000, v2;
	v2 =	vnsel vm6, $0x0, v15;
	v4 =	vnsel vm5, $0x0, v15  }
0x6d: {  	v9 =	vnsel vm2, $0x0, v15;
	vm5 =	vgt.f32 v43, v24;
	vm10 =	vgt.f32 v12, v13  }
0x6e: {  	v24 =	vsel vm5, v43, v24;
	v3 =	vnsel vm7, $0x0, v17;
	v14 =	vsel vm10, $0x40E00000, v36  }
0x6f: {  	v7 =	vnsel vm9, $0x0, v17;
	vm7 =	veq.f32 v16, $4.000000000e+00;
	vm14 =	veq.f32 v14, $0.0e+00  }
0x70: {  	vm13 =	veq.f32 v14, $1.000000000e+00;
	vm15 =	veq.f32 v14, $2.000000000e+00;
	v10 =	vnsel vm7, $0x0, v17  }
0x71: {  	v1 =	vadd.f32 v3, v1;
	v5 =	vsel vm13, $0xFFFFFFFF, v37;
	v18 =	vsel vm14, $0xF149F2CA, v30  }
0x72: {  	v6 =	vsel vm13, $0xF149F2CA, v31;
	v19 =	vsel vm15, $0xFFFFFFFF, v19;
	v38 =	vsel vm15, $0xF149F2CA, v32  }
0x73: {  	vm13 =	veq.f32 v14, $4.000000000e+00;
	vm15 =	veq.f32 v14, $5.000000000e+00;
	v32 =	vimm.s32 $0x0  }
0x74: {  	v37 =	vimm.s32 $0x0;
	[tilespmem:$0x1FE90] =	vst v5;
	v5 =	vnsel vm11, $0x0, v17;
	vm8 =	vgt.f32 v6, v18  }
0x75: {  	vm11 =	veq.f32 v14, $3.000000000e+00;
	v8 =	vsel vm13, $0xFFFFFFFF, v41;
	v42 =	vsel vm13, $0xF149F2CA, v34  }
0x76: {  	v22 =	vsel vm15, $0xFFFFFFFF, v22;
	v44 =	vsel vm15, $0xF149F2CA, v35;
	vm13 =	veq.f32 v16, $5.000000000e+00  }
0x77: {  	v34 =	vimm.s32 $0x0;
	[tilespmem:$0x400] =	vst v1;
	v1 =	vadd.f32 v7, v4;
	v18 =	vsel vm8, v6, v18  }
0x78: {  	v6 =	vsel vm11, $0xFFFFFFFF, v39;
	v40 =	vsel vm11, $0xF149F2CA, v33;
	vm9 =	vgt.f32 v38, v18  }
0x79: {  	[tilespmem:$0x1FEC0] =	vst v8;
	v8 =	vnsel vm12, $0x0, v17;
	vm11 =	veq.f32 v14, $6.000000000e+00;
	v18 =	vsel vm9, v38, v18  }
0x7a: {  	vm12 =	veq.f32 v14, $7.000000000e+00;
	[tilespmem:$0x1FEB0] =	vst v6;
	v6 =	vnsel vm3, $0x0, v15;
	vm3 =	vgt.f32 v40, v18  }
0x7b: {  	v29 =	vsel vm8, $0x3F800000, v0;
	v2 =	vadd.f32 v5, v2;
	v18 =	vsel vm3, v40, v18  }
0x7c: {  	v23 =	vsel vm11, $0xFFFFFFFF, v23;
	v11 =	vsel vm11, $0xF149F2CA, v11;
	vm2 =	vgt.f32 v42, v18  }
0x7d: {  	v45 =	vld [tilespmem:$0x1A0];
	v14 =	vsel vm12, $0xFFFFFFFF, v47;
	v49 =	vsel vm12, $0xF149F2CA, v12;
	v18 =	vsel vm2, v42, v18  }
0x7e: {  	v31 =	vld [tilespmem:$0x1FE80];
	v12 =	vsel vm10, v12, v13;
	[tilespmem:$0x500] =	vst v1;
	v1 =	vadd.f32 v10, v9;
	vm6 =	vgt.f32 v44, v18  }
0x7f: {  	v46 =	vld [tilespmem:$0x220];
	v29 =	vsel vm9, $0x40000000, v29;
	[tilespmem:$0x480] =	vst v2;
	v2 =	vadd.f32 v8, v6;
	v18 =	vsel vm6, v44, v18  }
0x80: {  	v29 =	vsel vm3, $0x40400000, v29;
	v40 =	vimm.s32 $0x0;
	vm11 =	vgt.f32 v11, v18  }
0x81: {  	v29 =	vsel vm2, $0x40800000, v29;
	v42 =	vimm.s32 $0x0;
	v48 =	vsel vm11, v11, v18  }
0x82: {  	v25 =	vld [tilespmem:$0x2A0];
	v11 =	vnsel vm4, $0x0, v15;
	vm4 =	vgt.f32 v45, v24;
	vm12 =	vgt.f32 v49, v48  }
0x83: {  	v51 =	vld [tilespmem:$0x320];
	v52 =	vsel vm4, v45, v24;
	v24 =	vsel vm5, $0x40000000, v53;
	vm5 =	vnez.u8 v31  }
0x84: {  	v28 =	vld [tilespmem:$0x30];
	v50 =	vsel vm12, v49, v48;
	vm15 =	vgt.f32 v46, v52;
	v24 =	vsel vm4, $0x40400000, v24  }
0x85: {  	v30 =	vld [tilespmem:$0xB0];
	v48 =	vsel vm6, $0x40A00000, v29;
	v13 =	vsub.f32 v50, v12;
	v12 =	vnsel vm13, $0x0, v17  }
0x86: {  	[tilespmem:$0x1FEF0] =	vst v14;
	v14 =	vsel vm15, v46, v52;
	vm13 =	veq.f32 v16, $6.000000000e+00;
	v24 =	vsel vm15, $0x40800000, v24  }
0x87: {  	v27 =	vld [tilespmem:$0x3A0];
	v49 =	vsel vm11, $0x40C00000, v48;
	v50 =	vimm.s32 $0x0;
	vm10 =	vgt.f32 v25, v14  }
0x88: {  	v57 =	vld [tilespmem:$0x130];
	[tilespmem:$0x580] =	vst v2;
	v2 =	vadd.f32 v12, v11;
	v26 =	vmul.f32 $1.442695020e+00, v13;
	v13 =	vnsel vm1, $0x0, v15  }
0x89: {  	v54 =	vsel vm10, v25, v14;
	v14 =	vnsel vm13, $0x0, v17;
	v24 =	vsel vm10, $0x40A00000, v24  }
0x8a: {  	v62 =	vld [tilespmem:$0x1B0];
	v15 =	vnsel vm5, $0x0, v15;
	vm10 =	vgt.f32 v30, v28;
	vm15 =	vgt.f32 v51, v54  }
0x8b: {  	[tilespmem:$0x600] =	vst v1;
	v59 =	vsel vm10, v30, v28;
	v33 =	vsel vm10, $0x3F800000, v0;
	v1 =	vadd.f32 v14, v13  }
0x8c: {  	(erf) = vpow2.f32 v26;
	v26 =	vsel vm15, v51, v54;
	v24 =	vsel vm15, $0x40C00000, v24  }
0x8d: {  	vm5 =	vgt.f32 v57, v59;
	v54 =	vimm.s32 $0x0;
	vm4 =	vgt.f32 v27, v26  }
0x8e: {  	[tilespmem:$0x1FED0] =	vst v22;
	v22 =	vsel vm5, v57, v59;
	v33 =	vsel vm5, $0x40000000, v33;
	v59 =	vimm.s32 $0x0  }
0x8f: {  	v24 =	vsel vm4, $0x40E00000, v24;
	v26 =	vsel vm4, v27, v26;
	vm0 =	vgt.f32 v62, v22  }
0x90: {  	vm7 =	veq.f32 v24, $0.0e+00;
	vm8 =	veq.f32 v24, $1.000000000e+00;
	vm9 =	veq.f32 v24, $2.000000000e+00  }
0x91: {  	vm15 =	veq.f32 v24, $3.000000000e+00;
	vm4 =	veq.f32 v24, $4.000000000e+00;
	v22 =	vsel vm0, v62, v22  }
0x92: {  	v31 =	vsel vm7, $0xFFFFFFFF, v55;
	v20 =	vsel vm7, $0xF149F2CA, v20;
	v21 =	vsel vm8, $0xF149F2CA, v21  }
0x93: {  	v32 =	vsel vm9, $0xFFFFFFFF, v32;
	v58 =	vsel vm9, $0xF149F2CA, v43;
	v34 =	vsel vm15, $0xFFFFFFFF, v34  }
0x94: {  	v36 =	vld [tilespmem:$0x230];
	[tilespmem:$0x1FEA0] =	vst v19;
	v61 =	vsel vm15, $0xF149F2CA, v45;
	v19 =	vsel vm4, $0xF149F2CA, v46;
	vm9 =	veq.f32 v24, $6.000000000e+00  }
0x95: {  	vm15 =	veq.f32 v24, $7.000000000e+00;
	v45 =	vsel vm0, $0x40400000, v33;
	[tilespmem:$0x1FF00] =	vst v31;
	v31 =	vsel vm8, $0xFFFFFFFF, v56  }
0x96: {  	v39 =	vld [tilespmem:$0x2B0];
	vm13 =	vgt.f32 v21, v20;
	[tilespmem:$0x1FF30] =	vst v34;
	v34 =	vsel vm4, $0xFFFFFFFF, v63;
	vm8 =	veq.f32 v24, $5.000000000e+00  }
0x97: {  	v18 =	vsel vm9, $0xF149F2CA, v51;
	v24 =	vsel vm15, $0xFFFFFFFF, v42;
	v20 =	vsel vm13, v21, v20  }
0x98: {  	v43 =	vsel vm15, $0xF149F2CA, v27;
	[tilespmem:$0x1FF40] =	vst v34;
	v34 =	vsel vm8, $0xFFFFFFFF, v37;
	vm10 =	vgt.f32 v58, v20  }
0x99: {  	v41 =	vld [tilespmem:$0x330];
	v38 =	vsel vm8, $0xF149F2CA, v25;
	vm8 =	vgt.f32 v36, v22;
	v20 =	vsel vm10, v58, v20  }
0x9a: {  	v51 =	vimm.s32 $0x0;
	v22 =	vsel vm8, v36, v22;
	vm7 =	vgt.f32 v61, v20  }
0x9b: {  	v37 =	vimm.s32 $0x0;
	vm15 =	vgt.f32 v39, v22;
	v20 =	vsel vm7, v61, v20  }
0x9c: {  	v27 =	vsel vm8, $0x40800000, v45;
	v60 =	vpop (erf);
	v46 =	vsel vm15, v39, v22;
	vm5 =	vgt.f32 v19, v20  }
0x9d: {  	[tilespmem:$0x1FF20] =	vst v32;
	v47 =	vsel vm15, $0x40A00000, v27;
	v32 =	vadd.f32 $1.000000000e+00, v60;
	v19 =	vsel vm5, v19, v20  }
0x9e: {  	v44 =	vld [tilespmem:$0x3B0];
	vm8 =	vgt.f32 v41, v46;
	v60 =	vimm.s32 $0x0;
	vm4 =	vgt.f32 v38, v19  }
0x9f: {  	v22 =	vsel vm8, $0x40C00000, v47;
	(erf) = vrcp.f32 v32;
	v19 =	vsel vm4, v38, v19  }
0xa0: {  	v32 =	vsel vm9, $0xFFFFFFFF, v40;
	vm9 =	veq.f32 v16, $7.000000000e+00;
	vm3 =	vgt.f32 v18, v19  }
0xa1: {  	v16 =	vnsel vm9, $0x0, v17;
	v17 =	vsel vm12, $0x40E00000, v49;
	v18 =	vsel vm3, v18, v19  }
0xa2: {  	vm11 =	veq.f32 v17, $0.0e+00;
	v19 =	vsel vm8, v41, v46;
	vm2 =	vgt.f32 v43, v18  }
0xa3: {  	vm0 =	veq.f32 v17, $1.000000000e+00;
	vm1 =	vgt.f32 v44, v19;
	v18 =	vsel vm2, v43, v18  }
0xa4: {  	[tilespmem:$0x680] =	vst v2;
	v2 =	vadd.f32 v16, v15;
	v22 =	vsel vm1, $0x40E00000, v22;
	v18 =	vsub.f32 v18, v26  }
0xa5: {  	v58 =	vld [tilespmem:$0x1FE90];
	v19 =	vsel vm1, v44, v19;
	v43 =	vsel vm13, $0x3F800000, v0;
	vm15 =	veq.f32 v22, $0.0e+00  }
0xa6: {  	vm8 =	veq.f32 v22, $1.000000000e+00;
	vm9 =	veq.f32 v22, $2.000000000e+00;
	v18 =	vmul.f32 $1.442695020e+00, v18  }
0xa7: {  	vm6 =	veq.f32 v22, $5.000000000e+00;
	v52 =	vsel vm15, $0xF149F2CA, v28;
	v53 =	vsel vm8, $0xF149F2CA, v30  }
0xa8: {  	v29 =	vsel vm9, $0xFFFFFFFF, v54;
	(erf) = vpow2.f32 v18;
	v18 =	vsel vm15, $0xFFFFFFFF, v50  }
0xa9: {  	v56 =	vsel vm9, $0xF149F2CA, v57;
	v57 =	vimm.s32 $0x0;
	[tilespmem:$0x1FF80] =	vst v18;
	v18 =	vsel vm8, $0xFFFFFFFF, v51  }
0xaa: {  	vm9 =	vnez.u8 v58;
	v63 =	vsel vm6, $0xF149F2CA, v39;
	vm15 =	vgt.f32 v53, v52  }
0xab: {  	[tilespmem:$0x1FEE0] =	vst v23;
	v39 =	vimm.s32 $0x0;
	v26 =	vsel vm15, v53, v52;
	vm8 =	veq.f32 v22, $3.000000000e+00  }
0xac: {  	[tilespmem:$0x1FF90] =	vst v18;
	v30 =	vsel vm8, $0xFFFFFFFF, v57;
	v23 =	vsel vm8, $0xF149F2CA, v62;
	vm8 =	veq.f32 v22, $6.000000000e+00;
	v18 =	vpop (erf)  }
0xad: {  	v61 =	vld [tilespmem:$0x1FEA0];
	v28 =	vnsel vm14, $0x0, v18;
	v55 =	vsub.f32 $1.000000000e+00, v18;
	vm14 =	vgt.f32 v56, v26  }
0xae: {  	[tilespmem:$0x1FF60] =	vst v32;
	v32 =	vsel vm8, $0xFFFFFFFF, v37;
	v20 =	vsel vm8, $0xF149F2CA, v41;
	v26 =	vsel vm14, v56, v26  }
0xaf: {  	[tilespmem:$0x1FFB0] =	vst v30;
	v30 =	vnsel vm11, $0x0, v55;
	vm12 =	vgt.f32 v23, v26;
	vm11 =	veq.f32 v22, $4.000000000e+00  }
0xb0: {  	vm8 =	veq.f32 v22, $7.000000000e+00;
	v23 =	vsel vm12, v23, v26;
	v21 =	vsel vm11, $0xF149F2CA, v36  }
0xb1: {  	[tilespmem:$0x1FF10] =	vst v31;
	v41 =	vld [tilespmem:$0x1FEB0];
	v27 =	vnsel vm9, $0x0, v18;
	v31 =	vsel vm11, $0xFFFFFFFF, v59;
	vm11 =	vgt.f32 v21, v23  }
0xb2: {  	vm9 =	vnez.u8 v61;
	[tilespmem:$0x1FFC0] =	vst v31;
	v31 =	vsel vm6, $0xFFFFFFFF, v60;
	v21 =	vsel vm11, v21, v23  }
0xb3: {  	v40 =	vsel vm8, $0xF149F2CA, v44;
	[tilespmem:$0x1FFD0] =	vst v31;
	v31 =	vnsel vm9, $0x0, v18;
	vm9 =	vgt.f32 v63, v21  }
0xb4: {  	v22 =	vsel vm8, $0xFFFFFFFF, v39;
	v39 =	vsel vm15, $0x3F800000, v0;
	v21 =	vsel vm9, v63, v21  }
0xb5: {  	v44 =	vld [tilespmem:$0x1FEC0];
	v26 =	vnsel vm0, $0x0, v55;
	vm0 =	veq.f32 v17, $2.000000000e+00;
	vm6 =	vgt.f32 v20, v21  }
0xb6: {  	[tilespmem:$0x700] =	vst v1;
	vm8 =	vnez.u8 v41;
	v1 =	vadd.f32 v30, v28;
	v20 =	vsel vm6, v20, v21  }
0xb7: {  	v48 =	vld [tilespmem:$0x1FEE0];
	[tilespmem:$0x1FFF0] =	vst v22;
	v62 =	vpop (erf);
	v38 =	vnsel vm0, $0x0, v55;
	v22 =	vnsel vm8, $0x0, v18;
	vm8 =	vgt.f32 v40, v20  }
0xb8: {  	v46 =	vld [tilespmem:$0x1FED0];
	vm0 =	veq.f32 v17, $3.000000000e+00;
	v36 =	vadd.f32 $1.000000000e+00, v62;
	v20 =	vsel vm8, v40, v20  }
0xb9: {  	v35 =	vld [tilespmem:$0x1FF00];
	v42 =	vnsel vm0, $0x0, v55;
	vm0 =	veq.f32 v17, $4.000000000e+00;
	v19 =	vsub.f32 v20, v19  }
0xba: {  	[tilespmem:$0x780] =	vst v2;
	v51 =	vld [tilespmem:$0x1FEF0];
	vm13 =	vnez.u8 v44;
	v2 =	vadd.f32 v26, v27;
	v45 =	vnsel vm0, $0x0, v55  }
0xbb: {  	[tilespmem:$0x410] =	vst v1;
	v1 =	vadd.f32 v38, v31;
	(erf) = vrcp.f32 v36;
	v19 =	vmul.f32 $1.442695020e+00, v19  }
0xbc: {  	[tilespmem:$0x490] =	vst v2;
	v2 =	vadd.f32 v42, v22;
	v21 =	vsel vm10, $0x40000000, v43;
	vm10 =	vnez.u8 v48  }
0xbd: {  	[tilespmem:$0x1FF50] =	vst v34;
	v21 =	vsel vm7, $0x40400000, v21;
	vm7 =	vnez.u8 v46;
	(erf) = vpow2.f32 v19  }
0xbe: {  	v57 =	vld [tilespmem:$0x1FF20];
	[tilespmem:$0x1FFE0] =	vst v32;
	v34 =	vnsel vm10, $0x0, v18;
	vm10 =	vnez.u8 v35;
	v32 =	vnsel vm7, $0x0, v18  }
0xbf: {  	v21 =	vsel vm5, $0x40800000, v21;
	vm5 =	veq.f32 v17, $7.000000000e+00;
	vm7 =	vnez.u8 v51  }
0xc0: {  	[tilespmem:$0x1FF70] =	vst v24;
	v40 =	vsel vm14, $0x40000000, v39;
	v20 =	vnsel vm13, $0x0, v18;
	vm13 =	veq.f32 v17, $5.000000000e+00  }
0xc1: {  	v62 =	vld [tilespmem:$0x1FF40];
	[tilespmem:$0x510] =	vst v1;
	v49 =	vsel vm4, $0x40A00000, v21;
	v47 =	vnsel vm13, $0x0, v55;
	v1 =	vadd.f32 v45, v20  }
0xc2: {  	[tilespmem:$0x590] =	vst v2;
	v52 =	vnsel vm5, $0x0, v55;
	vm13 =	veq.f32 v17, $6.000000000e+00;
	v2 =	vadd.f32 v47, v32  }
0xc3: {  	v38 =	vld [tilespmem:$0x1FF70];
	v17 =	vnsel vm7, $0x0, v18;
	vm7 =	vnez.u8 v57;
	v50 =	vnsel vm13, $0x0, v55;
	[tilespmem:$0x610] =	vst v1  }
0xc4: {  	v55 =	vld [tilespmem:$0x1FF10];
	v1 =	vadd.f32 v50, v34;
	v19 =	vsel vm3, $0x40C00000, v49;
	v53 =	vpop (erf);
	[tilespmem:$0x690] =	vst v2;
	v2 =	vadd.f32 v52, v17  }
0xc5: {  	v59 =	vld [tilespmem:$0x1FF30];
	v19 =	vsel vm2, $0x40E00000, v19;
	v3 =	vsub.f32 $1.000000000e+00, v53;
	v35 =	vnsel vm10, $0x0, v53  }
0xc6: {  	v6 =	vnsel vm7, $0x0, v53;
	vm7 =	vnez.u8 v62;
	vm13 =	veq.f32 v19, $0.0e+00;
	v61 =	vpop (erf)  }
0xc7: {  	v28 =	vld [tilespmem:$0x1FF50];
	vm4 =	veq.f32 v19, $1.000000000e+00;
	vm10 =	veq.f32 v19, $2.000000000e+00;
	v11 =	vadd.f32 $1.000000000e+00, v61  }
0xc8: {  	v36 =	vld [tilespmem:$0x1FF60];
	v12 =	vnsel vm7, $0x0, v53;
	vm7 =	vnez.u8 v38;
	v54 =	vnsel vm13, $0x0, v3  }
0xc9: {  	vm5 =	vnez.u8 v55;
	v56 =	vnsel vm4, $0x0, v3;
	(erf) = vrcp.f32 v11  }
0xca: {  	v58 =	vnsel vm10, $0x0, v3;
	vm13 =	veq.f32 v19, $3.000000000e+00;
	vm4 =	vnez.u8 v59  }
0xcb: {  	v50 =	vld [tilespmem:$0x1FF90];
	vm10 =	veq.f32 v19, $5.000000000e+00;
	v22 =	vnsel vm7, $0x0, v53;
	v4 =	vnsel vm5, $0x0, v53  }
0xcc: {  	v9 =	vnsel vm4, $0x0, v53;
	v60 =	vnsel vm13, $0x0, v3;
	vm5 =	veq.f32 v19, $4.000000000e+00  }
0xcd: {  	vm13 =	vnez.u8 v28;
	v30 =	vnsel vm10, $0x0, v3;
	vm4 =	vnez.u8 v36  }
0xce: {  	vm10 =	veq.f32 v19, $7.000000000e+00;
	v5 =	vadd.f32 v54, v35;
	v42 =	vadd.f32 v58, v6  }
0xcf: {  	v49 =	vld [tilespmem:$0x1FF80];
	v63 =	vnsel vm5, $0x0, v3;
	vm5 =	veq.f32 v19, $6.000000000e+00;
	v19 =	vsel vm12, $0x40400000, v40  }
0xd0: {  	[tilespmem:$0x710] =	vst v1;
	vm15 =	vnez.u8 v50;
	v15 =	vnsel vm4, $0x0, v53;
	v41 =	vsel vm11, $0x40800000, v19  }
0xd1: {  	[tilespmem:$0x790] =	vst v2;
	v55 =	vld [tilespmem:$0x1FFB0];
	v1 =	vadd.f32 v56, v4;
	v2 =	vadd.f32 v60, v9;
	v43 =	vsel vm9, $0x40A00000, v41  }
0xd2: {  	[tilespmem:$0x1FFA0] =	vst v29;
	v59 =	vld [tilespmem:$0x1FFD0];
	v37 =	vnsel vm5, $0x0, v3;
	v3 =	vnsel vm10, $0x0, v3;
	v6 =	vsel vm6, $0x40C00000, v43;
	v47 =	vpop (erf)  }
0xd3: {  	[tilespmem:$0x4A0] =	vst v1;
	v1 =	vadd.f32 v3, v22;
	v3 =	vsel vm8, $0x40E00000, v6;
	v48 =	vsub.f32 $1.000000000e+00, v47  }
0xd4: {  	vm12 =	vnez.u8 v49;
	v11 =	vnsel vm13, $0x0, v53;
	vm13 =	veq.f32 v3, $0.0e+00;
	v53 =	vld [tilespmem:$0x1FFA0]  }
0xd5: {  	v44 =	vadd.f32 v63, v12;
	[tilespmem:$0x5A0] =	vst v2;
	v4 =	vnsel vm12, $0x0, v47;
	v2 =	vnsel vm13, $0x0, v48  }
0xd6: {  	v46 =	vadd.f32 v37, v15;
	vm7 =	vnez.u8 v55;
	v2 =	vadd.f32 v2, v4  }
0xd7: {  	[tilespmem:$0x420] =	vst v5;
	vm11 =	vnez.u8 v59;
	vm14 =	veq.f32 v3, $1.000000000e+00;
	vm5 =	veq.f32 v3, $2.000000000e+00  }
0xd8: {  	vm6 =	veq.f32 v3, $3.000000000e+00;
	vm9 =	veq.f32 v3, $4.000000000e+00;
	vm10 =	veq.f32 v3, $5.000000000e+00;
	[tilespmem:$0x430] =	vst v2;
	v2 =	vld [tilespmem:$0x1FFC0]  }
0xd9: {  	[tilespmem:$0x520] =	vst v42;
	v45 =	vadd.f32 v30, v11;
	vm4 =	vnez.u8 v53;
	v10 =	vnsel vm15, $0x0, v47  }
0xda: {  	[tilespmem:$0x620] =	vst v44;
	v61 =	vld [tilespmem:$0x1FFE0];
	v5 =	vnsel vm4, $0x0, v47;
	v8 =	vnsel vm7, $0x0, v47;
	v7 =	vnsel vm11, $0x0, v47  }
0xdb: {  	[tilespmem:$0x720] =	vst v46;
	vm12 =	veq.f32 v3, $6.000000000e+00;
	v51 =	vnsel vm14, $0x0, v48;
	vm14 =	veq.f32 v3, $7.000000000e+00;
	v3 =	vld [tilespmem:$0x1FFF0]  }
0xdc: {  	[tilespmem:$0x7A0] =	vst v1;
	v54 =	vnsel vm5, $0x0, v48;
	v56 =	vnsel vm6, $0x0, v48;
	v52 =	vadd.f32 v51, v10  }
0xdd: {  	[tilespmem:$0x6A0] =	vst v45;
	v58 =	vnsel vm9, $0x0, v48;
	v1 =	vadd.f32 v54, v5;
	vm8 =	vnez.u8 v2  }
0xde: {  	v60 =	vnsel vm10, $0x0, v48;
	v57 =	vadd.f32 v56, v8;
	[tilespmem:$0x4B0] =	vst v52;
	v2 =	vnsel vm8, $0x0, v47  }
0xdf: {  	vm13 =	vnez.u8 v61;
	v62 =	vnsel vm12, $0x0, v48;
	[tilespmem:$0x530] =	vst v1;
	v1 =	vadd.f32 v58, v2  }
0xe0: {  	v4 =	vnsel vm13, $0x0, v47;
	[tilespmem:$0x5B0] =	vst v57;
	vm15 =	vnez.u8 v3;
	v2 =	vadd.f32 v60, v7  }
0xe1: {  	v63 =	vnsel vm14, $0x0, v48;
	v3 =	vnsel vm15, $0x0, v47;
	[tilespmem:$0x630] =	vst v1;
	v1 =	vadd.f32 v62, v4  }
0xe2: {  	[tilespmem:$0x6B0] =	vst v2;
	v2 =	vadd.f32 v63, v3  }
0xe3: {  	[tilespmem:$0x730] =	vst v1  }
0xe4: {  	[tilespmem:$0x7B0] =	vst v2  }
0xe5: {  	[hbm4b:s7+s1] =	stream.linear.scatter [tilespmem:s24], [sflag:$0x1], $0x40, $0x38;
	[tilespmem:$0x800] =	vst v63  }
0xe6: {  	_ =	swait.ge [sflag:s16], $0x40  }
0xe7: {  	[sflag:s16] =	ssyncset.done $0x0  }
0xe8: {  	[sflag:s16] =	ssyncadd.s32 $0xFFFFFFC0  }
0xe9: {  	[hbm4b:s8+s1] =	stream.linear.scatter [tilespmem:s25], [sflag:$0x1], $0x40, $0x38;
	[tilespmem:$0x800] =	vst v63  }
0xea: {  	_ =	swait.ge [sflag:s16], $0x40  }
0xeb: {  	[sflag:s16] =	ssyncset.done $0x0  }
0xec: {  	[sflag:s16] =	ssyncadd.s32 $0xFFFFFFC0  }
0xed: {  	[hbm4b:s9+s1] =	stream.linear.scatter [tilespmem:s26], [sflag:$0x1], $0x40, $0x38;
	[tilespmem:$0x800] =	vst v63  }
0xee: {  	_ =	swait.ge [sflag:s16], $0x40  }
0xef: {  	[sflag:s16] =	ssyncset.done $0x0  }
0xf0: {  	[sflag:s16] =	ssyncadd.s32 $0xFFFFFFC0  }
0xf1: {  	[hbm4b:s10+s1] =	stream.linear.scatter [tilespmem:s28], [sflag:$0x1], $0x40, $0x38;
	[tilespmem:$0x800] =	vst v63  }
0xf2: {  	_ =	swait.ge [sflag:s16], $0x40  }
0xf3: {  	[sflag:s16] =	ssyncset.done $0x0  }
0xf4: {  	[sflag:s16] =	ssyncadd.s32 $0xFFFFFFC0  }
0xf5: {  	[hbm4b:s11+s1] =	stream.linear.scatter [tilespmem:s29], [sflag:$0x1], $0x40, $0x38;
	[tilespmem:$0x800] =	vst v63  }
0xf6: {  	_ =	swait.ge [sflag:s16], $0x40  }
0xf7: {  	[sflag:s16] =	ssyncset.done $0x0  }
0xf8: {  	[sflag:s16] =	ssyncadd.s32 $0xFFFFFFC0  }
0xf9: {  	[hbm4b:s12+s1] =	stream.linear.scatter [tilespmem:s30], [sflag:$0x1], $0x40, $0x38;
	[tilespmem:$0x800] =	vst v63  }
0xfa: {  	_ =	swait.ge [sflag:s16], $0x40  }
0xfb: {  	[sflag:s16] =	ssyncset.done $0x0  }
0xfc: {  	[sflag:s16] =	ssyncadd.s32 $0xFFFFFFC0  }
0xfd: {  	[hbm4b:s13+s1] =	stream.linear.scatter [tilespmem:s31], [sflag:$0x1], $0x40, $0x38;
	[tilespmem:$0x800] =	vst v63  }
0xfe: {  	_ =	swait.ge [sflag:s16], $0x40  }
0xff: {  	p0 =	sne.s32 s15, $0x1;
	[sflag:s16] =	ssyncset.done $0x0  }
.Ltmp0:
0x100: {  	[sflag:s16] =	ssyncadd.s32 $0xFFFFFFC0;
	(pc) =	sbr.rel @p0 .LBB2_1-.Ltmp0, $4  }
0x101: {  	[hbm4b:s14+s1] =	stream.linear.scatter [tilespmem:s0], [sflag:$0x1], $0x40, $0x38;
	[tilespmem:$0x800] =	vst v63  }
0x102: {  	_ =	swait.ge [sflag:s16], $0x40  }
0x103: {  	[sflag:s16] =	ssyncset.done $0x0  }
0x104: {  	s15 =	sadd.s32 $0xFFFFFFFF, s15;
	[sflag:s16] =	ssyncadd.s32 $0xFFFFFFC0  }
0x105: {  	_ =	sfence.sel $0x180000  }
0x106: {  	[bflag:$0x0] =	sbarrier.arrive $0xFFFF  }
0x107: {  	_ =	strace $0x90000047  }
0x108: {  	s0 =	stileid.u32;
	[bflag:$0x2] =	sbarrier.arrive $0xFFFF  }
0x109: {  	p0 =	sne.s32 s0, $0x0;
	s0 =	rddreg [dreg:$0x1]  }
0x10a: {  	s0 =	sadd.s32 @!p0 $0x100000, s0  }
0x10b: {  	[sflag:s0] =	ssyncadd.tile.s32 @!p0 $0x1;
	_ =	shalt  }
.Lfunc_end2:
_tile_overlayer_lowered:
.L_overlay_start_2:
0x10c: {  	(tag) =	ssettag $0x2  }
0x10d: {  	s0 =	rddreg [dreg:$0x0];
	s2 =	stileid.u32  }
0x10e: {  	s1 =	rddreg [dreg:$0x1];
	p0 =	sne.s32 s2, $0x0  }
0x10f: {  	s3 =	rddreg [dreg:$0x2];
	[bflag:$0x3] =	sbarrier.arrive $0xFFFF;
	s2 =	simm.s32 @!p0 $0x1C01  }
0x110: {  	[timem:s3], [sflag:s2] =	dma.local @!p0 [hbm:s0], s1  }
0x111: {  	s0 =	simm.s32 @!p0 $0x1  }
0x112: {  	_ =	swait.ge @!p0 [sflag:s0], s1  }
0x113: {  	s1 =	ssub.s32 @!p0 $0x0, s1;
	[sflag:s0] =	ssyncset.done @!p0 $0x0  }
0x114: {  	[sflag:s0] =	ssyncadd.s32 @!p0 s1  }
0x115: {  	[bflag:$0x3] =	sbarrier.arrive $0xFFFF  }
0x116: {  	_ =	shalt  }

</sc_bundles>
